<compile_context>
chip_gen: v7x
topology: tpu7x:2x2x1
jax: 0.10.2.dev20260603
libtpu: 0.0.44.dev20260713+nightly
codegen_flags: <defaults>
</compile_context>

<pallas_src>
import functools
import jax
import jax.numpy as jnp
from jax import lax
from jax.experimental import pallas as pl
from jax.experimental.pallas import tpu as pltpu
from jax.experimental.pallas import tpu_sc as plsc

_N = 4096
_D = 128
_K = 10
_BLK = 256
_THRESH = 0.5
_EPS = 1e-8

_NC = 2
_NS = 16
_NW = _NC * _NS
_RPW = _N // _NW
_RG = 8
_NG = _RPW // _RG
_NCHUNK = _N // 16


def _dist_body(pn_blk_ref, pn_full_ref, dist_ref):
    i = pl.program_id(0)
    sim = lax.dot_general(pn_blk_ref[...], pn_full_ref[...],
                          (((1,), (1,)), ((), ())),
                          preferred_element_type=jnp.float32)
    d = 1.0 - sim
    col = lax.broadcasted_iota(jnp.int32, (_BLK, _N), 1)
    rowg = i * _BLK + lax.broadcasted_iota(jnp.int32, (_BLK, _N), 0)
    dist_ref[...] = jnp.where(col == rowg, jnp.inf, d)


def _compute_dist(pn):
    return pl.pallas_call(
        _dist_body,
        grid=(_N // _BLK,),
        in_specs=[
            pl.BlockSpec((_BLK, _D), lambda i: (i, 0)),
            pl.BlockSpec((_N, _D), lambda i: (0, 0)),
        ],
        out_specs=pl.BlockSpec((_BLK, _N), lambda i: (i, 0)),
        out_shape=jax.ShapeDtypeStruct((_N, _N), jnp.float32),
        compiler_params=pltpu.CompilerParams(
            dimension_semantics=("arbitrary",)),
    )(pn, pn)


_mesh = plsc.VectorSubcoreMesh(core_axis_name="c", subcore_axis_name="s")


@functools.partial(
    pl.kernel,
    mesh=_mesh,
    compiler_params=pltpu.CompilerParams(needs_layout_passes=False),
    out_type=[
        jax.ShapeDtypeStruct((_N, 16), jnp.float32),
        jax.ShapeDtypeStruct((_N, 16), jnp.int32),
    ],
    scratch_types=[
        pltpu.VMEM((_RG, _N), jnp.float32),
        pltpu.VMEM((_RG, _N), jnp.float32),
        pltpu.VMEM((_N + 16,), jnp.float32),
        pltpu.VMEM((_N + 16,), jnp.int32),
        pltpu.VMEM((64 + 16,), jnp.int32),
        pltpu.VMEM((_RPW, 16), jnp.float32),
        pltpu.VMEM((_RPW, 16), jnp.int32),
        pltpu.SemaphoreType.DMA,
        pltpu.SemaphoreType.DMA,
    ],
)
def _sc_topk(dist_hbm, outv_hbm, outi_hbm,
             rows_a, rows_b, cand_v, cidx_v, hitg_v, outv_v, outi_v,
             sem_a, sem_b):
    wid = lax.axis_index("s") * _NC + lax.axis_index("c")
    base = wid * _RPW
    lane = lax.iota(jnp.int32, 16)
    inf16 = jnp.full((16,), jnp.inf, jnp.float32)

    def process_group(g, rows_v):
        def row_body(rr, _):
            rr_v = jnp.broadcast_to(rr, (16,))
            lane64 = lane * 64
            us = []
            for b in range(4):
                cb = lane64 + b * 1024

                def gfold(jj, accs, cb=cb):
                    j0 = jj * 4
                    gs = [plsc.load_gather(
                        rows_v, [rr_v, cb + ((j0 + q + lane) & 63)])
                        for q in range(4)]
                    return tuple(jnp.minimum(a, g)
                                 for a, g in zip(accs, gs))
                a0, a1, a2, a3 = lax.fori_loop(
                    0, 16, gfold, (inf16, inf16, inf16, inf16), unroll=4)
                us.append(jnp.minimum(jnp.minimum(a0, a1),
                                      jnp.minimum(a2, a3)))
            m2 = jnp.minimum(jnp.minimum(us[0], us[1]),
                             jnp.minimum(us[2], us[3]))
            asort, _s = plsc.sort_key_val(m2, lane)
            t = lax.reduce_max(
                jnp.where(lane < _K, asort, -jnp.inf), axes=(0,))
            t_vec = jnp.broadcast_to(t, (16,))

            ho = jnp.int32(0)
            for b in range(4):
                mb = us[b] <= t_vec
                cntb = plsc.all_reduce_population_count(mb)[0]

                @pl.when(cntb > 0)
                def _(b=b, ho=ho, mb=mb):
                    plsc.store_compressed(
                        hitg_v.at[pl.ds(ho, 16)], lane + b * 16, mask=mb)
                ho = ho + cntb

            def collect(i, o):
                g = plsc.load_gather(hitg_v, [jnp.broadcast_to(i, (16,))])[0]
                vs = [rows_v[rr, pl.ds(g * 64 + q * 16, 16)]
                      for q in range(4)]
                ms = [v <= t_vec for v in vs]
                pcs = [plsc.all_reduce_population_count(m) for m in ms]
                offs = o
                for q in range(4):
                    plsc.store_compressed(
                        cand_v.at[pl.ds(offs, 16)], vs[q], mask=ms[q])
                    plsc.store_compressed(
                        cidx_v.at[pl.ds(offs, 16)],
                        lane + (g * 4 + q) * 16, mask=ms[q])
                    offs = offs + pcs[q][0]
                return offs
            o = lax.fori_loop(0, ho, collect, jnp.int32(0))
            cand_v[pl.ds(o, 16)] = inf16

            cv, ci = plsc.sort_key_val(cand_v[pl.ds(0, 16)],
                                       cidx_v[pl.ds(0, 16)])
            nb = (o + 15) // 16

            def merge(b, carry):
                mcv, mci = carry
                sv, si = plsc.sort_key_val(cand_v[pl.ds(b * 16, 16)],
                                           cidx_v[pl.ds(b * 16, 16)])
                rcv = lax.rev(mcv, (0,))
                rci = lax.rev(mci, (0,))
                sel = sv < rcv
                mv = jnp.where(sel, sv, rcv)
                mi = jnp.where(sel, si, rci)
                nv, ni = plsc.sort_key_val(mv, mi)
                return (nv, ni)
            cv, ci = lax.fori_loop(1, nb, merge, (cv, ci))

            r = g * _RG + rr
            outv_v[r] = cv
            outi_v[r] = ci
            return 0
        lax.fori_loop(0, _RG, row_body, 0)

    pltpu.async_copy(dist_hbm.at[pl.ds(base, _RG)], rows_a, sem_a)

    def pair_body(go, _):
        ga = go * 2
        gb = go * 2 + 1
        pltpu.make_async_copy(dist_hbm.at[pl.ds(base + ga * _RG, _RG)],
                              rows_a, sem_a).wait()
        pltpu.async_copy(dist_hbm.at[pl.ds(base + gb * _RG, _RG)],
                         rows_b, sem_b)
        process_group(ga, rows_a)
        pltpu.make_async_copy(dist_hbm.at[pl.ds(base + gb * _RG, _RG)],
                              rows_b, sem_b).wait()

        @pl.when(go + 1 < _NG // 2)
        def _():
            pltpu.async_copy(
                dist_hbm.at[pl.ds(base + (gb + 1) * _RG, _RG)],
                rows_a, sem_a)
        process_group(gb, rows_b)
        return 0
    lax.fori_loop(0, _NG // 2, pair_body, 0)

    pltpu.sync_copy(outv_v, outv_hbm.at[pl.ds(base, _RPW)])
    pltpu.sync_copy(outi_v, outi_hbm.at[pl.ds(base, _RPW)])


def kernel(props, k):
    del k
    norms = jnp.linalg.norm(props, axis=-1, keepdims=True)
    pn = props / jnp.maximum(norms, _EPS)
    dist = _compute_dist(pn)
    outv, outi = _sc_topk(dist)
    vals = outv[:, :_K]
    idxs = outi[:, :_K]
    mask = vals < _THRESH
    return vals, idxs, mask

# --- scband reference (transcript-rebuilt; emitter-appended) ---
"""Pipeline reference for scband-gnnmodel-with-new-loss-7026566496956 (READ-ONLY COPY).

The authoritative reference and input builder live on the scoring server;
editing this copy changes nothing except your own understanding.
"""

import jax, jax.numpy as jnp
import numpy as np


def setup_inputs(seed: int = 0) -> dict:
    key = jax.random.key(seed)
    props = jax.random.normal(key, (4096, 128), dtype=jnp.float32)
    return {"props": props, "k": 10}


def reference(props, k):
    # Faithful port of GNNModelWithNewLoss.get_knn_positive_pairs:
    #   sim = cosine_similarity(props[i], props[j]) for all pairs
    #   dist = 1 - sim; diagonal -> inf; top-k smallest; threshold mask
    threshold = 0.5
    eps = 1e-8
    # F.cosine_similarity clamps norms at eps
    norms = jnp.linalg.norm(props, axis=-1, keepdims=True)
    pn = props / jnp.maximum(norms, eps)
    sim = pn @ pn.T                      # [n, n] pairwise cosine similarity
    dist = 1.0 - sim                     # [n, n] cosine distance
    n = props.shape[0]
    diag = jnp.arange(n)
    dist = dist.at[diag, diag].set(jnp.inf)  # fill_diagonal_(inf)
    # torch.topk(..., largest=False) == top_k of negated distances
    k_static = 10
    neg_topk_vals, topk_idx = jax.lax.top_k(-dist, k_static)
    topk_idx = topk_idx + (k - k_static) * 0
    topk_dist = -neg_topk_vals           # [n, k] smallest distances
    mask = topk_dist < threshold         # [n, k] valid positive-pair mask
    # (pos_i, pos_j) in the torch code are (row_idx[mask], topk_idx[mask]);
    # we return the dense (topk_dist, topk_idx, mask) triple, which carries
    # the identical information with static shapes for jit.
    return topk_dist, topk_idx, mask

if __name__ == "__main__":
    import jax
    _d = setup_inputs()
    print(jax.jit(kernel)(*tuple(_d.values())))

</pallas_src>

<mosaic_0001>
#map = affine_map<(d0, d1) -> (0, 0)>
module attributes {stable_mosaic.version = 14 : i64} {
  func.func @_sc_topk(%arg0: i32, %arg1: i32, %arg2: memref<4096x4096xf32, #tpu.memory_space<hbm>>, %arg3: memref<4096x16xf32, #tpu.memory_space<hbm>>, %arg4: memref<4096x16xi32, #tpu.memory_space<hbm>>, %arg5: memref<8x4096xf32, #tpu.memory_space<vmem>>, %arg6: memref<8x4096xf32, #tpu.memory_space<vmem>>, %arg7: memref<4112xf32, #tpu.memory_space<vmem>>, %arg8: memref<4112xi32, #tpu.memory_space<vmem>>, %arg9: memref<80xi32, #tpu.memory_space<vmem>>, %arg10: memref<128x16xf32, #tpu.memory_space<vmem>>, %arg11: memref<128x16xi32, #tpu.memory_space<vmem>>, %arg12: memref<!tpu.dma_semaphore, #tpu.memory_space<semaphore_mem>>, %arg13: memref<!tpu.dma_semaphore, #tpu.memory_space<semaphore_mem>>) attributes {dimension_semantics = [#tpu.dimension_semantics<core_parallel>, #tpu.dimension_semantics<subcore_parallel>], iteration_bounds = array<i64: 2, 16>, scalar_prefetch = 0 : i64, scratch_operands = 9 : i64, tpu.core_type = #tpu.core_type<sc_vector_subcore>, window_params = [{transform_indices = #map}, {transform_indices = #map}, {transform_indices = #map}]} {
    %mul3A = arith.constant 2 : i32
    %mul3A_0 = arith.muli %arg1, %mul3A : i32
    %add3A = arith.addi %mul3A_0, %arg0 : i32
    %mul3A_1 = arith.constant 128 : i32
    %mul3A_2 = arith.muli %add3A, %mul3A_1 : i32
    %iota3A = tpu.iota {dimensions = array<i32: 0>} : vector<16xi32>
    %broadcast_in_dim3A = arith.constant 0x7F800000 : f32
    %broadcast_in_dim3A_3 = vector.broadcast %broadcast_in_dim3A : f32 to vector<16xf32>
    %dma_start3A = arith.constant 0 : i32
    %dma_start3A_4 = tpu.memref_slice %arg2[%mul3A_2, %dma_start3A] : memref<4096x4096xf32, #tpu.memory_space<hbm>> -> memref<8x4096xf32, #tpu.memory_space<hbm>>
    %dma_start3A_5 = arith.constant 0 : i32
    %dma_start3A_6 = tpu.memref_slice %arg2[%mul3A_2, %dma_start3A_5] : memref<4096x4096xf32, #tpu.memory_space<hbm>> -> memref<8x4096xf32, #tpu.memory_space<hbm>>
    tpu.enqueue_dma source(%dma_start3A_6 : memref<8x4096xf32, #tpu.memory_space<hbm>>) target(%arg5 : memref<8x4096xf32, #tpu.memory_space<vmem>>) target_semaphore(%arg12 : memref<!tpu.dma_semaphore, #tpu.memory_space<semaphore_mem>>)
    %scan3A = arith.constant 0 : i32
    %scan3A_7 = arith.constant 0 : i32
    %scan3A_8 = arith.constant 8 : i32
    %scan3A_9 = arith.addi %scan3A_7, %scan3A_8 : i32
    %scan3A_10 = arith.constant 1 : i32
    %scan3A_11 = scf.for %scan3A_13 = %scan3A_7 to %scan3A_9 step %scan3A_10 iter_args(%scan3A_14 = %scan3A) -> (i32)  : i32 {
      %mul3A_15 = arith.constant 2 : i32
      %mul3A_16 = arith.muli %scan3A_13, %mul3A_15 : i32
      %mul3A_17 = arith.constant 2 : i32
      %mul3A_18 = arith.muli %scan3A_13, %mul3A_17 : i32
      %add3A_19 = arith.constant 1 : i32
      %add3A_20 = arith.addi %mul3A_18, %add3A_19 : i32
      %mul3A_21 = arith.constant 8 : i32
      %mul3A_22 = arith.muli %mul3A_16, %mul3A_21 : i32
      %add3A_23 = arith.addi %mul3A_2, %mul3A_22 : i32
      %dma_wait3A = arith.constant 0 : i32
      %dma_wait3A_24 = tpu.memref_slice %arg2[%add3A_23, %dma_wait3A] : memref<4096x4096xf32, #tpu.memory_space<hbm>> -> memref<8x4096xf32, #tpu.memory_space<hbm>>
      %dma_wait3A_25 = arith.constant 0 : i32
      %dma_wait3A_26 = tpu.memref_slice %arg2[%add3A_23, %dma_wait3A_25] : memref<4096x4096xf32, #tpu.memory_space<hbm>> -> memref<8x4096xf32, #tpu.memory_space<hbm>>
      tpu.wait_dma2 semaphore(%arg12 : memref<!tpu.dma_semaphore, #tpu.memory_space<semaphore_mem>>) src(%dma_wait3A_26 : memref<8x4096xf32, #tpu.memory_space<hbm>>) dst(%arg5 : memref<8x4096xf32, #tpu.memory_space<vmem>>)
      %mul3A_27 = arith.constant 8 : i32
      %mul3A_28 = arith.muli %add3A_20, %mul3A_27 : i32
      %add3A_29 = arith.addi %mul3A_2, %mul3A_28 : i32
      %dma_start3A_30 = arith.constant 0 : i32
      %dma_start3A_31 = tpu.memref_slice %arg2[%add3A_29, %dma_start3A_30] : memref<4096x4096xf32, #tpu.memory_space<hbm>> -> memref<8x4096xf32, #tpu.memory_space<hbm>>
      %dma_start3A_32 = arith.constant 0 : i32
      %dma_start3A_33 = tpu.memref_slice %arg2[%add3A_29, %dma_start3A_32] : memref<4096x4096xf32, #tpu.memory_space<hbm>> -> memref<8x4096xf32, #tpu.memory_space<hbm>>
      tpu.enqueue_dma source(%dma_start3A_33 : memref<8x4096xf32, #tpu.memory_space<hbm>>) target(%arg6 : memref<8x4096xf32, #tpu.memory_space<vmem>>) target_semaphore(%arg13 : memref<!tpu.dma_semaphore, #tpu.memory_space<semaphore_mem>>)
      %scan3A_34 = arith.constant 0 : i32
      %scan3A_35 = arith.constant 0 : i32
      %scan3A_36 = arith.constant 8 : i32
      %scan3A_37 = arith.addi %scan3A_35, %scan3A_36 : i32
      %scan3A_38 = arith.constant 1 : i32
      %scan3A_39 = scf.for %scan3A_60 = %scan3A_35 to %scan3A_37 step %scan3A_38 iter_args(%scan3A_61 = %scan3A_34) -> (i32)  : i32 {
        %broadcast_in_dim3A_62 = vector.broadcast %scan3A_60 : i32 to vector<16xi32>
        %mul3A_63 = arith.constant 64 : i32
        %mul3A_64 = vector.broadcast %mul3A_63 : i32 to vector<16xi32>
        %mul3A_65 = arith.muli %iota3A, %mul3A_64 : vector<16xi32>
        %add3A_66 = arith.constant 0 : i32
        %add3A_67 = vector.broadcast %add3A_66 : i32 to vector<16xi32>
        %add3A_68 = arith.addi %mul3A_65, %add3A_67 : vector<16xi32>
        %scan3A_69 = arith.constant 0 : i32
        %scan3A_70 = arith.constant 16 : i32
        %scan3A_71 = arith.addi %scan3A_69, %scan3A_70 : i32
        %scan3A_72 = arith.constant 4 : i32
        %scan3A_73:4 = scf.for %scan3A_224 = %scan3A_69 to %scan3A_71 step %scan3A_72 iter_args(%scan3A_225 = %broadcast_in_dim3A_3, %scan3A_226 = %broadcast_in_dim3A_3, %scan3A_227 = %broadcast_in_dim3A_3, %scan3A_228 = %broadcast_in_dim3A_3) -> (vector<16xf32>, vector<16xf32>, vector<16xf32>, vector<16xf32>)  : i32 {
          %mul3A_229 = arith.constant 4 : i32
          %mul3A_230 = arith.muli %scan3A_224, %mul3A_229 : i32
          %add3A_231 = arith.constant 0 : i32
          %add3A_232 = arith.addi %mul3A_230, %add3A_231 : i32
          %add3A_233 = vector.broadcast %add3A_232 : i32 to vector<16xi32>
          %add3A_234 = arith.addi %add3A_233, %iota3A : vector<16xi32>
          %and3A_235 = arith.constant 63 : i32
          %and3A_236 = vector.broadcast %and3A_235 : i32 to vector<16xi32>
          %and3A_237 = arith.andi %add3A_234, %and3A_236 : vector<16xi32>
          %add3A_238 = arith.addi %add3A_68, %and3A_237 : vector<16xi32>
          %gather3A = tpu.vector_load_idx %arg5[%broadcast_in_dim3A_62, %add3A_238] : memref<8x4096xf32, #tpu.memory_space<vmem>>[vector<16xi32>, vector<16xi32>], vector<16xf32>,
          %add3A_239 = arith.constant 1 : i32
          %add3A_240 = arith.addi %mul3A_230, %add3A_239 : i32
          %add3A_241 = vector.broadcast %add3A_240 : i32 to vector<16xi32>
          %add3A_242 = arith.addi %add3A_241, %iota3A : vector<16xi32>
          %and3A_243 = arith.constant 63 : i32
          %and3A_244 = vector.broadcast %and3A_243 : i32 to vector<16xi32>
          %and3A_245 = arith.andi %add3A_242, %and3A_244 : vector<16xi32>
          %add3A_246 = arith.addi %add3A_68, %and3A_245 : vector<16xi32>
          %gather3A_247 = tpu.vector_load_idx %arg5[%broadcast_in_dim3A_62, %add3A_246] : memref<8x4096xf32, #tpu.memory_space<vmem>>[vector<16xi32>, vector<16xi32>], vector<16xf32>,
          %add3A_248 = arith.constant 2 : i32
          %add3A_249 = arith.addi %mul3A_230, %add3A_248 : i32
          %add3A_250 = vector.broadcast %add3A_249 : i32 to vector<16xi32>
          %add3A_251 = arith.addi %add3A_250, %iota3A : vector<16xi32>
          %and3A_252 = arith.constant 63 : i32
          %and3A_253 = vector.broadcast %and3A_252 : i32 to vector<16xi32>
          %and3A_254 = arith.andi %add3A_251, %and3A_253 : vector<16xi32>
          %add3A_255 = arith.addi %add3A_68, %and3A_254 : vector<16xi32>
          %gather3A_256 = tpu.vector_load_idx %arg5[%broadcast_in_dim3A_62, %add3A_255] : memref<8x4096xf32, #tpu.memory_space<vmem>>[vector<16xi32>, vector<16xi32>], vector<16xf32>,
          %add3A_257 = arith.constant 3 : i32
          %add3A_258 = arith.addi %mul3A_230, %add3A_257 : i32
          %add3A_259 = vector.broadcast %add3A_258 : i32 to vector<16xi32>
          %add3A_260 = arith.addi %add3A_259, %iota3A : vector<16xi32>
          %and3A_261 = arith.constant 63 : i32
          %and3A_262 = vector.broadcast %and3A_261 : i32 to vector<16xi32>
          %and3A_263 = arith.andi %add3A_260, %and3A_262 : vector<16xi32>
          %add3A_264 = arith.addi %add3A_68, %and3A_263 : vector<16xi32>
          %gather3A_265 = tpu.vector_load_idx %arg5[%broadcast_in_dim3A_62, %add3A_264] : memref<8x4096xf32, #tpu.memory_space<vmem>>[vector<16xi32>, vector<16xi32>], vector<16xf32>,
          %min3A_266 = arith.minimumf %scan3A_225, %gather3A : vector<16xf32>
          %min3A_267 = arith.minimumf %scan3A_226, %gather3A_247 : vector<16xf32>
          %min3A_268 = arith.minimumf %scan3A_227, %gather3A_256 : vector<16xf32>
          %min3A_269 = arith.minimumf %scan3A_228, %gather3A_265 : vector<16xf32>
          %scan3A_270 = arith.constant 1 : i32
          %scan3A_271 = arith.addi %scan3A_224, %scan3A_270 : i32
          %mul3A_272 = arith.constant 4 : i32
          %mul3A_273 = arith.muli %scan3A_271, %mul3A_272 : i32
          %add3A_274 = arith.constant 0 : i32
          %add3A_275 = arith.addi %mul3A_273, %add3A_274 : i32
          %add3A_276 = vector.broadcast %add3A_275 : i32 to vector<16xi32>
          %add3A_277 = arith.addi %add3A_276, %iota3A : vector<16xi32>
          %and3A_278 = arith.constant 63 : i32
          %and3A_279 = vector.broadcast %and3A_278 : i32 to vector<16xi32>
          %and3A_280 = arith.andi %add3A_277, %and3A_279 : vector<16xi32>
          %add3A_281 = arith.addi %add3A_68, %and3A_280 : vector<16xi32>
          %gather3A_282 = tpu.vector_load_idx %arg5[%broadcast_in_dim3A_62, %add3A_281] : memref<8x4096xf32, #tpu.memory_space<vmem>>[vector<16xi32>, vector<16xi32>], vector<16xf32>,
          %add3A_283 = arith.constant 1 : i32
          %add3A_284 = arith.addi %mul3A_273, %add3A_283 : i32
          %add3A_285 = vector.broadcast %add3A_284 : i32 to vector<16xi32>
          %add3A_286 = arith.addi %add3A_285, %iota3A : vector<16xi32>
          %and3A_287 = arith.constant 63 : i32
          %and3A_288 = vector.broadcast %and3A_287 : i32 to vector<16xi32>
          %and3A_289 = arith.andi %add3A_286, %and3A_288 : vector<16xi32>
          %add3A_290 = arith.addi %add3A_68, %and3A_289 : vector<16xi32>
          %gather3A_291 = tpu.vector_load_idx %arg5[%broadcast_in_dim3A_62, %add3A_290] : memref<8x4096xf32, #tpu.memory_space<vmem>>[vector<16xi32>, vector<16xi32>], vector<16xf32>,
          %add3A_292 = arith.constant 2 : i32
          %add3A_293 = arith.addi %mul3A_273, %add3A_292 : i32
          %add3A_294 = vector.broadcast %add3A_293 : i32 to vector<16xi32>
          %add3A_295 = arith.addi %add3A_294, %iota3A : vector<16xi32>
          %and3A_296 = arith.constant 63 : i32
          %and3A_297 = vector.broadcast %and3A_296 : i32 to vector<16xi32>
          %and3A_298 = arith.andi %add3A_295, %and3A_297 : vector<16xi32>
          %add3A_299 = arith.addi %add3A_68, %and3A_298 : vector<16xi32>
          %gather3A_300 = tpu.vector_load_idx %arg5[%broadcast_in_dim3A_62, %add3A_299] : memref<8x4096xf32, #tpu.memory_space<vmem>>[vector<16xi32>, vector<16xi32>], vector<16xf32>,
          %add3A_301 = arith.constant 3 : i32
          %add3A_302 = arith.addi %mul3A_273, %add3A_301 : i32
          %add3A_303 = vector.broadcast %add3A_302 : i32 to vector<16xi32>
          %add3A_304 = arith.addi %add3A_303, %iota3A : vector<16xi32>
          %and3A_305 = arith.constant 63 : i32
          %and3A_306 = vector.broadcast %and3A_305 : i32 to vector<16xi32>
          %and3A_307 = arith.andi %add3A_304, %and3A_306 : vector<16xi32>
          %add3A_308 = arith.addi %add3A_68, %and3A_307 : vector<16xi32>
          %gather3A_309 = tpu.vector_load_idx %arg5[%broadcast_in_dim3A_62, %add3A_308] : memref<8x4096xf32, #tpu.memory_space<vmem>>[vector<16xi32>, vector<16xi32>], vector<16xf32>,
          %min3A_310 = arith.minimumf %min3A_266, %gather3A_282 : vector<16xf32>
          %min3A_311 = arith.minimumf %min3A_267, %gather3A_291 : vector<16xf32>
          %min3A_312 = arith.minimumf %min3A_268, %gather3A_300 : vector<16xf32>
          %min3A_313 = arith.minimumf %min3A_269, %gather3A_309 : vector<16xf32>
          %scan3A_314 = arith.constant 2 : i32
          %scan3A_315 = arith.addi %scan3A_224, %scan3A_314 : i32
          %mul3A_316 = arith.constant 4 : i32
          %mul3A_317 = arith.muli %scan3A_315, %mul3A_316 : i32
          %add3A_318 = arith.constant 0 : i32
          %add3A_319 = arith.addi %mul3A_317, %add3A_318 : i32
          %add3A_320 = vector.broadcast %add3A_319 : i32 to vector<16xi32>
          %add3A_321 = arith.addi %add3A_320, %iota3A : vector<16xi32>
          %and3A_322 = arith.constant 63 : i32
          %and3A_323 = vector.broadcast %and3A_322 : i32 to vector<16xi32>
          %and3A_324 = arith.andi %add3A_321, %and3A_323 : vector<16xi32>
          %add3A_325 = arith.addi %add3A_68, %and3A_324 : vector<16xi32>
          %gather3A_326 = tpu.vector_load_idx %arg5[%broadcast_in_dim3A_62, %add3A_325] : memref<8x4096xf32, #tpu.memory_space<vmem>>[vector<16xi32>, vector<16xi32>], vector<16xf32>,
          %add3A_327 = arith.constant 1 : i32
          %add3A_328 = arith.addi %mul3A_317, %add3A_327 : i32
          %add3A_329 = vector.broadcast %add3A_328 : i32 to vector<16xi32>
          %add3A_330 = arith.addi %add3A_329, %iota3A : vector<16xi32>
          %and3A_331 = arith.constant 63 : i32
          %and3A_332 = vector.broadcast %and3A_331 : i32 to vector<16xi32>
          %and3A_333 = arith.andi %add3A_330, %and3A_332 : vector<16xi32>
          %add3A_334 = arith.addi %add3A_68, %and3A_333 : vector<16xi32>
          %gather3A_335 = tpu.vector_load_idx %arg5[%broadcast_in_dim3A_62, %add3A_334] : memref<8x4096xf32, #tpu.memory_space<vmem>>[vector<16xi32>, vector<16xi32>], vector<16xf32>,
          %add3A_336 = arith.constant 2 : i32
          %add3A_337 = arith.addi %mul3A_317, %add3A_336 : i32
          %add3A_338 = vector.broadcast %add3A_337 : i32 to vector<16xi32>
          %add3A_339 = arith.addi %add3A_338, %iota3A : vector<16xi32>
          %and3A_340 = arith.constant 63 : i32
          %and3A_341 = vector.broadcast %and3A_340 : i32 to vector<16xi32>
          %and3A_342 = arith.andi %add3A_339, %and3A_341 : vector<16xi32>
          %add3A_343 = arith.addi %add3A_68, %and3A_342 : vector<16xi32>
          %gather3A_344 = tpu.vector_load_idx %arg5[%broadcast_in_dim3A_62, %add3A_343] : memref<8x4096xf32, #tpu.memory_space<vmem>>[vector<16xi32>, vector<16xi32>], vector<16xf32>,
          %add3A_345 = arith.constant 3 : i32
          %add3A_346 = arith.addi %mul3A_317, %add3A_345 : i32
          %add3A_347 = vector.broadcast %add3A_346 : i32 to vector<16xi32>
          %add3A_348 = arith.addi %add3A_347, %iota3A : vector<16xi32>
          %and3A_349 = arith.constant 63 : i32
          %and3A_350 = vector.broadcast %and3A_349 : i32 to vector<16xi32>
          %and3A_351 = arith.andi %add3A_348, %and3A_350 : vector<16xi32>
          %add3A_352 = arith.addi %add3A_68, %and3A_351 : vector<16xi32>
          %gather3A_353 = tpu.vector_load_idx %arg5[%broadcast_in_dim3A_62, %add3A_352] : memref<8x4096xf32, #tpu.memory_space<vmem>>[vector<16xi32>, vector<16xi32>], vector<16xf32>,
          %min3A_354 = arith.minimumf %min3A_310, %gather3A_326 : vector<16xf32>
          %min3A_355 = arith.minimumf %min3A_311, %gather3A_335 : vector<16xf32>
          %min3A_356 = arith.minimumf %min3A_312, %gather3A_344 : vector<16xf32>
          %min3A_357 = arith.minimumf %min3A_313, %gather3A_353 : vector<16xf32>
          %scan3A_358 = arith.constant 3 : i32
          %scan3A_359 = arith.addi %scan3A_224, %scan3A_358 : i32
          %mul3A_360 = arith.constant 4 : i32
          %mul3A_361 = arith.muli %scan3A_359, %mul3A_360 : i32
          %add3A_362 = arith.constant 0 : i32
          %add3A_363 = arith.addi %mul3A_361, %add3A_362 : i32
          %add3A_364 = vector.broadcast %add3A_363 : i32 to vector<16xi32>
          %add3A_365 = arith.addi %add3A_364, %iota3A : vector<16xi32>
          %and3A_366 = arith.constant 63 : i32
          %and3A_367 = vector.broadcast %and3A_366 : i32 to vector<16xi32>
          %and3A_368 = arith.andi %add3A_365, %and3A_367 : vector<16xi32>
          %add3A_369 = arith.addi %add3A_68, %and3A_368 : vector<16xi32>
          %gather3A_370 = tpu.vector_load_idx %arg5[%broadcast_in_dim3A_62, %add3A_369] : memref<8x4096xf32, #tpu.memory_space<vmem>>[vector<16xi32>, vector<16xi32>], vector<16xf32>,
          %add3A_371 = arith.constant 1 : i32
          %add3A_372 = arith.addi %mul3A_361, %add3A_371 : i32
          %add3A_373 = vector.broadcast %add3A_372 : i32 to vector<16xi32>
          %add3A_374 = arith.addi %add3A_373, %iota3A : vector<16xi32>
          %and3A_375 = arith.constant 63 : i32
          %and3A_376 = vector.broadcast %and3A_375 : i32 to vector<16xi32>
          %and3A_377 = arith.andi %add3A_374, %and3A_376 : vector<16xi32>
          %add3A_378 = arith.addi %add3A_68, %and3A_377 : vector<16xi32>
          %gather3A_379 = tpu.vector_load_idx %arg5[%broadcast_in_dim3A_62, %add3A_378] : memref<8x4096xf32, #tpu.memory_space<vmem>>[vector<16xi32>, vector<16xi32>], vector<16xf32>,
          %add3A_380 = arith.constant 2 : i32
          %add3A_381 = arith.addi %mul3A_361, %add3A_380 : i32
          %add3A_382 = vector.broadcast %add3A_381 : i32 to vector<16xi32>
          %add3A_383 = arith.addi %add3A_382, %iota3A : vector<16xi32>
          %and3A_384 = arith.constant 63 : i32
          %and3A_385 = vector.broadcast %and3A_384 : i32 to vector<16xi32>
          %and3A_386 = arith.andi %add3A_383, %and3A_385 : vector<16xi32>
          %add3A_387 = arith.addi %add3A_68, %and3A_386 : vector<16xi32>
          %gather3A_388 = tpu.vector_load_idx %arg5[%broadcast_in_dim3A_62, %add3A_387] : memref<8x4096xf32, #tpu.memory_space<vmem>>[vector<16xi32>, vector<16xi32>], vector<16xf32>,
          %add3A_389 = arith.constant 3 : i32
          %add3A_390 = arith.addi %mul3A_361, %add3A_389 : i32
          %add3A_391 = vector.broadcast %add3A_390 : i32 to vector<16xi32>
          %add3A_392 = arith.addi %add3A_391, %iota3A : vector<16xi32>
          %and3A_393 = arith.constant 63 : i32
          %and3A_394 = vector.broadcast %and3A_393 : i32 to vector<16xi32>
          %and3A_395 = arith.andi %add3A_392, %and3A_394 : vector<16xi32>
          %add3A_396 = arith.addi %add3A_68, %and3A_395 : vector<16xi32>
          %gather3A_397 = tpu.vector_load_idx %arg5[%broadcast_in_dim3A_62, %add3A_396] : memref<8x4096xf32, #tpu.memory_space<vmem>>[vector<16xi32>, vector<16xi32>], vector<16xf32>,
          %min3A_398 = arith.minimumf %min3A_354, %gather3A_370 : vector<16xf32>
          %min3A_399 = arith.minimumf %min3A_355, %gather3A_379 : vector<16xf32>
          %min3A_400 = arith.minimumf %min3A_356, %gather3A_388 : vector<16xf32>
          %min3A_401 = arith.minimumf %min3A_357, %gather3A_397 : vector<16xf32>
          scf.yield %min3A_398, %min3A_399, %min3A_400, %min3A_401 : vector<16xf32>, vector<16xf32>, vector<16xf32>, vector<16xf32>
        }
        %scan3A_74 = arith.constant 16 : i32
        %min3A = arith.minimumf %scan3A_73#0, %scan3A_73#1 : vector<16xf32>
        %min3A_75 = arith.minimumf %scan3A_73#2, %scan3A_73#3 : vector<16xf32>
        %min3A_76 = arith.minimumf %min3A, %min3A_75 : vector<16xf32>
        %add3A_77 = arith.constant 1024 : i32
        %add3A_78 = vector.broadcast %add3A_77 : i32 to vector<16xi32>
        %add3A_79 = arith.addi %mul3A_65, %add3A_78 : vector<16xi32>
        %scan3A_80 = arith.constant 0 : i32
        %scan3A_81 = arith.constant 16 : i32
        %scan3A_82 = arith.addi %scan3A_80, %scan3A_81 : i32
        %scan3A_83 = arith.constant 4 : i32
        %scan3A_84:4 = scf.for %scan3A_224 = %scan3A_80 to %scan3A_82 step %scan3A_83 iter_args(%scan3A_225 = %broadcast_in_dim3A_3, %scan3A_226 = %broadcast_in_dim3A_3, %scan3A_227 = %broadcast_in_dim3A_3, %scan3A_228 = %broadcast_in_dim3A_3) -> (vector<16xf32>, vector<16xf32>, vector<16xf32>, vector<16xf32>)  : i32 {
          %mul3A_229 = arith.constant 4 : i32
          %mul3A_230 = arith.muli %scan3A_224, %mul3A_229 : i32
          %add3A_231 = arith.constant 0 : i32
          %add3A_232 = arith.addi %mul3A_230, %add3A_231 : i32
          %add3A_233 = vector.broadcast %add3A_232 : i32 to vector<16xi32>
          %add3A_234 = arith.addi %add3A_233, %iota3A : vector<16xi32>
          %and3A_235 = arith.constant 63 : i32
          %and3A_236 = vector.broadcast %and3A_235 : i32 to vector<16xi32>
          %and3A_237 = arith.andi %add3A_234, %and3A_236 : vector<16xi32>
          %add3A_238 = arith.addi %add3A_79, %and3A_237 : vector<16xi32>
          %gather3A = tpu.vector_load_idx %arg5[%broadcast_in_dim3A_62, %add3A_238] : memref<8x4096xf32, #tpu.memory_space<vmem>>[vector<16xi32>, vector<16xi32>], vector<16xf32>,
          %add3A_239 = arith.constant 1 : i32
          %add3A_240 = arith.addi %mul3A_230, %add3A_239 : i32
          %add3A_241 = vector.broadcast %add3A_240 : i32 to vector<16xi32>
          %add3A_242 = arith.addi %add3A_241, %iota3A : vector<16xi32>
          %and3A_243 = arith.constant 63 : i32
          %and3A_244 = vector.broadcast %and3A_243 : i32 to vector<16xi32>
          %and3A_245 = arith.andi %add3A_242, %and3A_244 : vector<16xi32>
          %add3A_246 = arith.addi %add3A_79, %and3A_245 : vector<16xi32>
          %gather3A_247 = tpu.vector_load_idx %arg5[%broadcast_in_dim3A_62, %add3A_246] : memref<8x4096xf32, #tpu.memory_space<vmem>>[vector<16xi32>, vector<16xi32>], vector<16xf32>,
          %add3A_248 = arith.constant 2 : i32
          %add3A_249 = arith.addi %mul3A_230, %add3A_248 : i32
          %add3A_250 = vector.broadcast %add3A_249 : i32 to vector<16xi32>
          %add3A_251 = arith.addi %add3A_250, %iota3A : vector<16xi32>
          %and3A_252 = arith.constant 63 : i32
          %and3A_253 = vector.broadcast %and3A_252 : i32 to vector<16xi32>
          %and3A_254 = arith.andi %add3A_251, %and3A_253 : vector<16xi32>
          %add3A_255 = arith.addi %add3A_79, %and3A_254 : vector<16xi32>
          %gather3A_256 = tpu.vector_load_idx %arg5[%broadcast_in_dim3A_62, %add3A_255] : memref<8x4096xf32, #tpu.memory_space<vmem>>[vector<16xi32>, vector<16xi32>], vector<16xf32>,
          %add3A_257 = arith.constant 3 : i32
          %add3A_258 = arith.addi %mul3A_230, %add3A_257 : i32
          %add3A_259 = vector.broadcast %add3A_258 : i32 to vector<16xi32>
          %add3A_260 = arith.addi %add3A_259, %iota3A : vector<16xi32>
          %and3A_261 = arith.constant 63 : i32
          %and3A_262 = vector.broadcast %and3A_261 : i32 to vector<16xi32>
          %and3A_263 = arith.andi %add3A_260, %and3A_262 : vector<16xi32>
          %add3A_264 = arith.addi %add3A_79, %and3A_263 : vector<16xi32>
          %gather3A_265 = tpu.vector_load_idx %arg5[%broadcast_in_dim3A_62, %add3A_264] : memref<8x4096xf32, #tpu.memory_space<vmem>>[vector<16xi32>, vector<16xi32>], vector<16xf32>,
          %min3A_266 = arith.minimumf %scan3A_225, %gather3A : vector<16xf32>
          %min3A_267 = arith.minimumf %scan3A_226, %gather3A_247 : vector<16xf32>
          %min3A_268 = arith.minimumf %scan3A_227, %gather3A_256 : vector<16xf32>
          %min3A_269 = arith.minimumf %scan3A_228, %gather3A_265 : vector<16xf32>
          %scan3A_270 = arith.constant 1 : i32
          %scan3A_271 = arith.addi %scan3A_224, %scan3A_270 : i32
          %mul3A_272 = arith.constant 4 : i32
          %mul3A_273 = arith.muli %scan3A_271, %mul3A_272 : i32
          %add3A_274 = arith.constant 0 : i32
          %add3A_275 = arith.addi %mul3A_273, %add3A_274 : i32
          %add3A_276 = vector.broadcast %add3A_275 : i32 to vector<16xi32>
          %add3A_277 = arith.addi %add3A_276, %iota3A : vector<16xi32>
          %and3A_278 = arith.constant 63 : i32
          %and3A_279 = vector.broadcast %and3A_278 : i32 to vector<16xi32>
          %and3A_280 = arith.andi %add3A_277, %and3A_279 : vector<16xi32>
          %add3A_281 = arith.addi %add3A_79, %and3A_280 : vector<16xi32>
          %gather3A_282 = tpu.vector_load_idx %arg5[%broadcast_in_dim3A_62, %add3A_281] : memref<8x4096xf32, #tpu.memory_space<vmem>>[vector<16xi32>, vector<16xi32>], vector<16xf32>,
          %add3A_283 = arith.constant 1 : i32
          %add3A_284 = arith.addi %mul3A_273, %add3A_283 : i32
          %add3A_285 = vector.broadcast %add3A_284 : i32 to vector<16xi32>
          %add3A_286 = arith.addi %add3A_285, %iota3A : vector<16xi32>
          %and3A_287 = arith.constant 63 : i32
          %and3A_288 = vector.broadcast %and3A_287 : i32 to vector<16xi32>
          %and3A_289 = arith.andi %add3A_286, %and3A_288 : vector<16xi32>
          %add3A_290 = arith.addi %add3A_79, %and3A_289 : vector<16xi32>
          %gather3A_291 = tpu.vector_load_idx %arg5[%broadcast_in_dim3A_62, %add3A_290] : memref<8x4096xf32, #tpu.memory_space<vmem>>[vector<16xi32>, vector<16xi32>], vector<16xf32>,
          %add3A_292 = arith.constant 2 : i32
          %add3A_293 = arith.addi %mul3A_273, %add3A_292 : i32
          %add3A_294 = vector.broadcast %add3A_293 : i32 to vector<16xi32>
          %add3A_295 = arith.addi %add3A_294, %iota3A : vector<16xi32>
          %and3A_296 = arith.constant 63 : i32
          %and3A_297 = vector.broadcast %and3A_296 : i32 to vector<16xi32>
          %and3A_298 = arith.andi %add3A_295, %and3A_297 : vector<16xi32>
          %add3A_299 = arith.addi %add3A_79, %and3A_298 : vector<16xi32>
          %gather3A_300 = tpu.vector_load_idx %arg5[%broadcast_in_dim3A_62, %add3A_299] : memref<8x4096xf32, #tpu.memory_space<vmem>>[vector<16xi32>, vector<16xi32>], vector<16xf32>,
          %add3A_301 = arith.constant 3 : i32
          %add3A_302 = arith.addi %mul3A_273, %add3A_301 : i32
          %add3A_303 = vector.broadcast %add3A_302 : i32 to vector<16xi32>
          %add3A_304 = arith.addi %add3A_303, %iota3A : vector<16xi32>
          %and3A_305 = arith.constant 63 : i32
          %and3A_306 = vector.broadcast %and3A_305 : i32 to vector<16xi32>
          %and3A_307 = arith.andi %add3A_304, %and3A_306 : vector<16xi32>
          %add3A_308 = arith.addi %add3A_79, %and3A_307 : vector<16xi32>
          %gather3A_309 = tpu.vector_load_idx %arg5[%broadcast_in_dim3A_62, %add3A_308] : memref<8x4096xf32, #tpu.memory_space<vmem>>[vector<16xi32>, vector<16xi32>], vector<16xf32>,
          %min3A_310 = arith.minimumf %min3A_266, %gather3A_282 : vector<16xf32>
          %min3A_311 = arith.minimumf %min3A_267, %gather3A_291 : vector<16xf32>
          %min3A_312 = arith.minimumf %min3A_268, %gather3A_300 : vector<16xf32>
          %min3A_313 = arith.minimumf %min3A_269, %gather3A_309 : vector<16xf32>
          %scan3A_314 = arith.constant 2 : i32
          %scan3A_315 = arith.addi %scan3A_224, %scan3A_314 : i32
          %mul3A_316 = arith.constant 4 : i32
          %mul3A_317 = arith.muli %scan3A_315, %mul3A_316 : i32
          %add3A_318 = arith.constant 0 : i32
          %add3A_319 = arith.addi %mul3A_317, %add3A_318 : i32
          %add3A_320 = vector.broadcast %add3A_319 : i32 to vector<16xi32>
          %add3A_321 = arith.addi %add3A_320, %iota3A : vector<16xi32>
          %and3A_322 = arith.constant 63 : i32
          %and3A_323 = vector.broadcast %and3A_322 : i32 to vector<16xi32>
          %and3A_324 = arith.andi %add3A_321, %and3A_323 : vector<16xi32>
          %add3A_325 = arith.addi %add3A_79, %and3A_324 : vector<16xi32>
          %gather3A_326 = tpu.vector_load_idx %arg5[%broadcast_in_dim3A_62, %add3A_325] : memref<8x4096xf32, #tpu.memory_space<vmem>>[vector<16xi32>, vector<16xi32>], vector<16xf32>,
          %add3A_327 = arith.constant 1 : i32
          %add3A_328 = arith.addi %mul3A_317, %add3A_327 : i32
          %add3A_329 = vector.broadcast %add3A_328 : i32 to vector<16xi32>
          %add3A_330 = arith.addi %add3A_329, %iota3A : vector<16xi32>
          %and3A_331 = arith.constant 63 : i32
          %and3A_332 = vector.broadcast %and3A_331 : i32 to vector<16xi32>
          %and3A_333 = arith.andi %add3A_330, %and3A_332 : vector<16xi32>
          %add3A_334 = arith.addi %add3A_79, %and3A_333 : vector<16xi32>
          %gather3A_335 = tpu.vector_load_idx %arg5[%broadcast_in_dim3A_62, %add3A_334] : memref<8x4096xf32, #tpu.memory_space<vmem>>[vector<16xi32>, vector<16xi32>], vector<16xf32>,
          %add3A_336 = arith.constant 2 : i32
          %add3A_337 = arith.addi %mul3A_317, %add3A_336 : i32
          %add3A_338 = vector.broadcast %add3A_337 : i32 to vector<16xi32>
          %add3A_339 = arith.addi %add3A_338, %iota3A : vector<16xi32>
          %and3A_340 = arith.constant 63 : i32
          %and3A_341 = vector.broadcast %and3A_340 : i32 to vector<16xi32>
          %and3A_342 = arith.andi %add3A_339, %and3A_341 : vector<16xi32>
          %add3A_343 = arith.addi %add3A_79, %and3A_342 : vector<16xi32>
          %gather3A_344 = tpu.vector_load_idx %arg5[%broadcast_in_dim3A_62, %add3A_343] : memref<8x4096xf32, #tpu.memory_space<vmem>>[vector<16xi32>, vector<16xi32>], vector<16xf32>,
          %add3A_345 = arith.constant 3 : i32
          %add3A_346 = arith.addi %mul3A_317, %add3A_345 : i32
          %add3A_347 = vector.broadcast %add3A_346 : i32 to vector<16xi32>
          %add3A_348 = arith.addi %add3A_347, %iota3A : vector<16xi32>
          %and3A_349 = arith.constant 63 : i32
          %and3A_350 = vector.broadcast %and3A_349 : i32 to vector<16xi32>
          %and3A_351 = arith.andi %add3A_348, %and3A_350 : vector<16xi32>
          %add3A_352 = arith.addi %add3A_79, %and3A_351 : vector<16xi32>
          %gather3A_353 = tpu.vector_load_idx %arg5[%broadcast_in_dim3A_62, %add3A_352] : memref<8x4096xf32, #tpu.memory_space<vmem>>[vector<16xi32>, vector<16xi32>], vector<16xf32>,
          %min3A_354 = arith.minimumf %min3A_310, %gather3A_326 : vector<16xf32>
          %min3A_355 = arith.minimumf %min3A_311, %gather3A_335 : vector<16xf32>
          %min3A_356 = arith.minimumf %min3A_312, %gather3A_344 : vector<16xf32>
          %min3A_357 = arith.minimumf %min3A_313, %gather3A_353 : vector<16xf32>
          %scan3A_358 = arith.constant 3 : i32
          %scan3A_359 = arith.addi %scan3A_224, %scan3A_358 : i32
          %mul3A_360 = arith.constant 4 : i32
          %mul3A_361 = arith.muli %scan3A_359, %mul3A_360 : i32
          %add3A_362 = arith.constant 0 : i32
          %add3A_363 = arith.addi %mul3A_361, %add3A_362 : i32
          %add3A_364 = vector.broadcast %add3A_363 : i32 to vector<16xi32>
          %add3A_365 = arith.addi %add3A_364, %iota3A : vector<16xi32>
          %and3A_366 = arith.constant 63 : i32
          %and3A_367 = vector.broadcast %and3A_366 : i32 to vector<16xi32>
          %and3A_368 = arith.andi %add3A_365, %and3A_367 : vector<16xi32>
          %add3A_369 = arith.addi %add3A_79, %and3A_368 : vector<16xi32>
          %gather3A_370 = tpu.vector_load_idx %arg5[%broadcast_in_dim3A_62, %add3A_369] : memref<8x4096xf32, #tpu.memory_space<vmem>>[vector<16xi32>, vector<16xi32>], vector<16xf32>,
          %add3A_371 = arith.constant 1 : i32
          %add3A_372 = arith.addi %mul3A_361, %add3A_371 : i32
          %add3A_373 = vector.broadcast %add3A_372 : i32 to vector<16xi32>
          %add3A_374 = arith.addi %add3A_373, %iota3A : vector<16xi32>
          %and3A_375 = arith.constant 63 : i32
          %and3A_376 = vector.broadcast %and3A_375 : i32 to vector<16xi32>
          %and3A_377 = arith.andi %add3A_374, %and3A_376 : vector<16xi32>
          %add3A_378 = arith.addi %add3A_79, %and3A_377 : vector<16xi32>
          %gather3A_379 = tpu.vector_load_idx %arg5[%broadcast_in_dim3A_62, %add3A_378] : memref<8x4096xf32, #tpu.memory_space<vmem>>[vector<16xi32>, vector<16xi32>], vector<16xf32>,
          %add3A_380 = arith.constant 2 : i32
          %add3A_381 = arith.addi %mul3A_361, %add3A_380 : i32
          %add3A_382 = vector.broadcast %add3A_381 : i32 to vector<16xi32>
          %add3A_383 = arith.addi %add3A_382, %iota3A : vector<16xi32>
          %and3A_384 = arith.constant 63 : i32
          %and3A_385 = vector.broadcast %and3A_384 : i32 to vector<16xi32>
          %and3A_386 = arith.andi %add3A_383, %and3A_385 : vector<16xi32>
          %add3A_387 = arith.addi %add3A_79, %and3A_386 : vector<16xi32>
          %gather3A_388 = tpu.vector_load_idx %arg5[%broadcast_in_dim3A_62, %add3A_387] : memref<8x4096xf32, #tpu.memory_space<vmem>>[vector<16xi32>, vector<16xi32>], vector<16xf32>,
          %add3A_389 = arith.constant 3 : i32
          %add3A_390 = arith.addi %mul3A_361, %add3A_389 : i32
          %add3A_391 = vector.broadcast %add3A_390 : i32 to vector<16xi32>
          %add3A_392 = arith.addi %add3A_391, %iota3A : vector<16xi32>
          %and3A_393 = arith.constant 63 : i32
          %and3A_394 = vector.broadcast %and3A_393 : i32 to vector<16xi32>
          %and3A_395 = arith.andi %add3A_392, %and3A_394 : vector<16xi32>
          %add3A_396 = arith.addi %add3A_79, %and3A_395 : vector<16xi32>
          %gather3A_397 = tpu.vector_load_idx %arg5[%broadcast_in_dim3A_62, %add3A_396] : memref<8x4096xf32, #tpu.memory_space<vmem>>[vector<16xi32>, vector<16xi32>], vector<16xf32>,
          %min3A_398 = arith.minimumf %min3A_354, %gather3A_370 : vector<16xf32>
          %min3A_399 = arith.minimumf %min3A_355, %gather3A_379 : vector<16xf32>
          %min3A_400 = arith.minimumf %min3A_356, %gather3A_388 : vector<16xf32>
          %min3A_401 = arith.minimumf %min3A_357, %gather3A_397 : vector<16xf32>
          scf.yield %min3A_398, %min3A_399, %min3A_400, %min3A_401 : vector<16xf32>, vector<16xf32>, vector<16xf32>, vector<16xf32>
        }
        %scan3A_85 = arith.constant 16 : i32
        %min3A_86 = arith.minimumf %scan3A_84#0, %scan3A_84#1 : vector<16xf32>
        %min3A_87 = arith.minimumf %scan3A_84#2, %scan3A_84#3 : vector<16xf32>
        %min3A_88 = arith.minimumf %min3A_86, %min3A_87 : vector<16xf32>
        %add3A_89 = arith.constant 2048 : i32
        %add3A_90 = vector.broadcast %add3A_89 : i32 to vector<16xi32>
        %add3A_91 = arith.addi %mul3A_65, %add3A_90 : vector<16xi32>
        %scan3A_92 = arith.constant 0 : i32
        %scan3A_93 = arith.constant 16 : i32
        %scan3A_94 = arith.addi %scan3A_92, %scan3A_93 : i32
        %scan3A_95 = arith.constant 4 : i32
        %scan3A_96:4 = scf.for %scan3A_224 = %scan3A_92 to %scan3A_94 step %scan3A_95 iter_args(%scan3A_225 = %broadcast_in_dim3A_3, %scan3A_226 = %broadcast_in_dim3A_3, %scan3A_227 = %broadcast_in_dim3A_3, %scan3A_228 = %broadcast_in_dim3A_3) -> (vector<16xf32>, vector<16xf32>, vector<16xf32>, vector<16xf32>)  : i32 {
          %mul3A_229 = arith.constant 4 : i32
          %mul3A_230 = arith.muli %scan3A_224, %mul3A_229 : i32
          %add3A_231 = arith.constant 0 : i32
          %add3A_232 = arith.addi %mul3A_230, %add3A_231 : i32
          %add3A_233 = vector.broadcast %add3A_232 : i32 to vector<16xi32>
          %add3A_234 = arith.addi %add3A_233, %iota3A : vector<16xi32>
          %and3A_235 = arith.constant 63 : i32
          %and3A_236 = vector.broadcast %and3A_235 : i32 to vector<16xi32>
          %and3A_237 = arith.andi %add3A_234, %and3A_236 : vector<16xi32>
          %add3A_238 = arith.addi %add3A_91, %and3A_237 : vector<16xi32>
          %gather3A = tpu.vector_load_idx %arg5[%broadcast_in_dim3A_62, %add3A_238] : memref<8x4096xf32, #tpu.memory_space<vmem>>[vector<16xi32>, vector<16xi32>], vector<16xf32>,
          %add3A_239 = arith.constant 1 : i32
          %add3A_240 = arith.addi %mul3A_230, %add3A_239 : i32
          %add3A_241 = vector.broadcast %add3A_240 : i32 to vector<16xi32>
          %add3A_242 = arith.addi %add3A_241, %iota3A : vector<16xi32>
          %and3A_243 = arith.constant 63 : i32
          %and3A_244 = vector.broadcast %and3A_243 : i32 to vector<16xi32>
          %and3A_245 = arith.andi %add3A_242, %and3A_244 : vector<16xi32>
          %add3A_246 = arith.addi %add3A_91, %and3A_245 : vector<16xi32>
          %gather3A_247 = tpu.vector_load_idx %arg5[%broadcast_in_dim3A_62, %add3A_246] : memref<8x4096xf32, #tpu.memory_space<vmem>>[vector<16xi32>, vector<16xi32>], vector<16xf32>,
          %add3A_248 = arith.constant 2 : i32
          %add3A_249 = arith.addi %mul3A_230, %add3A_248 : i32
          %add3A_250 = vector.broadcast %add3A_249 : i32 to vector<16xi32>
          %add3A_251 = arith.addi %add3A_250, %iota3A : vector<16xi32>
          %and3A_252 = arith.constant 63 : i32
          %and3A_253 = vector.broadcast %and3A_252 : i32 to vector<16xi32>
          %and3A_254 = arith.andi %add3A_251, %and3A_253 : vector<16xi32>
          %add3A_255 = arith.addi %add3A_91, %and3A_254 : vector<16xi32>
          %gather3A_256 = tpu.vector_load_idx %arg5[%broadcast_in_dim3A_62, %add3A_255] : memref<8x4096xf32, #tpu.memory_space<vmem>>[vector<16xi32>, vector<16xi32>], vector<16xf32>,
          %add3A_257 = arith.constant 3 : i32
          %add3A_258 = arith.addi %mul3A_230, %add3A_257 : i32
          %add3A_259 = vector.broadcast %add3A_258 : i32 to vector<16xi32>
          %add3A_260 = arith.addi %add3A_259, %iota3A : vector<16xi32>
          %and3A_261 = arith.constant 63 : i32
          %and3A_262 = vector.broadcast %and3A_261 : i32 to vector<16xi32>
          %and3A_263 = arith.andi %add3A_260, %and3A_262 : vector<16xi32>
          %add3A_264 = arith.addi %add3A_91, %and3A_263 : vector<16xi32>
          %gather3A_265 = tpu.vector_load_idx %arg5[%broadcast_in_dim3A_62, %add3A_264] : memref<8x4096xf32, #tpu.memory_space<vmem>>[vector<16xi32>, vector<16xi32>], vector<16xf32>,
          %min3A_266 = arith.minimumf %scan3A_225, %gather3A : vector<16xf32>
          %min3A_267 = arith.minimumf %scan3A_226, %gather3A_247 : vector<16xf32>
          %min3A_268 = arith.minimumf %scan3A_227, %gather3A_256 : vector<16xf32>
          %min3A_269 = arith.minimumf %scan3A_228, %gather3A_265 : vector<16xf32>
          %scan3A_270 = arith.constant 1 : i32
          %scan3A_271 = arith.addi %scan3A_224, %scan3A_270 : i32
          %mul3A_272 = arith.constant 4 : i32
          %mul3A_273 = arith.muli %scan3A_271, %mul3A_272 : i32
          %add3A_274 = arith.constant 0 : i32
          %add3A_275 = arith.addi %mul3A_273, %add3A_274 : i32
          %add3A_276 = vector.broadcast %add3A_275 : i32 to vector<16xi32>
          %add3A_277 = arith.addi %add3A_276, %iota3A : vector<16xi32>
          %and3A_278 = arith.constant 63 : i32
          %and3A_279 = vector.broadcast %and3A_278 : i32 to vector<16xi32>
          %and3A_280 = arith.andi %add3A_277, %and3A_279 : vector<16xi32>
          %add3A_281 = arith.addi %add3A_91, %and3A_280 : vector<16xi32>
          %gather3A_282 = tpu.vector_load_idx %arg5[%broadcast_in_dim3A_62, %add3A_281] : memref<8x4096xf32, #tpu.memory_space<vmem>>[vector<16xi32>, vector<16xi32>], vector<16xf32>,
          %add3A_283 = arith.constant 1 : i32
          %add3A_284 = arith.addi %mul3A_273, %add3A_283 : i32
          %add3A_285 = vector.broadcast %add3A_284 : i32 to vector<16xi32>
          %add3A_286 = arith.addi %add3A_285, %iota3A : vector<16xi32>
          %and3A_287 = arith.constant 63 : i32
          %and3A_288 = vector.broadcast %and3A_287 : i32 to vector<16xi32>
          %and3A_289 = arith.andi %add3A_286, %and3A_288 : vector<16xi32>
          %add3A_290 = arith.addi %add3A_91, %and3A_289 : vector<16xi32>
          %gather3A_291 = tpu.vector_load_idx %arg5[%broadcast_in_dim3A_62, %add3A_290] : memref<8x4096xf32, #tpu.memory_space<vmem>>[vector<16xi32>, vector<16xi32>], vector<16xf32>,
          %add3A_292 = arith.constant 2 : i32
          %add3A_293 = arith.addi %mul3A_273, %add3A_292 : i32
          %add3A_294 = vector.broadcast %add3A_293 : i32 to vector<16xi32>
          %add3A_295 = arith.addi %add3A_294, %iota3A : vector<16xi32>
          %and3A_296 = arith.constant 63 : i32
          %and3A_297 = vector.broadcast %and3A_296 : i32 to vector<16xi32>
          %and3A_298 = arith.andi %add3A_295, %and3A_297 : vector<16xi32>
          %add3A_299 = arith.addi %add3A_91, %and3A_298 : vector<16xi32>
          %gather3A_300 = tpu.vector_load_idx %arg5[%broadcast_in_dim3A_62, %add3A_299] : memref<8x4096xf32, #tpu.memory_space<vmem>>[vector<16xi32>, vector<16xi32>], vector<16xf32>,
          %add3A_301 = arith.constant 3 : i32
          %add3A_302 = arith.addi %mul3A_273, %add3A_301 : i32
          %add3A_303 = vector.broadcast %add3A_302 : i32 to vector<16xi32>
          %add3A_304 = arith.addi %add3A_303, %iota3A : vector<16xi32>
          %and3A_305 = arith.constant 63 : i32
          %and3A_306 = vector.broadcast %and3A_305 : i32 to vector<16xi32>
          %and3A_307 = arith.andi %add3A_304, %and3A_306 : vector<16xi32>
          %add3A_308 = arith.addi %add3A_91, %and3A_307 : vector<16xi32>
          %gather3A_309 = tpu.vector_load_idx %arg5[%broadcast_in_dim3A_62, %add3A_308] : memref<8x4096xf32, #tpu.memory_space<vmem>>[vector<16xi32>, vector<16xi32>], vector<16xf32>,
          %min3A_310 = arith.minimumf %min3A_266, %gather3A_282 : vector<16xf32>
          %min3A_311 = arith.minimumf %min3A_267, %gather3A_291 : vector<16xf32>
          %min3A_312 = arith.minimumf %min3A_268, %gather3A_300 : vector<16xf32>
          %min3A_313 = arith.minimumf %min3A_269, %gather3A_309 : vector<16xf32>
          %scan3A_314 = arith.constant 2 : i32
          %scan3A_315 = arith.addi %scan3A_224, %scan3A_314 : i32
          %mul3A_316 = arith.constant 4 : i32
          %mul3A_317 = arith.muli %scan3A_315, %mul3A_316 : i32
          %add3A_318 = arith.constant 0 : i32
          %add3A_319 = arith.addi %mul3A_317, %add3A_318 : i32
          %add3A_320 = vector.broadcast %add3A_319 : i32 to vector<16xi32>
          %add3A_321 = arith.addi %add3A_320, %iota3A : vector<16xi32>
          %and3A_322 = arith.constant 63 : i32
          %and3A_323 = vector.broadcast %and3A_322 : i32 to vector<16xi32>
          %and3A_324 = arith.andi %add3A_321, %and3A_323 : vector<16xi32>
          %add3A_325 = arith.addi %add3A_91, %and3A_324 : vector<16xi32>
          %gather3A_326 = tpu.vector_load_idx %arg5[%broadcast_in_dim3A_62, %add3A_325] : memref<8x4096xf32, #tpu.memory_space<vmem>>[vector<16xi32>, vector<16xi32>], vector<16xf32>,
          %add3A_327 = arith.constant 1 : i32
          %add3A_328 = arith.addi %mul3A_317, %add3A_327 : i32
          %add3A_329 = vector.broadcast %add3A_328 : i32 to vector<16xi32>
          %add3A_330 = arith.addi %add3A_329, %iota3A : vector<16xi32>
          %and3A_331 = arith.constant 63 : i32
          %and3A_332 = vector.broadcast %and3A_331 : i32 to vector<16xi32>
          %and3A_333 = arith.andi %add3A_330, %and3A_332 : vector<16xi32>
          %add3A_334 = arith.addi %add3A_91, %and3A_333 : vector<16xi32>
          %gather3A_335 = tpu.vector_load_idx %arg5[%broadcast_in_dim3A_62, %add3A_334] : memref<8x4096xf32, #tpu.memory_space<vmem>>[vector<16xi32>, vector<16xi32>], vector<16xf32>,
          %add3A_336 = arith.constant 2 : i32
          %add3A_337 = arith.addi %mul3A_317, %add3A_336 : i32
          %add3A_338 = vector.broadcast %add3A_337 : i32 to vector<16xi32>
          %add3A_339 = arith.addi %add3A_338, %iota3A : vector<16xi32>
          %and3A_340 = arith.constant 63 : i32
          %and3A_341 = vector.broadcast %and3A_340 : i32 to vector<16xi32>
          %and3A_342 = arith.andi %add3A_339, %and3A_341 : vector<16xi32>
          %add3A_343 = arith.addi %add3A_91, %and3A_342 : vector<16xi32>
          %gather3A_344 = tpu.vector_load_idx %arg5[%broadcast_in_dim3A_62, %add3A_343] : memref<8x4096xf32, #tpu.memory_space<vmem>>[vector<16xi32>, vector<16xi32>], vector<16xf32>,
          %add3A_345 = arith.constant 3 : i32
          %add3A_346 = arith.addi %mul3A_317, %add3A_345 : i32
          %add3A_347 = vector.broadcast %add3A_346 : i32 to vector<16xi32>
          %add3A_348 = arith.addi %add3A_347, %iota3A : vector<16xi32>
          %and3A_349 = arith.constant 63 : i32
          %and3A_350 = vector.broadcast %and3A_349 : i32 to vector<16xi32>
          %and3A_351 = arith.andi %add3A_348, %and3A_350 : vector<16xi32>
          %add3A_352 = arith.addi %add3A_91, %and3A_351 : vector<16xi32>
          %gather3A_353 = tpu.vector_load_idx %arg5[%broadcast_in_dim3A_62, %add3A_352] : memref<8x4096xf32, #tpu.memory_space<vmem>>[vector<16xi32>, vector<16xi32>], vector<16xf32>,
          %min3A_354 = arith.minimumf %min3A_310, %gather3A_326 : vector<16xf32>
          %min3A_355 = arith.minimumf %min3A_311, %gather3A_335 : vector<16xf32>
          %min3A_356 = arith.minimumf %min3A_312, %gather3A_344 : vector<16xf32>
          %min3A_357 = arith.minimumf %min3A_313, %gather3A_353 : vector<16xf32>
          %scan3A_358 = arith.constant 3 : i32
          %scan3A_359 = arith.addi %scan3A_224, %scan3A_358 : i32
          %mul3A_360 = arith.constant 4 : i32
          %mul3A_361 = arith.muli %scan3A_359, %mul3A_360 : i32
          %add3A_362 = arith.constant 0 : i32
          %add3A_363 = arith.addi %mul3A_361, %add3A_362 : i32
          %add3A_364 = vector.broadcast %add3A_363 : i32 to vector<16xi32>
          %add3A_365 = arith.addi %add3A_364, %iota3A : vector<16xi32>
          %and3A_366 = arith.constant 63 : i32
          %and3A_367 = vector.broadcast %and3A_366 : i32 to vector<16xi32>
          %and3A_368 = arith.andi %add3A_365, %and3A_367 : vector<16xi32>
          %add3A_369 = arith.addi %add3A_91, %and3A_368 : vector<16xi32>
          %gather3A_370 = tpu.vector_load_idx %arg5[%broadcast_in_dim3A_62, %add3A_369] : memref<8x4096xf32, #tpu.memory_space<vmem>>[vector<16xi32>, vector<16xi32>], vector<16xf32>,
          %add3A_371 = arith.constant 1 : i32
          %add3A_372 = arith.addi %mul3A_361, %add3A_371 : i32
          %add3A_373 = vector.broadcast %add3A_372 : i32 to vector<16xi32>
          %add3A_374 = arith.addi %add3A_373, %iota3A : vector<16xi32>
          %and3A_375 = arith.constant 63 : i32
          %and3A_376 = vector.broadcast %and3A_375 : i32 to vector<16xi32>
          %and3A_377 = arith.andi %add3A_374, %and3A_376 : vector<16xi32>
          %add3A_378 = arith.addi %add3A_91, %and3A_377 : vector<16xi32>
          %gather3A_379 = tpu.vector_load_idx %arg5[%broadcast_in_dim3A_62, %add3A_378] : memref<8x4096xf32, #tpu.memory_space<vmem>>[vector<16xi32>, vector<16xi32>], vector<16xf32>,
          %add3A_380 = arith.constant 2 : i32
          %add3A_381 = arith.addi %mul3A_361, %add3A_380 : i32
          %add3A_382 = vector.broadcast %add3A_381 : i32 to vector<16xi32>
          %add3A_383 = arith.addi %add3A_382, %iota3A : vector<16xi32>
          %and3A_384 = arith.constant 63 : i32
          %and3A_385 = vector.broadcast %and3A_384 : i32 to vector<16xi32>
          %and3A_386 = arith.andi %add3A_383, %and3A_385 : vector<16xi32>
          %add3A_387 = arith.addi %add3A_91, %and3A_386 : vector<16xi32>
          %gather3A_388 = tpu.vector_load_idx %arg5[%broadcast_in_dim3A_62, %add3A_387] : memref<8x4096xf32, #tpu.memory_space<vmem>>[vector<16xi32>, vector<16xi32>], vector<16xf32>,
          %add3A_389 = arith.constant 3 : i32
          %add3A_390 = arith.addi %mul3A_361, %add3A_389 : i32
          %add3A_391 = vector.broadcast %add3A_390 : i32 to vector<16xi32>
          %add3A_392 = arith.addi %add3A_391, %iota3A : vector<16xi32>
          %and3A_393 = arith.constant 63 : i32
          %and3A_394 = vector.broadcast %and3A_393 : i32 to vector<16xi32>
          %and3A_395 = arith.andi %add3A_392, %and3A_394 : vector<16xi32>
          %add3A_396 = arith.addi %add3A_91, %and3A_395 : vector<16xi32>
          %gather3A_397 = tpu.vector_load_idx %arg5[%broadcast_in_dim3A_62, %add3A_396] : memref<8x4096xf32, #tpu.memory_space<vmem>>[vector<16xi32>, vector<16xi32>], vector<16xf32>,
          %min3A_398 = arith.minimumf %min3A_354, %gather3A_370 : vector<16xf32>
          %min3A_399 = arith.minimumf %min3A_355, %gather3A_379 : vector<16xf32>
          %min3A_400 = arith.minimumf %min3A_356, %gather3A_388 : vector<16xf32>
          %min3A_401 = arith.minimumf %min3A_357, %gather3A_397 : vector<16xf32>
          scf.yield %min3A_398, %min3A_399, %min3A_400, %min3A_401 : vector<16xf32>, vector<16xf32>, vector<16xf32>, vector<16xf32>
        }
        %scan3A_97 = arith.constant 16 : i32
        %min3A_98 = arith.minimumf %scan3A_96#0, %scan3A_96#1 : vector<16xf32>
        %min3A_99 = arith.minimumf %scan3A_96#2, %scan3A_96#3 : vector<16xf32>
        %min3A_100 = arith.minimumf %min3A_98, %min3A_99 : vector<16xf32>
        %add3A_101 = arith.constant 3072 : i32
        %add3A_102 = vector.broadcast %add3A_101 : i32 to vector<16xi32>
        %add3A_103 = arith.addi %mul3A_65, %add3A_102 : vector<16xi32>
        %scan3A_104 = arith.constant 0 : i32
        %scan3A_105 = arith.constant 16 : i32
        %scan3A_106 = arith.addi %scan3A_104, %scan3A_105 : i32
        %scan3A_107 = arith.constant 4 : i32
        %scan3A_108:4 = scf.for %scan3A_224 = %scan3A_104 to %scan3A_106 step %scan3A_107 iter_args(%scan3A_225 = %broadcast_in_dim3A_3, %scan3A_226 = %broadcast_in_dim3A_3, %scan3A_227 = %broadcast_in_dim3A_3, %scan3A_228 = %broadcast_in_dim3A_3) -> (vector<16xf32>, vector<16xf32>, vector<16xf32>, vector<16xf32>)  : i32 {
          %mul3A_229 = arith.constant 4 : i32
          %mul3A_230 = arith.muli %scan3A_224, %mul3A_229 : i32
          %add3A_231 = arith.constant 0 : i32
          %add3A_232 = arith.addi %mul3A_230, %add3A_231 : i32
          %add3A_233 = vector.broadcast %add3A_232 : i32 to vector<16xi32>
          %add3A_234 = arith.addi %add3A_233, %iota3A : vector<16xi32>
          %and3A_235 = arith.constant 63 : i32
          %and3A_236 = vector.broadcast %and3A_235 : i32 to vector<16xi32>
          %and3A_237 = arith.andi %add3A_234, %and3A_236 : vector<16xi32>
          %add3A_238 = arith.addi %add3A_103, %and3A_237 : vector<16xi32>
          %gather3A = tpu.vector_load_idx %arg5[%broadcast_in_dim3A_62, %add3A_238] : memref<8x4096xf32, #tpu.memory_space<vmem>>[vector<16xi32>, vector<16xi32>], vector<16xf32>,
          %add3A_239 = arith.constant 1 : i32
          %add3A_240 = arith.addi %mul3A_230, %add3A_239 : i32
          %add3A_241 = vector.broadcast %add3A_240 : i32 to vector<16xi32>
          %add3A_242 = arith.addi %add3A_241, %iota3A : vector<16xi32>
          %and3A_243 = arith.constant 63 : i32
          %and3A_244 = vector.broadcast %and3A_243 : i32 to vector<16xi32>
          %and3A_245 = arith.andi %add3A_242, %and3A_244 : vector<16xi32>
          %add3A_246 = arith.addi %add3A_103, %and3A_245 : vector<16xi32>
          %gather3A_247 = tpu.vector_load_idx %arg5[%broadcast_in_dim3A_62, %add3A_246] : memref<8x4096xf32, #tpu.memory_space<vmem>>[vector<16xi32>, vector<16xi32>], vector<16xf32>,
          %add3A_248 = arith.constant 2 : i32
          %add3A_249 = arith.addi %mul3A_230, %add3A_248 : i32
          %add3A_250 = vector.broadcast %add3A_249 : i32 to vector<16xi32>
          %add3A_251 = arith.addi %add3A_250, %iota3A : vector<16xi32>
          %and3A_252 = arith.constant 63 : i32
          %and3A_253 = vector.broadcast %and3A_252 : i32 to vector<16xi32>
          %and3A_254 = arith.andi %add3A_251, %and3A_253 : vector<16xi32>
          %add3A_255 = arith.addi %add3A_103, %and3A_254 : vector<16xi32>
          %gather3A_256 = tpu.vector_load_idx %arg5[%broadcast_in_dim3A_62, %add3A_255] : memref<8x4096xf32, #tpu.memory_space<vmem>>[vector<16xi32>, vector<16xi32>], vector<16xf32>,
          %add3A_257 = arith.constant 3 : i32
          %add3A_258 = arith.addi %mul3A_230, %add3A_257 : i32
          %add3A_259 = vector.broadcast %add3A_258 : i32 to vector<16xi32>
          %add3A_260 = arith.addi %add3A_259, %iota3A : vector<16xi32>
          %and3A_261 = arith.constant 63 : i32
          %and3A_262 = vector.broadcast %and3A_261 : i32 to vector<16xi32>
          %and3A_263 = arith.andi %add3A_260, %and3A_262 : vector<16xi32>
          %add3A_264 = arith.addi %add3A_103, %and3A_263 : vector<16xi32>
          %gather3A_265 = tpu.vector_load_idx %arg5[%broadcast_in_dim3A_62, %add3A_264] : memref<8x4096xf32, #tpu.memory_space<vmem>>[vector<16xi32>, vector<16xi32>], vector<16xf32>,
          %min3A_266 = arith.minimumf %scan3A_225, %gather3A : vector<16xf32>
          %min3A_267 = arith.minimumf %scan3A_226, %gather3A_247 : vector<16xf32>
          %min3A_268 = arith.minimumf %scan3A_227, %gather3A_256 : vector<16xf32>
          %min3A_269 = arith.minimumf %scan3A_228, %gather3A_265 : vector<16xf32>
          %scan3A_270 = arith.constant 1 : i32
          %scan3A_271 = arith.addi %scan3A_224, %scan3A_270 : i32
          %mul3A_272 = arith.constant 4 : i32
          %mul3A_273 = arith.muli %scan3A_271, %mul3A_272 : i32
          %add3A_274 = arith.constant 0 : i32
          %add3A_275 = arith.addi %mul3A_273, %add3A_274 : i32
          %add3A_276 = vector.broadcast %add3A_275 : i32 to vector<16xi32>
          %add3A_277 = arith.addi %add3A_276, %iota3A : vector<16xi32>
          %and3A_278 = arith.constant 63 : i32
          %and3A_279 = vector.broadcast %and3A_278 : i32 to vector<16xi32>
          %and3A_280 = arith.andi %add3A_277, %and3A_279 : vector<16xi32>
          %add3A_281 = arith.addi %add3A_103, %and3A_280 : vector<16xi32>
          %gather3A_282 = tpu.vector_load_idx %arg5[%broadcast_in_dim3A_62, %add3A_281] : memref<8x4096xf32, #tpu.memory_space<vmem>>[vector<16xi32>, vector<16xi32>], vector<16xf32>,
          %add3A_283 = arith.constant 1 : i32
          %add3A_284 = arith.addi %mul3A_273, %add3A_283 : i32
          %add3A_285 = vector.broadcast %add3A_284 : i32 to vector<16xi32>
          %add3A_286 = arith.addi %add3A_285, %iota3A : vector<16xi32>
          %and3A_287 = arith.constant 63 : i32
          %and3A_288 = vector.broadcast %and3A_287 : i32 to vector<16xi32>
          %and3A_289 = arith.andi %add3A_286, %and3A_288 : vector<16xi32>
          %add3A_290 = arith.addi %add3A_103, %and3A_289 : vector<16xi32>
          %gather3A_291 = tpu.vector_load_idx %arg5[%broadcast_in_dim3A_62, %add3A_290] : memref<8x4096xf32, #tpu.memory_space<vmem>>[vector<16xi32>, vector<16xi32>], vector<16xf32>,
          %add3A_292 = arith.constant 2 : i32
          %add3A_293 = arith.addi %mul3A_273, %add3A_292 : i32
          %add3A_294 = vector.broadcast %add3A_293 : i32 to vector<16xi32>
          %add3A_295 = arith.addi %add3A_294, %iota3A : vector<16xi32>
          %and3A_296 = arith.constant 63 : i32
          %and3A_297 = vector.broadcast %and3A_296 : i32 to vector<16xi32>
          %and3A_298 = arith.andi %add3A_295, %and3A_297 : vector<16xi32>
          %add3A_299 = arith.addi %add3A_103, %and3A_298 : vector<16xi32>
          %gather3A_300 = tpu.vector_load_idx %arg5[%broadcast_in_dim3A_62, %add3A_299] : memref<8x4096xf32, #tpu.memory_space<vmem>>[vector<16xi32>, vector<16xi32>], vector<16xf32>,
          %add3A_301 = arith.constant 3 : i32
          %add3A_302 = arith.addi %mul3A_273, %add3A_301 : i32
          %add3A_303 = vector.broadcast %add3A_302 : i32 to vector<16xi32>
          %add3A_304 = arith.addi %add3A_303, %iota3A : vector<16xi32>
          %and3A_305 = arith.constant 63 : i32
          %and3A_306 = vector.broadcast %and3A_305 : i32 to vector<16xi32>
          %and3A_307 = arith.andi %add3A_304, %and3A_306 : vector<16xi32>
          %add3A_308 = arith.addi %add3A_103, %and3A_307 : vector<16xi32>
          %gather3A_309 = tpu.vector_load_idx %arg5[%broadcast_in_dim3A_62, %add3A_308] : memref<8x4096xf32, #tpu.memory_space<vmem>>[vector<16xi32>, vector<16xi32>], vector<16xf32>,
          %min3A_310 = arith.minimumf %min3A_266, %gather3A_282 : vector<16xf32>
          %min3A_311 = arith.minimumf %min3A_267, %gather3A_291 : vector<16xf32>
          %min3A_312 = arith.minimumf %min3A_268, %gather3A_300 : vector<16xf32>
          %min3A_313 = arith.minimumf %min3A_269, %gather3A_309 : vector<16xf32>
          %scan3A_314 = arith.constant 2 : i32
          %scan3A_315 = arith.addi %scan3A_224, %scan3A_314 : i32
          %mul3A_316 = arith.constant 4 : i32
          %mul3A_317 = arith.muli %scan3A_315, %mul3A_316 : i32
          %add3A_318 = arith.constant 0 : i32
          %add3A_319 = arith.addi %mul3A_317, %add3A_318 : i32
          %add3A_320 = vector.broadcast %add3A_319 : i32 to vector<16xi32>
          %add3A_321 = arith.addi %add3A_320, %iota3A : vector<16xi32>
          %and3A_322 = arith.constant 63 : i32
          %and3A_323 = vector.broadcast %and3A_322 : i32 to vector<16xi32>
          %and3A_324 = arith.andi %add3A_321, %and3A_323 : vector<16xi32>
          %add3A_325 = arith.addi %add3A_103, %and3A_324 : vector<16xi32>
          %gather3A_326 = tpu.vector_load_idx %arg5[%broadcast_in_dim3A_62, %add3A_325] : memref<8x4096xf32, #tpu.memory_space<vmem>>[vector<16xi32>, vector<16xi32>], vector<16xf32>,
          %add3A_327 = arith.constant 1 : i32
          %add3A_328 = arith.addi %mul3A_317, %add3A_327 : i32
          %add3A_329 = vector.broadcast %add3A_328 : i32 to vector<16xi32>
          %add3A_330 = arith.addi %add3A_329, %iota3A : vector<16xi32>
          %and3A_331 = arith.constant 63 : i32
          %and3A_332 = vector.broadcast %and3A_331 : i32 to vector<16xi32>
          %and3A_333 = arith.andi %add3A_330, %and3A_332 : vector<16xi32>
          %add3A_334 = arith.addi %add3A_103, %and3A_333 : vector<16xi32>
          %gather3A_335 = tpu.vector_load_idx %arg5[%broadcast_in_dim3A_62, %add3A_334] : memref<8x4096xf32, #tpu.memory_space<vmem>>[vector<16xi32>, vector<16xi32>], vector<16xf32>,
          %add3A_336 = arith.constant 2 : i32
          %add3A_337 = arith.addi %mul3A_317, %add3A_336 : i32
          %add3A_338 = vector.broadcast %add3A_337 : i32 to vector<16xi32>
          %add3A_339 = arith.addi %add3A_338, %iota3A : vector<16xi32>
          %and3A_340 = arith.constant 63 : i32
          %and3A_341 = vector.broadcast %and3A_340 : i32 to vector<16xi32>
          %and3A_342 = arith.andi %add3A_339, %and3A_341 : vector<16xi32>
          %add3A_343 = arith.addi %add3A_103, %and3A_342 : vector<16xi32>
          %gather3A_344 = tpu.vector_load_idx %arg5[%broadcast_in_dim3A_62, %add3A_343] : memref<8x4096xf32, #tpu.memory_space<vmem>>[vector<16xi32>, vector<16xi32>], vector<16xf32>,
          %add3A_345 = arith.constant 3 : i32
          %add3A_346 = arith.addi %mul3A_317, %add3A_345 : i32
          %add3A_347 = vector.broadcast %add3A_346 : i32 to vector<16xi32>
          %add3A_348 = arith.addi %add3A_347, %iota3A : vector<16xi32>
          %and3A_349 = arith.constant 63 : i32
          %and3A_350 = vector.broadcast %and3A_349 : i32 to vector<16xi32>
          %and3A_351 = arith.andi %add3A_348, %and3A_350 : vector<16xi32>
          %add3A_352 = arith.addi %add3A_103, %and3A_351 : vector<16xi32>
          %gather3A_353 = tpu.vector_load_idx %arg5[%broadcast_in_dim3A_62, %add3A_352] : memref<8x4096xf32, #tpu.memory_space<vmem>>[vector<16xi32>, vector<16xi32>], vector<16xf32>,
          %min3A_354 = arith.minimumf %min3A_310, %gather3A_326 : vector<16xf32>
          %min3A_355 = arith.minimumf %min3A_311, %gather3A_335 : vector<16xf32>
          %min3A_356 = arith.minimumf %min3A_312, %gather3A_344 : vector<16xf32>
          %min3A_357 = arith.minimumf %min3A_313, %gather3A_353 : vector<16xf32>
          %scan3A_358 = arith.constant 3 : i32
          %scan3A_359 = arith.addi %scan3A_224, %scan3A_358 : i32
          %mul3A_360 = arith.constant 4 : i32
          %mul3A_361 = arith.muli %scan3A_359, %mul3A_360 : i32
          %add3A_362 = arith.constant 0 : i32
          %add3A_363 = arith.addi %mul3A_361, %add3A_362 : i32
          %add3A_364 = vector.broadcast %add3A_363 : i32 to vector<16xi32>
          %add3A_365 = arith.addi %add3A_364, %iota3A : vector<16xi32>
          %and3A_366 = arith.constant 63 : i32
          %and3A_367 = vector.broadcast %and3A_366 : i32 to vector<16xi32>
          %and3A_368 = arith.andi %add3A_365, %and3A_367 : vector<16xi32>
          %add3A_369 = arith.addi %add3A_103, %and3A_368 : vector<16xi32>
          %gather3A_370 = tpu.vector_load_idx %arg5[%broadcast_in_dim3A_62, %add3A_369] : memref<8x4096xf32, #tpu.memory_space<vmem>>[vector<16xi32>, vector<16xi32>], vector<16xf32>,
          %add3A_371 = arith.constant 1 : i32
          %add3A_372 = arith.addi %mul3A_361, %add3A_371 : i32
          %add3A_373 = vector.broadcast %add3A_372 : i32 to vector<16xi32>
          %add3A_374 = arith.addi %add3A_373, %iota3A : vector<16xi32>
          %and3A_375 = arith.constant 63 : i32
          %and3A_376 = vector.broadcast %and3A_375 : i32 to vector<16xi32>
          %and3A_377 = arith.andi %add3A_374, %and3A_376 : vector<16xi32>
          %add3A_378 = arith.addi %add3A_103, %and3A_377 : vector<16xi32>
          %gather3A_379 = tpu.vector_load_idx %arg5[%broadcast_in_dim3A_62, %add3A_378] : memref<8x4096xf32, #tpu.memory_space<vmem>>[vector<16xi32>, vector<16xi32>], vector<16xf32>,
          %add3A_380 = arith.constant 2 : i32
          %add3A_381 = arith.addi %mul3A_361, %add3A_380 : i32
          %add3A_382 = vector.broadcast %add3A_381 : i32 to vector<16xi32>
          %add3A_383 = arith.addi %add3A_382, %iota3A : vector<16xi32>
          %and3A_384 = arith.constant 63 : i32
          %and3A_385 = vector.broadcast %and3A_384 : i32 to vector<16xi32>
          %and3A_386 = arith.andi %add3A_383, %and3A_385 : vector<16xi32>
          %add3A_387 = arith.addi %add3A_103, %and3A_386 : vector<16xi32>
          %gather3A_388 = tpu.vector_load_idx %arg5[%broadcast_in_dim3A_62, %add3A_387] : memref<8x4096xf32, #tpu.memory_space<vmem>>[vector<16xi32>, vector<16xi32>], vector<16xf32>,
          %add3A_389 = arith.constant 3 : i32
          %add3A_390 = arith.addi %mul3A_361, %add3A_389 : i32
          %add3A_391 = vector.broadcast %add3A_390 : i32 to vector<16xi32>
          %add3A_392 = arith.addi %add3A_391, %iota3A : vector<16xi32>
          %and3A_393 = arith.constant 63 : i32
          %and3A_394 = vector.broadcast %and3A_393 : i32 to vector<16xi32>
          %and3A_395 = arith.andi %add3A_392, %and3A_394 : vector<16xi32>
          %add3A_396 = arith.addi %add3A_103, %and3A_395 : vector<16xi32>
          %gather3A_397 = tpu.vector_load_idx %arg5[%broadcast_in_dim3A_62, %add3A_396] : memref<8x4096xf32, #tpu.memory_space<vmem>>[vector<16xi32>, vector<16xi32>], vector<16xf32>,
          %min3A_398 = arith.minimumf %min3A_354, %gather3A_370 : vector<16xf32>
          %min3A_399 = arith.minimumf %min3A_355, %gather3A_379 : vector<16xf32>
          %min3A_400 = arith.minimumf %min3A_356, %gather3A_388 : vector<16xf32>
          %min3A_401 = arith.minimumf %min3A_357, %gather3A_397 : vector<16xf32>
          scf.yield %min3A_398, %min3A_399, %min3A_400, %min3A_401 : vector<16xf32>, vector<16xf32>, vector<16xf32>, vector<16xf32>
        }
        %scan3A_109 = arith.constant 16 : i32
        %min3A_110 = arith.minimumf %scan3A_108#0, %scan3A_108#1 : vector<16xf32>
        %min3A_111 = arith.minimumf %scan3A_108#2, %scan3A_108#3 : vector<16xf32>
        %min3A_112 = arith.minimumf %min3A_110, %min3A_111 : vector<16xf32>
        %min3A_113 = arith.minimumf %min3A_76, %min3A_88 : vector<16xf32>
        %min3A_114 = arith.minimumf %min3A_100, %min3A_112 : vector<16xf32>
        %min3A_115 = arith.minimumf %min3A_113, %min3A_114 : vector<16xf32>
        %masked_sort3A = arith.constant dense<true> : vector<16xi1>
        %masked_sort3A_116, %masked_sort3A_117, %masked_sort3A_118 = tpu.sort %min3A_115, %iota3A masked %masked_sort3A : (vector<16xf32>, vector<16xi32>, vector<16xi1>) -> (vector<16xi1>, vector<16xf32>, vector<16xi32>)
        %lt3A_119 = arith.constant 10 : i32
        %lt3A_120 = vector.broadcast %lt3A_119 : i32 to vector<16xi32>
        %lt3A_121 = arith.cmpi slt, %iota3A, %lt3A_120 : vector<16xi32>
        %jit3A = arith.constant 0xFF800000 : f32
        %broadcast_in_dim3A_122 = vector.broadcast %jit3A : f32 to vector<16xf32>
        %select_n3A = arith.select %lt3A_121, %masked_sort3A_117, %broadcast_in_dim3A_122 : vector<16xi1>, vector<16xf32>
        %reduce_max3A = arith.constant true
        %reduce_max3A_123 = vector.broadcast %reduce_max3A : i1 to vector<16xi1>
        %reduce_max3A_124 = tpu.scan <max>, %select_n3A masked %reduce_max3A_123 : vector<16xf32>, vector<16xi1> -> vector<16xf32>
        %reduce_max3A_125 = vector.extract %reduce_max3A_124[15] : f32 from vector<16xf32>
        %broadcast_in_dim3A_126 = vector.broadcast %reduce_max3A_125 : f32 to vector<16xf32>
        %le3A = arith.cmpf ole, %min3A_76, %broadcast_in_dim3A_126 : vector<16xf32>
        %all_reduce_population_count3A = tpu.all_reduce %le3A {dim = 0 : i64, kind = #tpu.reduction_kind<sum>} : vector<16xi1> -> vector<16xi32>
        %slice3A = vector.extract_strided_slice %all_reduce_population_count3A {offsets = [0], sizes = [1], strides = [1]} : vector<16xi32> to vector<1xi32>
        %squeeze3A = vector.extract %slice3A[0] : i32 from vector<1xi32>
        %gt3A = arith.constant 0 : i32
        %gt3A_127 = arith.cmpi sgt, %squeeze3A, %gt3A : i32
        %convert_element_type3A_128 = arith.extui %gt3A_127 : i1 to i32
        %cond3A_129 = arith.constant 0 : i32
        %cond3A_130 = arith.constant 0 : i32
        %cond3A_131 = arith.cmpi ne, %convert_element_type3A_128, %cond3A_130 : i32
        scf.if %cond3A_131 {
          %add3A_224 = arith.constant 0 : i32
          %add3A_225 = vector.broadcast %add3A_224 : i32 to vector<16xi32>
          %add3A_226 = arith.addi %iota3A, %add3A_225 : vector<16xi32>
          %swap3A_227 = arith.index_cast %cond3A_129 : i32 to index
          %swap3A_228 = tpu.vector_load %arg9[%swap3A_227] masked %le3A {strides = array<i32>} : memref<80xi32, #tpu.memory_space<vmem>>, vector<16xi32>, vector<16xi1>
          tpu.vector_store %arg9[%swap3A_227], %add3A_226 masked %le3A {strides = array<i32>} : memref<80xi32, #tpu.memory_space<vmem>>, vector<16xi32>, vector<16xi1>
        } else {
        }
        %add3A_132 = arith.constant 0 : i32
        %add3A_133 = arith.addi %add3A_132, %squeeze3A : i32
        %le3A_134 = arith.cmpf ole, %min3A_88, %broadcast_in_dim3A_126 : vector<16xf32>
        %all_reduce_population_count3A_135 = tpu.all_reduce %le3A_134 {dim = 0 : i64, kind = #tpu.reduction_kind<sum>} : vector<16xi1> -> vector<16xi32>
        %slice3A_136 = vector.extract_strided_slice %all_reduce_population_count3A_135 {offsets = [0], sizes = [1], strides = [1]} : vector<16xi32> to vector<1xi32>
        %squeeze3A_137 = vector.extract %slice3A_136[0] : i32 from vector<1xi32>
        %gt3A_138 = arith.constant 0 : i32
        %gt3A_139 = arith.cmpi sgt, %squeeze3A_137, %gt3A_138 : i32
        %convert_element_type3A_140 = arith.extui %gt3A_139 : i1 to i32
        %cond3A_141 = arith.constant 0 : i32
        %cond3A_142 = arith.cmpi ne, %convert_element_type3A_140, %cond3A_141 : i32
        scf.if %cond3A_142 {
          %add3A_224 = arith.constant 16 : i32
          %add3A_225 = vector.broadcast %add3A_224 : i32 to vector<16xi32>
          %add3A_226 = arith.addi %iota3A, %add3A_225 : vector<16xi32>
          %swap3A_227 = arith.index_cast %add3A_133 : i32 to index
          %swap3A_228 = tpu.vector_load %arg9[%swap3A_227] masked %le3A_134 {strides = array<i32>} : memref<80xi32, #tpu.memory_space<vmem>>, vector<16xi32>, vector<16xi1>
          tpu.vector_store %arg9[%swap3A_227], %add3A_226 masked %le3A_134 {strides = array<i32>} : memref<80xi32, #tpu.memory_space<vmem>>, vector<16xi32>, vector<16xi1>
        } else {
        }
        %add3A_143 = arith.addi %add3A_133, %squeeze3A_137 : i32
        %le3A_144 = arith.cmpf ole, %min3A_100, %broadcast_in_dim3A_126 : vector<16xf32>
        %all_reduce_population_count3A_145 = tpu.all_reduce %le3A_144 {dim = 0 : i64, kind = #tpu.reduction_kind<sum>} : vector<16xi1> -> vector<16xi32>
        %slice3A_146 = vector.extract_strided_slice %all_reduce_population_count3A_145 {offsets = [0], sizes = [1], strides = [1]} : vector<16xi32> to vector<1xi32>
        %squeeze3A_147 = vector.extract %slice3A_146[0] : i32 from vector<1xi32>
        %gt3A_148 = arith.constant 0 : i32
        %gt3A_149 = arith.cmpi sgt, %squeeze3A_147, %gt3A_148 : i32
        %convert_element_type3A_150 = arith.extui %gt3A_149 : i1 to i32
        %cond3A_151 = arith.constant 0 : i32
        %cond3A_152 = arith.cmpi ne, %convert_element_type3A_150, %cond3A_151 : i32
        scf.if %cond3A_152 {
          %add3A_224 = arith.constant 32 : i32
          %add3A_225 = vector.broadcast %add3A_224 : i32 to vector<16xi32>
          %add3A_226 = arith.addi %iota3A, %add3A_225 : vector<16xi32>
          %swap3A_227 = arith.index_cast %add3A_143 : i32 to index
          %swap3A_228 = tpu.vector_load %arg9[%swap3A_227] masked %le3A_144 {strides = array<i32>} : memref<80xi32, #tpu.memory_space<vmem>>, vector<16xi32>, vector<16xi1>
          tpu.vector_store %arg9[%swap3A_227], %add3A_226 masked %le3A_144 {strides = array<i32>} : memref<80xi32, #tpu.memory_space<vmem>>, vector<16xi32>, vector<16xi1>
        } else {
        }
        %add3A_153 = arith.addi %add3A_143, %squeeze3A_147 : i32
        %le3A_154 = arith.cmpf ole, %min3A_112, %broadcast_in_dim3A_126 : vector<16xf32>
        %all_reduce_population_count3A_155 = tpu.all_reduce %le3A_154 {dim = 0 : i64, kind = #tpu.reduction_kind<sum>} : vector<16xi1> -> vector<16xi32>
        %slice3A_156 = vector.extract_strided_slice %all_reduce_population_count3A_155 {offsets = [0], sizes = [1], strides = [1]} : vector<16xi32> to vector<1xi32>
        %squeeze3A_157 = vector.extract %slice3A_156[0] : i32 from vector<1xi32>
        %gt3A_158 = arith.constant 0 : i32
        %gt3A_159 = arith.cmpi sgt, %squeeze3A_157, %gt3A_158 : i32
        %convert_element_type3A_160 = arith.extui %gt3A_159 : i1 to i32
        %cond3A_161 = arith.constant 0 : i32
        %cond3A_162 = arith.cmpi ne, %convert_element_type3A_160, %cond3A_161 : i32
        scf.if %cond3A_162 {
          %add3A_224 = arith.constant 48 : i32
          %add3A_225 = vector.broadcast %add3A_224 : i32 to vector<16xi32>
          %add3A_226 = arith.addi %iota3A, %add3A_225 : vector<16xi32>
          %swap3A_227 = arith.index_cast %add3A_153 : i32 to index
          %swap3A_228 = tpu.vector_load %arg9[%swap3A_227] masked %le3A_154 {strides = array<i32>} : memref<80xi32, #tpu.memory_space<vmem>>, vector<16xi32>, vector<16xi1>
          tpu.vector_store %arg9[%swap3A_227], %add3A_226 masked %le3A_154 {strides = array<i32>} : memref<80xi32, #tpu.memory_space<vmem>>, vector<16xi32>, vector<16xi1>
        } else {
        }
        %add3A_163 = arith.addi %add3A_153, %squeeze3A_157 : i32
        %while3A = arith.constant 0 : i32
        %while3A_164 = arith.constant 0 : i32
        %while3A_165 = arith.subi %add3A_163, %while3A : i32
        %while3A_166 = arith.addi %while3A, %while3A_165 : i32
        %while3A_167 = arith.constant 1 : i32
        %while3A_168 = arith.divsi %while3A_165, %while3A_167 : i32
        %while3A_169 = arith.muli %while3A_168, %while3A_167 : i32
        %while3A_170 = arith.addi %while3A, %while3A_169 : i32
        %while3A_171 = arith.constant 1 : i32
        %while3A_172 = scf.for %while3A_224 = %while3A to %while3A_170 step %while3A_171 iter_args(%while3A_225 = %while3A_164) -> (i32)  : i32 {
          %broadcast_in_dim3A_226 = vector.broadcast %while3A_224 : i32 to vector<16xi32>
          %gather3A = tpu.vector_load_idx %arg9[%broadcast_in_dim3A_226] : memref<80xi32, #tpu.memory_space<vmem>>[vector<16xi32>], vector<16xi32>,
          %slice3A_227 = vector.extract_strided_slice %gather3A {offsets = [0], sizes = [1], strides = [1]} : vector<16xi32> to vector<1xi32>
          %squeeze3A_228 = vector.extract %slice3A_227[0] : i32 from vector<1xi32>
          %mul3A_229 = arith.constant 64 : i32
          %mul3A_230 = arith.muli %squeeze3A_228, %mul3A_229 : i32
          %add3A_231 = arith.constant 0 : i32
          %add3A_232 = arith.addi %mul3A_230, %add3A_231 : i32
          %get3A_233 = arith.index_cast %scan3A_60 : i32 to index
          %get3A_234 = arith.index_cast %add3A_232 : i32 to index
          %get3A_235 = tpu.vector_load %arg5[%get3A_233, %get3A_234] {strides = array<i32>} : memref<8x4096xf32, #tpu.memory_space<vmem>>, vector<16xf32>,
          %mul3A_236 = arith.constant 64 : i32
          %mul3A_237 = arith.muli %squeeze3A_228, %mul3A_236 : i32
          %add3A_238 = arith.constant 16 : i32
          %add3A_239 = arith.addi %mul3A_237, %add3A_238 : i32
          %get3A_240 = arith.index_cast %scan3A_60 : i32 to index
          %get3A_241 = arith.index_cast %add3A_239 : i32 to index
          %get3A_242 = tpu.vector_load %arg5[%get3A_240, %get3A_241] {strides = array<i32>} : memref<8x4096xf32, #tpu.memory_space<vmem>>, vector<16xf32>,
          %mul3A_243 = arith.constant 64 : i32
          %mul3A_244 = arith.muli %squeeze3A_228, %mul3A_243 : i32
          %add3A_245 = arith.constant 32 : i32
          %add3A_246 = arith.addi %mul3A_244, %add3A_245 : i32
          %get3A_247 = arith.index_cast %scan3A_60 : i32 to index
          %get3A_248 = arith.index_cast %add3A_246 : i32 to index
          %get3A_249 = tpu.vector_load %arg5[%get3A_247, %get3A_248] {strides = array<i32>} : memref<8x4096xf32, #tpu.memory_space<vmem>>, vector<16xf32>,
          %mul3A_250 = arith.constant 64 : i32
          %mul3A_251 = arith.muli %squeeze3A_228, %mul3A_250 : i32
          %add3A_252 = arith.constant 48 : i32
          %add3A_253 = arith.addi %mul3A_251, %add3A_252 : i32
          %get3A_254 = arith.index_cast %scan3A_60 : i32 to index
          %get3A_255 = arith.index_cast %add3A_253 : i32 to index
          %get3A_256 = tpu.vector_load %arg5[%get3A_254, %get3A_255] {strides = array<i32>} : memref<8x4096xf32, #tpu.memory_space<vmem>>, vector<16xf32>,
          %le3A_257 = arith.cmpf ole, %get3A_235, %broadcast_in_dim3A_126 : vector<16xf32>
          %le3A_258 = arith.cmpf ole, %get3A_242, %broadcast_in_dim3A_126 : vector<16xf32>
          %le3A_259 = arith.cmpf ole, %get3A_249, %broadcast_in_dim3A_126 : vector<16xf32>
          %le3A_260 = arith.cmpf ole, %get3A_256, %broadcast_in_dim3A_126 : vector<16xf32>
          %all_reduce_population_count3A_261 = tpu.all_reduce %le3A_257 {dim = 0 : i64, kind = #tpu.reduction_kind<sum>} : vector<16xi1> -> vector<16xi32>
          %all_reduce_population_count3A_262 = tpu.all_reduce %le3A_258 {dim = 0 : i64, kind = #tpu.reduction_kind<sum>} : vector<16xi1> -> vector<16xi32>
          %all_reduce_population_count3A_263 = tpu.all_reduce %le3A_259 {dim = 0 : i64, kind = #tpu.reduction_kind<sum>} : vector<16xi1> -> vector<16xi32>
          %all_reduce_population_count3A_264 = tpu.all_reduce %le3A_260 {dim = 0 : i64, kind = #tpu.reduction_kind<sum>} : vector<16xi1> -> vector<16xi32>
          %swap3A_265 = arith.index_cast %while3A_225 : i32 to index
          %swap3A_266 = tpu.vector_load %arg7[%swap3A_265] masked %le3A_257 {strides = array<i32>} : memref<4112xf32, #tpu.memory_space<vmem>>, vector<16xf32>, vector<16xi1>
          tpu.vector_store %arg7[%swap3A_265], %get3A_235 masked %le3A_257 {strides = array<i32>} : memref<4112xf32, #tpu.memory_space<vmem>>, vector<16xf32>, vector<16xi1>
          %mul3A_267 = arith.constant 4 : i32
          %mul3A_268 = arith.muli %squeeze3A_228, %mul3A_267 : i32
          %add3A_269 = arith.constant 0 : i32
          %add3A_270 = arith.addi %mul3A_268, %add3A_269 : i32
          %mul3A_271 = arith.constant 16 : i32
          %mul3A_272 = arith.muli %add3A_270, %mul3A_271 : i32
          %add3A_273 = vector.broadcast %mul3A_272 : i32 to vector<16xi32>
          %add3A_274 = arith.addi %iota3A, %add3A_273 : vector<16xi32>
          %swap3A_275 = arith.index_cast %while3A_225 : i32 to index
          %swap3A_276 = tpu.vector_load %arg8[%swap3A_275] masked %le3A_257 {strides = array<i32>} : memref<4112xi32, #tpu.memory_space<vmem>>, vector<16xi32>, vector<16xi1>
          tpu.vector_store %arg8[%swap3A_275], %add3A_274 masked %le3A_257 {strides = array<i32>} : memref<4112xi32, #tpu.memory_space<vmem>>, vector<16xi32>, vector<16xi1>
          %slice3A_277 = vector.extract_strided_slice %all_reduce_population_count3A_261 {offsets = [0], sizes = [1], strides = [1]} : vector<16xi32> to vector<1xi32>
          %squeeze3A_278 = vector.extract %slice3A_277[0] : i32 from vector<1xi32>
          %add3A_279 = arith.addi %while3A_225, %squeeze3A_278 : i32
          %swap3A_280 = arith.index_cast %add3A_279 : i32 to index
          %swap3A_281 = tpu.vector_load %arg7[%swap3A_280] masked %le3A_258 {strides = array<i32>} : memref<4112xf32, #tpu.memory_space<vmem>>, vector<16xf32>, vector<16xi1>
          tpu.vector_store %arg7[%swap3A_280], %get3A_242 masked %le3A_258 {strides = array<i32>} : memref<4112xf32, #tpu.memory_space<vmem>>, vector<16xf32>, vector<16xi1>
          %mul3A_282 = arith.constant 4 : i32
          %mul3A_283 = arith.muli %squeeze3A_228, %mul3A_282 : i32
          %add3A_284 = arith.constant 1 : i32
          %add3A_285 = arith.addi %mul3A_283, %add3A_284 : i32
          %mul3A_286 = arith.constant 16 : i32
          %mul3A_287 = arith.muli %add3A_285, %mul3A_286 : i32
          %add3A_288 = vector.broadcast %mul3A_287 : i32 to vector<16xi32>
          %add3A_289 = arith.addi %iota3A, %add3A_288 : vector<16xi32>
          %swap3A_290 = arith.index_cast %add3A_279 : i32 to index
          %swap3A_291 = tpu.vector_load %arg8[%swap3A_290] masked %le3A_258 {strides = array<i32>} : memref<4112xi32, #tpu.memory_space<vmem>>, vector<16xi32>, vector<16xi1>
          tpu.vector_store %arg8[%swap3A_290], %add3A_289 masked %le3A_258 {strides = array<i32>} : memref<4112xi32, #tpu.memory_space<vmem>>, vector<16xi32>, vector<16xi1>
          %slice3A_292 = vector.extract_strided_slice %all_reduce_population_count3A_262 {offsets = [0], sizes = [1], strides = [1]} : vector<16xi32> to vector<1xi32>
          %squeeze3A_293 = vector.extract %slice3A_292[0] : i32 from vector<1xi32>
          %add3A_294 = arith.addi %add3A_279, %squeeze3A_293 : i32
          %swap3A_295 = arith.index_cast %add3A_294 : i32 to index
          %swap3A_296 = tpu.vector_load %arg7[%swap3A_295] masked %le3A_259 {strides = array<i32>} : memref<4112xf32, #tpu.memory_space<vmem>>, vector<16xf32>, vector<16xi1>
          tpu.vector_store %arg7[%swap3A_295], %get3A_249 masked %le3A_259 {strides = array<i32>} : memref<4112xf32, #tpu.memory_space<vmem>>, vector<16xf32>, vector<16xi1>
          %mul3A_297 = arith.constant 4 : i32
          %mul3A_298 = arith.muli %squeeze3A_228, %mul3A_297 : i32
          %add3A_299 = arith.constant 2 : i32
          %add3A_300 = arith.addi %mul3A_298, %add3A_299 : i32
          %mul3A_301 = arith.constant 16 : i32
          %mul3A_302 = arith.muli %add3A_300, %mul3A_301 : i32
          %add3A_303 = vector.broadcast %mul3A_302 : i32 to vector<16xi32>
          %add3A_304 = arith.addi %iota3A, %add3A_303 : vector<16xi32>
          %swap3A_305 = arith.index_cast %add3A_294 : i32 to index
          %swap3A_306 = tpu.vector_load %arg8[%swap3A_305] masked %le3A_259 {strides = array<i32>} : memref<4112xi32, #tpu.memory_space<vmem>>, vector<16xi32>, vector<16xi1>
          tpu.vector_store %arg8[%swap3A_305], %add3A_304 masked %le3A_259 {strides = array<i32>} : memref<4112xi32, #tpu.memory_space<vmem>>, vector<16xi32>, vector<16xi1>
          %slice3A_307 = vector.extract_strided_slice %all_reduce_population_count3A_263 {offsets = [0], sizes = [1], strides = [1]} : vector<16xi32> to vector<1xi32>
          %squeeze3A_308 = vector.extract %slice3A_307[0] : i32 from vector<1xi32>
          %add3A_309 = arith.addi %add3A_294, %squeeze3A_308 : i32
          %swap3A_310 = arith.index_cast %add3A_309 : i32 to index
          %swap3A_311 = tpu.vector_load %arg7[%swap3A_310] masked %le3A_260 {strides = array<i32>} : memref<4112xf32, #tpu.memory_space<vmem>>, vector<16xf32>, vector<16xi1>
          tpu.vector_store %arg7[%swap3A_310], %get3A_256 masked %le3A_260 {strides = array<i32>} : memref<4112xf32, #tpu.memory_space<vmem>>, vector<16xf32>, vector<16xi1>
          %mul3A_312 = arith.constant 4 : i32
          %mul3A_313 = arith.muli %squeeze3A_228, %mul3A_312 : i32
          %add3A_314 = arith.constant 3 : i32
          %add3A_315 = arith.addi %mul3A_313, %add3A_314 : i32
          %mul3A_316 = arith.constant 16 : i32
          %mul3A_317 = arith.muli %add3A_315, %mul3A_316 : i32
          %add3A_318 = vector.broadcast %mul3A_317 : i32 to vector<16xi32>
          %add3A_319 = arith.addi %iota3A, %add3A_318 : vector<16xi32>
          %swap3A_320 = arith.index_cast %add3A_309 : i32 to index
          %swap3A_321 = tpu.vector_load %arg8[%swap3A_320] masked %le3A_260 {strides = array<i32>} : memref<4112xi32, #tpu.memory_space<vmem>>, vector<16xi32>, vector<16xi1>
          tpu.vector_store %arg8[%swap3A_320], %add3A_319 masked %le3A_260 {strides = array<i32>} : memref<4112xi32, #tpu.memory_space<vmem>>, vector<16xi32>, vector<16xi1>
          %slice3A_322 = vector.extract_strided_slice %all_reduce_population_count3A_264 {offsets = [0], sizes = [1], strides = [1]} : vector<16xi32> to vector<1xi32>
          %squeeze3A_323 = vector.extract %slice3A_322[0] : i32 from vector<1xi32>
          %add3A_324 = arith.addi %add3A_309, %squeeze3A_323 : i32
          scf.yield %add3A_324 : i32
        }
        %while3A_173 = arith.constant 1 : i32
        %while3A_174 = scf.for %while3A_224 = %while3A_170 to %while3A_166 step %while3A_173 iter_args(%while3A_225 = %while3A_172) -> (i32)  : i32 {
          %broadcast_in_dim3A_226 = vector.broadcast %while3A_224 : i32 to vector<16xi32>
          %gather3A = tpu.vector_load_idx %arg9[%broadcast_in_dim3A_226] : memref<80xi32, #tpu.memory_space<vmem>>[vector<16xi32>], vector<16xi32>,
          %slice3A_227 = vector.extract_strided_slice %gather3A {offsets = [0], sizes = [1], strides = [1]} : vector<16xi32> to vector<1xi32>
          %squeeze3A_228 = vector.extract %slice3A_227[0] : i32 from vector<1xi32>
          %mul3A_229 = arith.constant 64 : i32
          %mul3A_230 = arith.muli %squeeze3A_228, %mul3A_229 : i32
          %add3A_231 = arith.constant 0 : i32
          %add3A_232 = arith.addi %mul3A_230, %add3A_231 : i32
          %get3A_233 = arith.index_cast %scan3A_60 : i32 to index
          %get3A_234 = arith.index_cast %add3A_232 : i32 to index
          %get3A_235 = tpu.vector_load %arg5[%get3A_233, %get3A_234] {strides = array<i32>} : memref<8x4096xf32, #tpu.memory_space<vmem>>, vector<16xf32>,
          %mul3A_236 = arith.constant 64 : i32
          %mul3A_237 = arith.muli %squeeze3A_228, %mul3A_236 : i32
          %add3A_238 = arith.constant 16 : i32
          %add3A_239 = arith.addi %mul3A_237, %add3A_238 : i32
          %get3A_240 = arith.index_cast %scan3A_60 : i32 to index
          %get3A_241 = arith.index_cast %add3A_239 : i32 to index
          %get3A_242 = tpu.vector_load %arg5[%get3A_240, %get3A_241] {strides = array<i32>} : memref<8x4096xf32, #tpu.memory_space<vmem>>, vector<16xf32>,
          %mul3A_243 = arith.constant 64 : i32
          %mul3A_244 = arith.muli %squeeze3A_228, %mul3A_243 : i32
          %add3A_245 = arith.constant 32 : i32
          %add3A_246 = arith.addi %mul3A_244, %add3A_245 : i32
          %get3A_247 = arith.index_cast %scan3A_60 : i32 to index
          %get3A_248 = arith.index_cast %add3A_246 : i32 to index
          %get3A_249 = tpu.vector_load %arg5[%get3A_247, %get3A_248] {strides = array<i32>} : memref<8x4096xf32, #tpu.memory_space<vmem>>, vector<16xf32>,
          %mul3A_250 = arith.constant 64 : i32
          %mul3A_251 = arith.muli %squeeze3A_228, %mul3A_250 : i32
          %add3A_252 = arith.constant 48 : i32
          %add3A_253 = arith.addi %mul3A_251, %add3A_252 : i32
          %get3A_254 = arith.index_cast %scan3A_60 : i32 to index
          %get3A_255 = arith.index_cast %add3A_253 : i32 to index
          %get3A_256 = tpu.vector_load %arg5[%get3A_254, %get3A_255] {strides = array<i32>} : memref<8x4096xf32, #tpu.memory_space<vmem>>, vector<16xf32>,
          %le3A_257 = arith.cmpf ole, %get3A_235, %broadcast_in_dim3A_126 : vector<16xf32>
          %le3A_258 = arith.cmpf ole, %get3A_242, %broadcast_in_dim3A_126 : vector<16xf32>
          %le3A_259 = arith.cmpf ole, %get3A_249, %broadcast_in_dim3A_126 : vector<16xf32>
          %le3A_260 = arith.cmpf ole, %get3A_256, %broadcast_in_dim3A_126 : vector<16xf32>
          %all_reduce_population_count3A_261 = tpu.all_reduce %le3A_257 {dim = 0 : i64, kind = #tpu.reduction_kind<sum>} : vector<16xi1> -> vector<16xi32>
          %all_reduce_population_count3A_262 = tpu.all_reduce %le3A_258 {dim = 0 : i64, kind = #tpu.reduction_kind<sum>} : vector<16xi1> -> vector<16xi32>
          %all_reduce_population_count3A_263 = tpu.all_reduce %le3A_259 {dim = 0 : i64, kind = #tpu.reduction_kind<sum>} : vector<16xi1> -> vector<16xi32>
          %all_reduce_population_count3A_264 = tpu.all_reduce %le3A_260 {dim = 0 : i64, kind = #tpu.reduction_kind<sum>} : vector<16xi1> -> vector<16xi32>
          %swap3A_265 = arith.index_cast %while3A_225 : i32 to index
          %swap3A_266 = tpu.vector_load %arg7[%swap3A_265] masked %le3A_257 {strides = array<i32>} : memref<4112xf32, #tpu.memory_space<vmem>>, vector<16xf32>, vector<16xi1>
          tpu.vector_store %arg7[%swap3A_265], %get3A_235 masked %le3A_257 {strides = array<i32>} : memref<4112xf32, #tpu.memory_space<vmem>>, vector<16xf32>, vector<16xi1>
          %mul3A_267 = arith.constant 4 : i32
          %mul3A_268 = arith.muli %squeeze3A_228, %mul3A_267 : i32
          %add3A_269 = arith.constant 0 : i32
          %add3A_270 = arith.addi %mul3A_268, %add3A_269 : i32
          %mul3A_271 = arith.constant 16 : i32
          %mul3A_272 = arith.muli %add3A_270, %mul3A_271 : i32
          %add3A_273 = vector.broadcast %mul3A_272 : i32 to vector<16xi32>
          %add3A_274 = arith.addi %iota3A, %add3A_273 : vector<16xi32>
          %swap3A_275 = arith.index_cast %while3A_225 : i32 to index
          %swap3A_276 = tpu.vector_load %arg8[%swap3A_275] masked %le3A_257 {strides = array<i32>} : memref<4112xi32, #tpu.memory_space<vmem>>, vector<16xi32>, vector<16xi1>
          tpu.vector_store %arg8[%swap3A_275], %add3A_274 masked %le3A_257 {strides = array<i32>} : memref<4112xi32, #tpu.memory_space<vmem>>, vector<16xi32>, vector<16xi1>
          %slice3A_277 = vector.extract_strided_slice %all_reduce_population_count3A_261 {offsets = [0], sizes = [1], strides = [1]} : vector<16xi32> to vector<1xi32>
          %squeeze3A_278 = vector.extract %slice3A_277[0] : i32 from vector<1xi32>
          %add3A_279 = arith.addi %while3A_225, %squeeze3A_278 : i32
          %swap3A_280 = arith.index_cast %add3A_279 : i32 to index
          %swap3A_281 = tpu.vector_load %arg7[%swap3A_280] masked %le3A_258 {strides = array<i32>} : memref<4112xf32, #tpu.memory_space<vmem>>, vector<16xf32>, vector<16xi1>
          tpu.vector_store %arg7[%swap3A_280], %get3A_242 masked %le3A_258 {strides = array<i32>} : memref<4112xf32, #tpu.memory_space<vmem>>, vector<16xf32>, vector<16xi1>
          %mul3A_282 = arith.constant 4 : i32
          %mul3A_283 = arith.muli %squeeze3A_228, %mul3A_282 : i32
          %add3A_284 = arith.constant 1 : i32
          %add3A_285 = arith.addi %mul3A_283, %add3A_284 : i32
          %mul3A_286 = arith.constant 16 : i32
          %mul3A_287 = arith.muli %add3A_285, %mul3A_286 : i32
          %add3A_288 = vector.broadcast %mul3A_287 : i32 to vector<16xi32>
          %add3A_289 = arith.addi %iota3A, %add3A_288 : vector<16xi32>
          %swap3A_290 = arith.index_cast %add3A_279 : i32 to index
          %swap3A_291 = tpu.vector_load %arg8[%swap3A_290] masked %le3A_258 {strides = array<i32>} : memref<4112xi32, #tpu.memory_space<vmem>>, vector<16xi32>, vector<16xi1>
          tpu.vector_store %arg8[%swap3A_290], %add3A_289 masked %le3A_258 {strides = array<i32>} : memref<4112xi32, #tpu.memory_space<vmem>>, vector<16xi32>, vector<16xi1>
          %slice3A_292 = vector.extract_strided_slice %all_reduce_population_count3A_262 {offsets = [0], sizes = [1], strides = [1]} : vector<16xi32> to vector<1xi32>
          %squeeze3A_293 = vector.extract %slice3A_292[0] : i32 from vector<1xi32>
          %add3A_294 = arith.addi %add3A_279, %squeeze3A_293 : i32
          %swap3A_295 = arith.index_cast %add3A_294 : i32 to index
          %swap3A_296 = tpu.vector_load %arg7[%swap3A_295] masked %le3A_259 {strides = array<i32>} : memref<4112xf32, #tpu.memory_space<vmem>>, vector<16xf32>, vector<16xi1>
          tpu.vector_store %arg7[%swap3A_295], %get3A_249 masked %le3A_259 {strides = array<i32>} : memref<4112xf32, #tpu.memory_space<vmem>>, vector<16xf32>, vector<16xi1>
          %mul3A_297 = arith.constant 4 : i32
          %mul3A_298 = arith.muli %squeeze3A_228, %mul3A_297 : i32
          %add3A_299 = arith.constant 2 : i32
          %add3A_300 = arith.addi %mul3A_298, %add3A_299 : i32
          %mul3A_301 = arith.constant 16 : i32
          %mul3A_302 = arith.muli %add3A_300, %mul3A_301 : i32
          %add3A_303 = vector.broadcast %mul3A_302 : i32 to vector<16xi32>
          %add3A_304 = arith.addi %iota3A, %add3A_303 : vector<16xi32>
          %swap3A_305 = arith.index_cast %add3A_294 : i32 to index
          %swap3A_306 = tpu.vector_load %arg8[%swap3A_305] masked %le3A_259 {strides = array<i32>} : memref<4112xi32, #tpu.memory_space<vmem>>, vector<16xi32>, vector<16xi1>
          tpu.vector_store %arg8[%swap3A_305], %add3A_304 masked %le3A_259 {strides = array<i32>} : memref<4112xi32, #tpu.memory_space<vmem>>, vector<16xi32>, vector<16xi1>
          %slice3A_307 = vector.extract_strided_slice %all_reduce_population_count3A_263 {offsets = [0], sizes = [1], strides = [1]} : vector<16xi32> to vector<1xi32>
          %squeeze3A_308 = vector.extract %slice3A_307[0] : i32 from vector<1xi32>
          %add3A_309 = arith.addi %add3A_294, %squeeze3A_308 : i32
          %swap3A_310 = arith.index_cast %add3A_309 : i32 to index
          %swap3A_311 = tpu.vector_load %arg7[%swap3A_310] masked %le3A_260 {strides = array<i32>} : memref<4112xf32, #tpu.memory_space<vmem>>, vector<16xf32>, vector<16xi1>
          tpu.vector_store %arg7[%swap3A_310], %get3A_256 masked %le3A_260 {strides = array<i32>} : memref<4112xf32, #tpu.memory_space<vmem>>, vector<16xf32>, vector<16xi1>
          %mul3A_312 = arith.constant 4 : i32
          %mul3A_313 = arith.muli %squeeze3A_228, %mul3A_312 : i32
          %add3A_314 = arith.constant 3 : i32
          %add3A_315 = arith.addi %mul3A_313, %add3A_314 : i32
          %mul3A_316 = arith.constant 16 : i32
          %mul3A_317 = arith.muli %add3A_315, %mul3A_316 : i32
          %add3A_318 = vector.broadcast %mul3A_317 : i32 to vector<16xi32>
          %add3A_319 = arith.addi %iota3A, %add3A_318 : vector<16xi32>
          %swap3A_320 = arith.index_cast %add3A_309 : i32 to index
          %swap3A_321 = tpu.vector_load %arg8[%swap3A_320] masked %le3A_260 {strides = array<i32>} : memref<4112xi32, #tpu.memory_space<vmem>>, vector<16xi32>, vector<16xi1>
          tpu.vector_store %arg8[%swap3A_320], %add3A_319 masked %le3A_260 {strides = array<i32>} : memref<4112xi32, #tpu.memory_space<vmem>>, vector<16xi32>, vector<16xi1>
          %slice3A_322 = vector.extract_strided_slice %all_reduce_population_count3A_264 {offsets = [0], sizes = [1], strides = [1]} : vector<16xi32> to vector<1xi32>
          %squeeze3A_323 = vector.extract %slice3A_322[0] : i32 from vector<1xi32>
          %add3A_324 = arith.addi %add3A_309, %squeeze3A_323 : i32
          scf.yield %add3A_324 : i32
        }
        %swap3A = arith.index_cast %while3A_174 : i32 to index
        %swap3A_175 = tpu.vector_load %arg7[%swap3A] {strides = array<i32>} : memref<4112xf32, #tpu.memory_space<vmem>>, vector<16xf32>,
        tpu.vector_store %arg7[%swap3A], %broadcast_in_dim3A_3 {strides = array<i32>} : memref<4112xf32, #tpu.memory_space<vmem>>, vector<16xf32>,
        %get3A = arith.constant 0 : index
        %get3A_176 = tpu.vector_load %arg7[%get3A] {strides = array<i32>} : memref<4112xf32, #tpu.memory_space<vmem>>, vector<16xf32>,
        %get3A_177 = arith.constant 0 : index
        %get3A_178 = tpu.vector_load %arg8[%get3A_177] {strides = array<i32>} : memref<4112xi32, #tpu.memory_space<vmem>>, vector<16xi32>,
        %masked_sort3A_179 = arith.constant dense<true> : vector<16xi1>
        %masked_sort3A_180, %masked_sort3A_181, %masked_sort3A_182 = tpu.sort %get3A_176, %get3A_178 masked %masked_sort3A_179 : (vector<16xf32>, vector<16xi32>, vector<16xi1>) -> (vector<16xi1>, vector<16xf32>, vector<16xi32>)
        %add3A_183 = arith.constant 15 : i32
        %add3A_184 = arith.addi %while3A_174, %add3A_183 : i32
        %jit3A_185 = arith.constant 16 : i32
        %div3A = arith.divsi %add3A_184, %jit3A_185 : i32
        %sign3A = arith.constant 0 : i32
        %sign3A_186 = arith.cmpi sgt, %add3A_184, %sign3A : i32
        %sign3A_187 = arith.extui %sign3A_186 : i1 to i32
        %sign3A_188 = arith.constant 0 : i32
        %sign3A_189 = arith.cmpi slt, %add3A_184, %sign3A_188 : i32
        %sign3A_190 = arith.extui %sign3A_189 : i1 to i32
        %sign3A_191 = arith.subi %sign3A_187, %sign3A_190 : i32
        %sign3A_192 = arith.constant 0 : i32
        %sign3A_193 = arith.cmpi sgt, %jit3A_185, %sign3A_192 : i32
        %sign3A_194 = arith.extui %sign3A_193 : i1 to i32
        %sign3A_195 = arith.constant 0 : i32
        %sign3A_196 = arith.cmpi slt, %jit3A_185, %sign3A_195 : i32
        %sign3A_197 = arith.extui %sign3A_196 : i1 to i32
        %sign3A_198 = arith.subi %sign3A_194, %sign3A_197 : i32
        %ne3A = arith.cmpi ne, %sign3A_191, %sign3A_198 : i32
        %rem3A = arith.remsi %add3A_184, %jit3A_185 : i32
        %ne3A_199 = arith.constant 0 : i32
        %ne3A_200 = arith.cmpi ne, %rem3A, %ne3A_199 : i32
        %and3A = arith.andi %ne3A, %ne3A_200 : i1
        %sub3A = arith.constant 1 : i32
        %sub3A_201 = arith.subi %div3A, %sub3A : i32
        %select_n3A_202 = arith.select %and3A, %sub3A_201, %div3A : i32
        %while3A_203 = arith.constant 1 : i32
        %while3A_204 = arith.subi %select_n3A_202, %while3A_203 : i32
        %while3A_205 = arith.addi %while3A_203, %while3A_204 : i32
        %while3A_206 = arith.constant 1 : i32
        %while3A_207 = arith.divsi %while3A_204, %while3A_206 : i32
        %while3A_208 = arith.muli %while3A_207, %while3A_206 : i32
        %while3A_209 = arith.addi %while3A_203, %while3A_208 : i32
        %while3A_210 = arith.constant 1 : i32
        %while3A_211:2 = scf.for %while3A_224 = %while3A_203 to %while3A_209 step %while3A_210 iter_args(%while3A_225 = %masked_sort3A_181, %while3A_226 = %masked_sort3A_182) -> (vector<16xf32>, vector<16xi32>)  : i32 {
          %mul3A_227 = arith.constant 16 : i32
          %mul3A_228 = arith.muli %while3A_224, %mul3A_227 : i32
          %get3A_229 = arith.index_cast %mul3A_228 : i32 to index
          %get3A_230 = tpu.vector_load %arg7[%get3A_229] {strides = array<i32>} : memref<4112xf32, #tpu.memory_space<vmem>>, vector<16xf32>,
          %mul3A_231 = arith.constant 16 : i32
          %mul3A_232 = arith.muli %while3A_224, %mul3A_231 : i32
          %get3A_233 = arith.index_cast %mul3A_232 : i32 to index
          %get3A_234 = tpu.vector_load %arg8[%get3A_233] {strides = array<i32>} : memref<4112xi32, #tpu.memory_space<vmem>>, vector<16xi32>,
          %masked_sort3A_235 = arith.constant dense<true> : vector<16xi1>
          %masked_sort3A_236, %masked_sort3A_237, %masked_sort3A_238 = tpu.sort %get3A_230, %get3A_234 masked %masked_sort3A_235 : (vector<16xf32>, vector<16xi32>, vector<16xi1>) -> (vector<16xi1>, vector<16xf32>, vector<16xi32>)
          %rev3A = arith.constant 15 : i32
          %rev3A_239 = vector.broadcast %rev3A : i32 to vector<16xi32>
          %rev3A_240 = tpu.iota {dimensions = array<i32: 0>} : vector<16xi32>
          %rev3A_241 = arith.subi %rev3A_239, %rev3A_240 : vector<16xi32>
          %rev3A_242 = tpu.dynamic_gather %while3A_225[%rev3A_241] in [0] : vector<16xf32>, vector<16xi32> -> vector<16xf32>
          %rev3A_243 = arith.constant 15 : i32
          %rev3A_244 = vector.broadcast %rev3A_243 : i32 to vector<16xi32>
          %rev3A_245 = tpu.iota {dimensions = array<i32: 0>} : vector<16xi32>
          %rev3A_246 = arith.subi %rev3A_244, %rev3A_245 : vector<16xi32>
          %rev3A_247 = tpu.dynamic_gather %while3A_226[%rev3A_246] in [0] : vector<16xi32>, vector<16xi32> -> vector<16xi32>
          %lt3A_248 = arith.cmpf olt, %masked_sort3A_237, %rev3A_242 : vector<16xf32>
          %select_n3A_249 = arith.select %lt3A_248, %masked_sort3A_237, %rev3A_242 : vector<16xi1>, vector<16xf32>
          %select_n3A_250 = arith.select %lt3A_248, %masked_sort3A_238, %rev3A_247 : vector<16xi1>, vector<16xi32>
          %masked_sort3A_251 = arith.constant dense<true> : vector<16xi1>
          %masked_sort3A_252, %masked_sort3A_253, %masked_sort3A_254 = tpu.sort %select_n3A_249, %select_n3A_250 masked %masked_sort3A_251 : (vector<16xf32>, vector<16xi32>, vector<16xi1>) -> (vector<16xi1>, vector<16xf32>, vector<16xi32>)
          scf.yield %masked_sort3A_253, %masked_sort3A_254 : vector<16xf32>, vector<16xi32>
        }
        %while3A_212 = arith.constant 1 : i32
        %while3A_213:2 = scf.for %while3A_224 = %while3A_209 to %while3A_205 step %while3A_212 iter_args(%while3A_225 = %while3A_211#0, %while3A_226 = %while3A_211#1) -> (vector<16xf32>, vector<16xi32>)  : i32 {
          %mul3A_227 = arith.constant 16 : i32
          %mul3A_228 = arith.muli %while3A_224, %mul3A_227 : i32
          %get3A_229 = arith.index_cast %mul3A_228 : i32 to index
          %get3A_230 = tpu.vector_load %arg7[%get3A_229] {strides = array<i32>} : memref<4112xf32, #tpu.memory_space<vmem>>, vector<16xf32>,
          %mul3A_231 = arith.constant 16 : i32
          %mul3A_232 = arith.muli %while3A_224, %mul3A_231 : i32
          %get3A_233 = arith.index_cast %mul3A_232 : i32 to index
          %get3A_234 = tpu.vector_load %arg8[%get3A_233] {strides = array<i32>} : memref<4112xi32, #tpu.memory_space<vmem>>, vector<16xi32>,
          %masked_sort3A_235 = arith.constant dense<true> : vector<16xi1>
          %masked_sort3A_236, %masked_sort3A_237, %masked_sort3A_238 = tpu.sort %get3A_230, %get3A_234 masked %masked_sort3A_235 : (vector<16xf32>, vector<16xi32>, vector<16xi1>) -> (vector<16xi1>, vector<16xf32>, vector<16xi32>)
          %rev3A = arith.constant 15 : i32
          %rev3A_239 = vector.broadcast %rev3A : i32 to vector<16xi32>
          %rev3A_240 = tpu.iota {dimensions = array<i32: 0>} : vector<16xi32>
          %rev3A_241 = arith.subi %rev3A_239, %rev3A_240 : vector<16xi32>
          %rev3A_242 = tpu.dynamic_gather %while3A_225[%rev3A_241] in [0] : vector<16xf32>, vector<16xi32> -> vector<16xf32>
          %rev3A_243 = arith.constant 15 : i32
          %rev3A_244 = vector.broadcast %rev3A_243 : i32 to vector<16xi32>
          %rev3A_245 = tpu.iota {dimensions = array<i32: 0>} : vector<16xi32>
          %rev3A_246 = arith.subi %rev3A_244, %rev3A_245 : vector<16xi32>
          %rev3A_247 = tpu.dynamic_gather %while3A_226[%rev3A_246] in [0] : vector<16xi32>, vector<16xi32> -> vector<16xi32>
          %lt3A_248 = arith.cmpf olt, %masked_sort3A_237, %rev3A_242 : vector<16xf32>
          %select_n3A_249 = arith.select %lt3A_248, %masked_sort3A_237, %rev3A_242 : vector<16xi1>, vector<16xf32>
          %select_n3A_250 = arith.select %lt3A_248, %masked_sort3A_238, %rev3A_247 : vector<16xi1>, vector<16xi32>
          %masked_sort3A_251 = arith.constant dense<true> : vector<16xi1>
          %masked_sort3A_252, %masked_sort3A_253, %masked_sort3A_254 = tpu.sort %select_n3A_249, %select_n3A_250 masked %masked_sort3A_251 : (vector<16xf32>, vector<16xi32>, vector<16xi1>) -> (vector<16xi1>, vector<16xf32>, vector<16xi32>)
          scf.yield %masked_sort3A_253, %masked_sort3A_254 : vector<16xf32>, vector<16xi32>
        }
        %mul3A_214 = arith.constant 8 : i32
        %mul3A_215 = arith.muli %mul3A_16, %mul3A_214 : i32
        %add3A_216 = arith.addi %mul3A_215, %scan3A_60 : i32
        %swap3A_217 = arith.index_cast %add3A_216 : i32 to index
        %swap3A_218 = arith.constant 0 : index
        %swap3A_219 = tpu.vector_load %arg10[%swap3A_217, %swap3A_218] {strides = array<i32>} : memref<128x16xf32, #tpu.memory_space<vmem>>, vector<16xf32>,
        tpu.vector_store %arg10[%swap3A_217, %swap3A_218], %while3A_213#0 {strides = array<i32>} : memref<128x16xf32, #tpu.memory_space<vmem>>, vector<16xf32>,
        %swap3A_220 = arith.index_cast %add3A_216 : i32 to index
        %swap3A_221 = arith.constant 0 : index
        %swap3A_222 = tpu.vector_load %arg11[%swap3A_220, %swap3A_221] {strides = array<i32>} : memref<128x16xi32, #tpu.memory_space<vmem>>, vector<16xi32>,
        tpu.vector_store %arg11[%swap3A_220, %swap3A_221], %while3A_213#1 {strides = array<i32>} : memref<128x16xi32, #tpu.memory_space<vmem>>, vector<16xi32>,
        %scan3A_223 = arith.constant 0 : i32
        scf.yield %scan3A_223 : i32
      }
      %scan3A_40 = arith.constant 8 : i32
      %mul3A_41 = arith.constant 8 : i32
      %mul3A_42 = arith.muli %add3A_20, %mul3A_41 : i32
      %add3A_43 = arith.addi %mul3A_2, %mul3A_42 : i32
      %dma_wait3A_44 = arith.constant 0 : i32
      %dma_wait3A_45 = tpu.memref_slice %arg2[%add3A_43, %dma_wait3A_44] : memref<4096x4096xf32, #tpu.memory_space<hbm>> -> memref<8x4096xf32, #tpu.memory_space<hbm>>
      %dma_wait3A_46 = arith.constant 0 : i32
      %dma_wait3A_47 = tpu.memref_slice %arg2[%add3A_43, %dma_wait3A_46] : memref<4096x4096xf32, #tpu.memory_space<hbm>> -> memref<8x4096xf32, #tpu.memory_space<hbm>>
      tpu.wait_dma2 semaphore(%arg13 : memref<!tpu.dma_semaphore, #tpu.memory_space<semaphore_mem>>) src(%dma_wait3A_47 : memref<8x4096xf32, #tpu.memory_space<hbm>>) dst(%arg6 : memref<8x4096xf32, #tpu.memory_space<vmem>>)
      %add3A_48 = arith.constant 1 : i32
      %add3A_49 = arith.addi %scan3A_13, %add3A_48 : i32
      %lt3A = arith.constant 8 : i32
      %lt3A_50 = arith.cmpi slt, %add3A_49, %lt3A : i32
      %convert_element_type3A = arith.extui %lt3A_50 : i1 to i32
      %cond3A = arith.constant 0 : i32
      %cond3A_51 = arith.cmpi ne, %convert_element_type3A, %cond3A : i32
      scf.if %cond3A_51 {
        %add3A_60 = arith.constant 1 : i32
        %add3A_61 = arith.addi %add3A_20, %add3A_60 : i32
        %mul3A_62 = arith.constant 8 : i32
        %mul3A_63 = arith.muli %add3A_61, %mul3A_62 : i32
        %add3A_64 = arith.addi %mul3A_2, %mul3A_63 : i32
        %dma_start3A_65 = arith.constant 0 : i32
        %dma_start3A_66 = tpu.memref_slice %arg2[%add3A_64, %dma_start3A_65] : memref<4096x4096xf32, #tpu.memory_space<hbm>> -> memref<8x4096xf32, #tpu.memory_space<hbm>>
        %dma_start3A_67 = arith.constant 0 : i32
        %dma_start3A_68 = tpu.memref_slice %arg2[%add3A_64, %dma_start3A_67] : memref<4096x4096xf32, #tpu.memory_space<hbm>> -> memref<8x4096xf32, #tpu.memory_space<hbm>>
        tpu.enqueue_dma source(%dma_start3A_68 : memref<8x4096xf32, #tpu.memory_space<hbm>>) target(%arg5 : memref<8x4096xf32, #tpu.memory_space<vmem>>) target_semaphore(%arg12 : memref<!tpu.dma_semaphore, #tpu.memory_space<semaphore_mem>>)
      } else {
      }
      %scan3A_52 = arith.constant 0 : i32
      %scan3A_53 = arith.constant 0 : i32
      %scan3A_54 = arith.constant 8 : i32
      %scan3A_55 = arith.addi %scan3A_53, %scan3A_54 : i32
      %scan3A_56 = arith.constant 1 : i32
      %scan3A_57 = scf.for %scan3A_60 = %scan3A_53 to %scan3A_55 step %scan3A_56 iter_args(%scan3A_61 = %scan3A_52) -> (i32)  : i32 {
        %broadcast_in_dim3A_62 = vector.broadcast %scan3A_60 : i32 to vector<16xi32>
        %mul3A_63 = arith.constant 64 : i32
        %mul3A_64 = vector.broadcast %mul3A_63 : i32 to vector<16xi32>
        %mul3A_65 = arith.muli %iota3A, %mul3A_64 : vector<16xi32>
        %add3A_66 = arith.constant 0 : i32
        %add3A_67 = vector.broadcast %add3A_66 : i32 to vector<16xi32>
        %add3A_68 = arith.addi %mul3A_65, %add3A_67 : vector<16xi32>
        %scan3A_69 = arith.constant 0 : i32
        %scan3A_70 = arith.constant 16 : i32
        %scan3A_71 = arith.addi %scan3A_69, %scan3A_70 : i32
        %scan3A_72 = arith.constant 4 : i32
        %scan3A_73:4 = scf.for %scan3A_224 = %scan3A_69 to %scan3A_71 step %scan3A_72 iter_args(%scan3A_225 = %broadcast_in_dim3A_3, %scan3A_226 = %broadcast_in_dim3A_3, %scan3A_227 = %broadcast_in_dim3A_3, %scan3A_228 = %broadcast_in_dim3A_3) -> (vector<16xf32>, vector<16xf32>, vector<16xf32>, vector<16xf32>)  : i32 {
          %mul3A_229 = arith.constant 4 : i32
          %mul3A_230 = arith.muli %scan3A_224, %mul3A_229 : i32
          %add3A_231 = arith.constant 0 : i32
          %add3A_232 = arith.addi %mul3A_230, %add3A_231 : i32
          %add3A_233 = vector.broadcast %add3A_232 : i32 to vector<16xi32>
          %add3A_234 = arith.addi %add3A_233, %iota3A : vector<16xi32>
          %and3A_235 = arith.constant 63 : i32
          %and3A_236 = vector.broadcast %and3A_235 : i32 to vector<16xi32>
          %and3A_237 = arith.andi %add3A_234, %and3A_236 : vector<16xi32>
          %add3A_238 = arith.addi %add3A_68, %and3A_237 : vector<16xi32>
          %gather3A = tpu.vector_load_idx %arg6[%broadcast_in_dim3A_62, %add3A_238] : memref<8x4096xf32, #tpu.memory_space<vmem>>[vector<16xi32>, vector<16xi32>], vector<16xf32>,
          %add3A_239 = arith.constant 1 : i32
          %add3A_240 = arith.addi %mul3A_230, %add3A_239 : i32
          %add3A_241 = vector.broadcast %add3A_240 : i32 to vector<16xi32>
          %add3A_242 = arith.addi %add3A_241, %iota3A : vector<16xi32>
          %and3A_243 = arith.constant 63 : i32
          %and3A_244 = vector.broadcast %and3A_243 : i32 to vector<16xi32>
          %and3A_245 = arith.andi %add3A_242, %and3A_244 : vector<16xi32>
          %add3A_246 = arith.addi %add3A_68, %and3A_245 : vector<16xi32>
          %gather3A_247 = tpu.vector_load_idx %arg6[%broadcast_in_dim3A_62, %add3A_246] : memref<8x4096xf32, #tpu.memory_space<vmem>>[vector<16xi32>, vector<16xi32>], vector<16xf32>,
          %add3A_248 = arith.constant 2 : i32
          %add3A_249 = arith.addi %mul3A_230, %add3A_248 : i32
          %add3A_250 = vector.broadcast %add3A_249 : i32 to vector<16xi32>
          %add3A_251 = arith.addi %add3A_250, %iota3A : vector<16xi32>
          %and3A_252 = arith.constant 63 : i32
          %and3A_253 = vector.broadcast %and3A_252 : i32 to vector<16xi32>
          %and3A_254 = arith.andi %add3A_251, %and3A_253 : vector<16xi32>
          %add3A_255 = arith.addi %add3A_68, %and3A_254 : vector<16xi32>
          %gather3A_256 = tpu.vector_load_idx %arg6[%broadcast_in_dim3A_62, %add3A_255] : memref<8x4096xf32, #tpu.memory_space<vmem>>[vector<16xi32>, vector<16xi32>], vector<16xf32>,
          %add3A_257 = arith.constant 3 : i32
          %add3A_258 = arith.addi %mul3A_230, %add3A_257 : i32
          %add3A_259 = vector.broadcast %add3A_258 : i32 to vector<16xi32>
          %add3A_260 = arith.addi %add3A_259, %iota3A : vector<16xi32>
          %and3A_261 = arith.constant 63 : i32
          %and3A_262 = vector.broadcast %and3A_261 : i32 to vector<16xi32>
          %and3A_263 = arith.andi %add3A_260, %and3A_262 : vector<16xi32>
          %add3A_264 = arith.addi %add3A_68, %and3A_263 : vector<16xi32>
          %gather3A_265 = tpu.vector_load_idx %arg6[%broadcast_in_dim3A_62, %add3A_264] : memref<8x4096xf32, #tpu.memory_space<vmem>>[vector<16xi32>, vector<16xi32>], vector<16xf32>,
          %min3A_266 = arith.minimumf %scan3A_225, %gather3A : vector<16xf32>
          %min3A_267 = arith.minimumf %scan3A_226, %gather3A_247 : vector<16xf32>
          %min3A_268 = arith.minimumf %scan3A_227, %gather3A_256 : vector<16xf32>
          %min3A_269 = arith.minimumf %scan3A_228, %gather3A_265 : vector<16xf32>
          %scan3A_270 = arith.constant 1 : i32
          %scan3A_271 = arith.addi %scan3A_224, %scan3A_270 : i32
          %mul3A_272 = arith.constant 4 : i32
          %mul3A_273 = arith.muli %scan3A_271, %mul3A_272 : i32
          %add3A_274 = arith.constant 0 : i32
          %add3A_275 = arith.addi %mul3A_273, %add3A_274 : i32
          %add3A_276 = vector.broadcast %add3A_275 : i32 to vector<16xi32>
          %add3A_277 = arith.addi %add3A_276, %iota3A : vector<16xi32>
          %and3A_278 = arith.constant 63 : i32
          %and3A_279 = vector.broadcast %and3A_278 : i32 to vector<16xi32>
          %and3A_280 = arith.andi %add3A_277, %and3A_279 : vector<16xi32>
          %add3A_281 = arith.addi %add3A_68, %and3A_280 : vector<16xi32>
          %gather3A_282 = tpu.vector_load_idx %arg6[%broadcast_in_dim3A_62, %add3A_281] : memref<8x4096xf32, #tpu.memory_space<vmem>>[vector<16xi32>, vector<16xi32>], vector<16xf32>,
          %add3A_283 = arith.constant 1 : i32
          %add3A_284 = arith.addi %mul3A_273, %add3A_283 : i32
          %add3A_285 = vector.broadcast %add3A_284 : i32 to vector<16xi32>
          %add3A_286 = arith.addi %add3A_285, %iota3A : vector<16xi32>
          %and3A_287 = arith.constant 63 : i32
          %and3A_288 = vector.broadcast %and3A_287 : i32 to vector<16xi32>
          %and3A_289 = arith.andi %add3A_286, %and3A_288 : vector<16xi32>
          %add3A_290 = arith.addi %add3A_68, %and3A_289 : vector<16xi32>
          %gather3A_291 = tpu.vector_load_idx %arg6[%broadcast_in_dim3A_62, %add3A_290] : memref<8x4096xf32, #tpu.memory_space<vmem>>[vector<16xi32>, vector<16xi32>], vector<16xf32>,
          %add3A_292 = arith.constant 2 : i32
          %add3A_293 = arith.addi %mul3A_273, %add3A_292 : i32
          %add3A_294 = vector.broadcast %add3A_293 : i32 to vector<16xi32>
          %add3A_295 = arith.addi %add3A_294, %iota3A : vector<16xi32>
          %and3A_296 = arith.constant 63 : i32
          %and3A_297 = vector.broadcast %and3A_296 : i32 to vector<16xi32>
          %and3A_298 = arith.andi %add3A_295, %and3A_297 : vector<16xi32>
          %add3A_299 = arith.addi %add3A_68, %and3A_298 : vector<16xi32>
          %gather3A_300 = tpu.vector_load_idx %arg6[%broadcast_in_dim3A_62, %add3A_299] : memref<8x4096xf32, #tpu.memory_space<vmem>>[vector<16xi32>, vector<16xi32>], vector<16xf32>,
          %add3A_301 = arith.constant 3 : i32
          %add3A_302 = arith.addi %mul3A_273, %add3A_301 : i32
          %add3A_303 = vector.broadcast %add3A_302 : i32 to vector<16xi32>
          %add3A_304 = arith.addi %add3A_303, %iota3A : vector<16xi32>
          %and3A_305 = arith.constant 63 : i32
          %and3A_306 = vector.broadcast %and3A_305 : i32 to vector<16xi32>
          %and3A_307 = arith.andi %add3A_304, %and3A_306 : vector<16xi32>
          %add3A_308 = arith.addi %add3A_68, %and3A_307 : vector<16xi32>
          %gather3A_309 = tpu.vector_load_idx %arg6[%broadcast_in_dim3A_62, %add3A_308] : memref<8x4096xf32, #tpu.memory_space<vmem>>[vector<16xi32>, vector<16xi32>], vector<16xf32>,
          %min3A_310 = arith.minimumf %min3A_266, %gather3A_282 : vector<16xf32>
          %min3A_311 = arith.minimumf %min3A_267, %gather3A_291 : vector<16xf32>
          %min3A_312 = arith.minimumf %min3A_268, %gather3A_300 : vector<16xf32>
          %min3A_313 = arith.minimumf %min3A_269, %gather3A_309 : vector<16xf32>
          %scan3A_314 = arith.constant 2 : i32
          %scan3A_315 = arith.addi %scan3A_224, %scan3A_314 : i32
          %mul3A_316 = arith.constant 4 : i32
          %mul3A_317 = arith.muli %scan3A_315, %mul3A_316 : i32
          %add3A_318 = arith.constant 0 : i32
          %add3A_319 = arith.addi %mul3A_317, %add3A_318 : i32
          %add3A_320 = vector.broadcast %add3A_319 : i32 to vector<16xi32>
          %add3A_321 = arith.addi %add3A_320, %iota3A : vector<16xi32>
          %and3A_322 = arith.constant 63 : i32
          %and3A_323 = vector.broadcast %and3A_322 : i32 to vector<16xi32>
          %and3A_324 = arith.andi %add3A_321, %and3A_323 : vector<16xi32>
          %add3A_325 = arith.addi %add3A_68, %and3A_324 : vector<16xi32>
          %gather3A_326 = tpu.vector_load_idx %arg6[%broadcast_in_dim3A_62, %add3A_325] : memref<8x4096xf32, #tpu.memory_space<vmem>>[vector<16xi32>, vector<16xi32>], vector<16xf32>,
          %add3A_327 = arith.constant 1 : i32
          %add3A_328 = arith.addi %mul3A_317, %add3A_327 : i32
          %add3A_329 = vector.broadcast %add3A_328 : i32 to vector<16xi32>
          %add3A_330 = arith.addi %add3A_329, %iota3A : vector<16xi32>
          %and3A_331 = arith.constant 63 : i32
          %and3A_332 = vector.broadcast %and3A_331 : i32 to vector<16xi32>
          %and3A_333 = arith.andi %add3A_330, %and3A_332 : vector<16xi32>
          %add3A_334 = arith.addi %add3A_68, %and3A_333 : vector<16xi32>
          %gather3A_335 = tpu.vector_load_idx %arg6[%broadcast_in_dim3A_62, %add3A_334] : memref<8x4096xf32, #tpu.memory_space<vmem>>[vector<16xi32>, vector<16xi32>], vector<16xf32>,
          %add3A_336 = arith.constant 2 : i32
          %add3A_337 = arith.addi %mul3A_317, %add3A_336 : i32
          %add3A_338 = vector.broadcast %add3A_337 : i32 to vector<16xi32>
          %add3A_339 = arith.addi %add3A_338, %iota3A : vector<16xi32>
          %and3A_340 = arith.constant 63 : i32
          %and3A_341 = vector.broadcast %and3A_340 : i32 to vector<16xi32>
          %and3A_342 = arith.andi %add3A_339, %and3A_341 : vector<16xi32>
          %add3A_343 = arith.addi %add3A_68, %and3A_342 : vector<16xi32>
          %gather3A_344 = tpu.vector_load_idx %arg6[%broadcast_in_dim3A_62, %add3A_343] : memref<8x4096xf32, #tpu.memory_space<vmem>>[vector<16xi32>, vector<16xi32>], vector<16xf32>,
          %add3A_345 = arith.constant 3 : i32
          %add3A_346 = arith.addi %mul3A_317, %add3A_345 : i32
          %add3A_347 = vector.broadcast %add3A_346 : i32 to vector<16xi32>
          %add3A_348 = arith.addi %add3A_347, %iota3A : vector<16xi32>
          %and3A_349 = arith.constant 63 : i32
          %and3A_350 = vector.broadcast %and3A_349 : i32 to vector<16xi32>
          %and3A_351 = arith.andi %add3A_348, %and3A_350 : vector<16xi32>
          %add3A_352 = arith.addi %add3A_68, %and3A_351 : vector<16xi32>
          %gather3A_353 = tpu.vector_load_idx %arg6[%broadcast_in_dim3A_62, %add3A_352] : memref<8x4096xf32, #tpu.memory_space<vmem>>[vector<16xi32>, vector<16xi32>], vector<16xf32>,
          %min3A_354 = arith.minimumf %min3A_310, %gather3A_326 : vector<16xf32>
          %min3A_355 = arith.minimumf %min3A_311, %gather3A_335 : vector<16xf32>
          %min3A_356 = arith.minimumf %min3A_312, %gather3A_344 : vector<16xf32>
          %min3A_357 = arith.minimumf %min3A_313, %gather3A_353 : vector<16xf32>
          %scan3A_358 = arith.constant 3 : i32
          %scan3A_359 = arith.addi %scan3A_224, %scan3A_358 : i32
          %mul3A_360 = arith.constant 4 : i32
          %mul3A_361 = arith.muli %scan3A_359, %mul3A_360 : i32
          %add3A_362 = arith.constant 0 : i32
          %add3A_363 = arith.addi %mul3A_361, %add3A_362 : i32
          %add3A_364 = vector.broadcast %add3A_363 : i32 to vector<16xi32>
          %add3A_365 = arith.addi %add3A_364, %iota3A : vector<16xi32>
          %and3A_366 = arith.constant 63 : i32
          %and3A_367 = vector.broadcast %and3A_366 : i32 to vector<16xi32>
          %and3A_368 = arith.andi %add3A_365, %and3A_367 : vector<16xi32>
          %add3A_369 = arith.addi %add3A_68, %and3A_368 : vector<16xi32>
          %gather3A_370 = tpu.vector_load_idx %arg6[%broadcast_in_dim3A_62, %add3A_369] : memref<8x4096xf32, #tpu.memory_space<vmem>>[vector<16xi32>, vector<16xi32>], vector<16xf32>,
          %add3A_371 = arith.constant 1 : i32
          %add3A_372 = arith.addi %mul3A_361, %add3A_371 : i32
          %add3A_373 = vector.broadcast %add3A_372 : i32 to vector<16xi32>
          %add3A_374 = arith.addi %add3A_373, %iota3A : vector<16xi32>
          %and3A_375 = arith.constant 63 : i32
          %and3A_376 = vector.broadcast %and3A_375 : i32 to vector<16xi32>
          %and3A_377 = arith.andi %add3A_374, %and3A_376 : vector<16xi32>
          %add3A_378 = arith.addi %add3A_68, %and3A_377 : vector<16xi32>
          %gather3A_379 = tpu.vector_load_idx %arg6[%broadcast_in_dim3A_62, %add3A_378] : memref<8x4096xf32, #tpu.memory_space<vmem>>[vector<16xi32>, vector<16xi32>], vector<16xf32>,
          %add3A_380 = arith.constant 2 : i32
          %add3A_381 = arith.addi %mul3A_361, %add3A_380 : i32
          %add3A_382 = vector.broadcast %add3A_381 : i32 to vector<16xi32>
          %add3A_383 = arith.addi %add3A_382, %iota3A : vector<16xi32>
          %and3A_384 = arith.constant 63 : i32
          %and3A_385 = vector.broadcast %and3A_384 : i32 to vector<16xi32>
          %and3A_386 = arith.andi %add3A_383, %and3A_385 : vector<16xi32>
          %add3A_387 = arith.addi %add3A_68, %and3A_386 : vector<16xi32>
          %gather3A_388 = tpu.vector_load_idx %arg6[%broadcast_in_dim3A_62, %add3A_387] : memref<8x4096xf32, #tpu.memory_space<vmem>>[vector<16xi32>, vector<16xi32>], vector<16xf32>,
          %add3A_389 = arith.constant 3 : i32
          %add3A_390 = arith.addi %mul3A_361, %add3A_389 : i32
          %add3A_391 = vector.broadcast %add3A_390 : i32 to vector<16xi32>
          %add3A_392 = arith.addi %add3A_391, %iota3A : vector<16xi32>
          %and3A_393 = arith.constant 63 : i32
          %and3A_394 = vector.broadcast %and3A_393 : i32 to vector<16xi32>
          %and3A_395 = arith.andi %add3A_392, %and3A_394 : vector<16xi32>
          %add3A_396 = arith.addi %add3A_68, %and3A_395 : vector<16xi32>
          %gather3A_397 = tpu.vector_load_idx %arg6[%broadcast_in_dim3A_62, %add3A_396] : memref<8x4096xf32, #tpu.memory_space<vmem>>[vector<16xi32>, vector<16xi32>], vector<16xf32>,
          %min3A_398 = arith.minimumf %min3A_354, %gather3A_370 : vector<16xf32>
          %min3A_399 = arith.minimumf %min3A_355, %gather3A_379 : vector<16xf32>
          %min3A_400 = arith.minimumf %min3A_356, %gather3A_388 : vector<16xf32>
          %min3A_401 = arith.minimumf %min3A_357, %gather3A_397 : vector<16xf32>
          scf.yield %min3A_398, %min3A_399, %min3A_400, %min3A_401 : vector<16xf32>, vector<16xf32>, vector<16xf32>, vector<16xf32>
        }
        %scan3A_74 = arith.constant 16 : i32
        %min3A = arith.minimumf %scan3A_73#0, %scan3A_73#1 : vector<16xf32>
        %min3A_75 = arith.minimumf %scan3A_73#2, %scan3A_73#3 : vector<16xf32>
        %min3A_76 = arith.minimumf %min3A, %min3A_75 : vector<16xf32>
        %add3A_77 = arith.constant 1024 : i32
        %add3A_78 = vector.broadcast %add3A_77 : i32 to vector<16xi32>
        %add3A_79 = arith.addi %mul3A_65, %add3A_78 : vector<16xi32>
        %scan3A_80 = arith.constant 0 : i32
        %scan3A_81 = arith.constant 16 : i32
        %scan3A_82 = arith.addi %scan3A_80, %scan3A_81 : i32
        %scan3A_83 = arith.constant 4 : i32
        %scan3A_84:4 = scf.for %scan3A_224 = %scan3A_80 to %scan3A_82 step %scan3A_83 iter_args(%scan3A_225 = %broadcast_in_dim3A_3, %scan3A_226 = %broadcast_in_dim3A_3, %scan3A_227 = %broadcast_in_dim3A_3, %scan3A_228 = %broadcast_in_dim3A_3) -> (vector<16xf32>, vector<16xf32>, vector<16xf32>, vector<16xf32>)  : i32 {
          %mul3A_229 = arith.constant 4 : i32
          %mul3A_230 = arith.muli %scan3A_224, %mul3A_229 : i32
          %add3A_231 = arith.constant 0 : i32
          %add3A_232 = arith.addi %mul3A_230, %add3A_231 : i32
          %add3A_233 = vector.broadcast %add3A_232 : i32 to vector<16xi32>
          %add3A_234 = arith.addi %add3A_233, %iota3A : vector<16xi32>
          %and3A_235 = arith.constant 63 : i32
          %and3A_236 = vector.broadcast %and3A_235 : i32 to vector<16xi32>
          %and3A_237 = arith.andi %add3A_234, %and3A_236 : vector<16xi32>
          %add3A_238 = arith.addi %add3A_79, %and3A_237 : vector<16xi32>
          %gather3A = tpu.vector_load_idx %arg6[%broadcast_in_dim3A_62, %add3A_238] : memref<8x4096xf32, #tpu.memory_space<vmem>>[vector<16xi32>, vector<16xi32>], vector<16xf32>,
          %add3A_239 = arith.constant 1 : i32
          %add3A_240 = arith.addi %mul3A_230, %add3A_239 : i32
          %add3A_241 = vector.broadcast %add3A_240 : i32 to vector<16xi32>
          %add3A_242 = arith.addi %add3A_241, %iota3A : vector<16xi32>
          %and3A_243 = arith.constant 63 : i32
          %and3A_244 = vector.broadcast %and3A_243 : i32 to vector<16xi32>
          %and3A_245 = arith.andi %add3A_242, %and3A_244 : vector<16xi32>
          %add3A_246 = arith.addi %add3A_79, %and3A_245 : vector<16xi32>
          %gather3A_247 = tpu.vector_load_idx %arg6[%broadcast_in_dim3A_62, %add3A_246] : memref<8x4096xf32, #tpu.memory_space<vmem>>[vector<16xi32>, vector<16xi32>], vector<16xf32>,
          %add3A_248 = arith.constant 2 : i32
          %add3A_249 = arith.addi %mul3A_230, %add3A_248 : i32
          %add3A_250 = vector.broadcast %add3A_249 : i32 to vector<16xi32>
          %add3A_251 = arith.addi %add3A_250, %iota3A : vector<16xi32>
          %and3A_252 = arith.constant 63 : i32
          %and3A_253 = vector.broadcast %and3A_252 : i32 to vector<16xi32>
          %and3A_254 = arith.andi %add3A_251, %and3A_253 : vector<16xi32>
          %add3A_255 = arith.addi %add3A_79, %and3A_254 : vector<16xi32>
          %gather3A_256 = tpu.vector_load_idx %arg6[%broadcast_in_dim3A_62, %add3A_255] : memref<8x4096xf32, #tpu.memory_space<vmem>>[vector<16xi32>, vector<16xi32>], vector<16xf32>,
          %add3A_257 = arith.constant 3 : i32
          %add3A_258 = arith.addi %mul3A_230, %add3A_257 : i32
          %add3A_259 = vector.broadcast %add3A_258 : i32 to vector<16xi32>
          %add3A_260 = arith.addi %add3A_259, %iota3A : vector<16xi32>
          %and3A_261 = arith.constant 63 : i32
          %and3A_262 = vector.broadcast %and3A_261 : i32 to vector<16xi32>
          %and3A_263 = arith.andi %add3A_260, %and3A_262 : vector<16xi32>
          %add3A_264 = arith.addi %add3A_79, %and3A_263 : vector<16xi32>
          %gather3A_265 = tpu.vector_load_idx %arg6[%broadcast_in_dim3A_62, %add3A_264] : memref<8x4096xf32, #tpu.memory_space<vmem>>[vector<16xi32>, vector<16xi32>], vector<16xf32>,
          %min3A_266 = arith.minimumf %scan3A_225, %gather3A : vector<16xf32>
          %min3A_267 = arith.minimumf %scan3A_226, %gather3A_247 : vector<16xf32>
          %min3A_268 = arith.minimumf %scan3A_227, %gather3A_256 : vector<16xf32>
          %min3A_269 = arith.minimumf %scan3A_228, %gather3A_265 : vector<16xf32>
          %scan3A_270 = arith.constant 1 : i32
          %scan3A_271 = arith.addi %scan3A_224, %scan3A_270 : i32
          %mul3A_272 = arith.constant 4 : i32
          %mul3A_273 = arith.muli %scan3A_271, %mul3A_272 : i32
          %add3A_274 = arith.constant 0 : i32
          %add3A_275 = arith.addi %mul3A_273, %add3A_274 : i32
          %add3A_276 = vector.broadcast %add3A_275 : i32 to vector<16xi32>
          %add3A_277 = arith.addi %add3A_276, %iota3A : vector<16xi32>
          %and3A_278 = arith.constant 63 : i32
          %and3A_279 = vector.broadcast %and3A_278 : i32 to vector<16xi32>
          %and3A_280 = arith.andi %add3A_277, %and3A_279 : vector<16xi32>
          %add3A_281 = arith.addi %add3A_79, %and3A_280 : vector<16xi32>
          %gather3A_282 = tpu.vector_load_idx %arg6[%broadcast_in_dim3A_62, %add3A_281] : memref<8x4096xf32, #tpu.memory_space<vmem>>[vector<16xi32>, vector<16xi32>], vector<16xf32>,
          %add3A_283 = arith.constant 1 : i32
          %add3A_284 = arith.addi %mul3A_273, %add3A_283 : i32
          %add3A_285 = vector.broadcast %add3A_284 : i32 to vector<16xi32>
          %add3A_286 = arith.addi %add3A_285, %iota3A : vector<16xi32>
          %and3A_287 = arith.constant 63 : i32
          %and3A_288 = vector.broadcast %and3A_287 : i32 to vector<16xi32>
          %and3A_289 = arith.andi %add3A_286, %and3A_288 : vector<16xi32>
          %add3A_290 = arith.addi %add3A_79, %and3A_289 : vector<16xi32>
          %gather3A_291 = tpu.vector_load_idx %arg6[%broadcast_in_dim3A_62, %add3A_290] : memref<8x4096xf32, #tpu.memory_space<vmem>>[vector<16xi32>, vector<16xi32>], vector<16xf32>,
          %add3A_292 = arith.constant 2 : i32
          %add3A_293 = arith.addi %mul3A_273, %add3A_292 : i32
          %add3A_294 = vector.broadcast %add3A_293 : i32 to vector<16xi32>
          %add3A_295 = arith.addi %add3A_294, %iota3A : vector<16xi32>
          %and3A_296 = arith.constant 63 : i32
          %and3A_297 = vector.broadcast %and3A_296 : i32 to vector<16xi32>
          %and3A_298 = arith.andi %add3A_295, %and3A_297 : vector<16xi32>
          %add3A_299 = arith.addi %add3A_79, %and3A_298 : vector<16xi32>
          %gather3A_300 = tpu.vector_load_idx %arg6[%broadcast_in_dim3A_62, %add3A_299] : memref<8x4096xf32, #tpu.memory_space<vmem>>[vector<16xi32>, vector<16xi32>], vector<16xf32>,
          %add3A_301 = arith.constant 3 : i32
          %add3A_302 = arith.addi %mul3A_273, %add3A_301 : i32
          %add3A_303 = vector.broadcast %add3A_302 : i32 to vector<16xi32>
          %add3A_304 = arith.addi %add3A_303, %iota3A : vector<16xi32>
          %and3A_305 = arith.constant 63 : i32
          %and3A_306 = vector.broadcast %and3A_305 : i32 to vector<16xi32>
          %and3A_307 = arith.andi %add3A_304, %and3A_306 : vector<16xi32>
          %add3A_308 = arith.addi %add3A_79, %and3A_307 : vector<16xi32>
          %gather3A_309 = tpu.vector_load_idx %arg6[%broadcast_in_dim3A_62, %add3A_308] : memref<8x4096xf32, #tpu.memory_space<vmem>>[vector<16xi32>, vector<16xi32>], vector<16xf32>,
          %min3A_310 = arith.minimumf %min3A_266, %gather3A_282 : vector<16xf32>
          %min3A_311 = arith.minimumf %min3A_267, %gather3A_291 : vector<16xf32>
          %min3A_312 = arith.minimumf %min3A_268, %gather3A_300 : vector<16xf32>
          %min3A_313 = arith.minimumf %min3A_269, %gather3A_309 : vector<16xf32>
          %scan3A_314 = arith.constant 2 : i32
          %scan3A_315 = arith.addi %scan3A_224, %scan3A_314 : i32
          %mul3A_316 = arith.constant 4 : i32
          %mul3A_317 = arith.muli %scan3A_315, %mul3A_316 : i32
          %add3A_318 = arith.constant 0 : i32
          %add3A_319 = arith.addi %mul3A_317, %add3A_318 : i32
          %add3A_320 = vector.broadcast %add3A_319 : i32 to vector<16xi32>
          %add3A_321 = arith.addi %add3A_320, %iota3A : vector<16xi32>
          %and3A_322 = arith.constant 63 : i32
          %and3A_323 = vector.broadcast %and3A_322 : i32 to vector<16xi32>
          %and3A_324 = arith.andi %add3A_321, %and3A_323 : vector<16xi32>
          %add3A_325 = arith.addi %add3A_79, %and3A_324 : vector<16xi32>
          %gather3A_326 = tpu.vector_load_idx %arg6[%broadcast_in_dim3A_62, %add3A_325] : memref<8x4096xf32, #tpu.memory_space<vmem>>[vector<16xi32>, vector<16xi32>], vector<16xf32>,
          %add3A_327 = arith.constant 1 : i32
          %add3A_328 = arith.addi %mul3A_317, %add3A_327 : i32
          %add3A_329 = vector.broadcast %add3A_328 : i32 to vector<16xi32>
          %add3A_330 = arith.addi %add3A_329, %iota3A : vector<16xi32>
          %and3A_331 = arith.constant 63 : i32
          %and3A_332 = vector.broadcast %and3A_331 : i32 to vector<16xi32>
          %and3A_333 = arith.andi %add3A_330, %and3A_332 : vector<16xi32>
          %add3A_334 = arith.addi %add3A_79, %and3A_333 : vector<16xi32>
          %gather3A_335 = tpu.vector_load_idx %arg6[%broadcast_in_dim3A_62, %add3A_334] : memref<8x4096xf32, #tpu.memory_space<vmem>>[vector<16xi32>, vector<16xi32>], vector<16xf32>,
          %add3A_336 = arith.constant 2 : i32
          %add3A_337 = arith.addi %mul3A_317, %add3A_336 : i32
          %add3A_338 = vector.broadcast %add3A_337 : i32 to vector<16xi32>
          %add3A_339 = arith.addi %add3A_338, %iota3A : vector<16xi32>
          %and3A_340 = arith.constant 63 : i32
          %and3A_341 = vector.broadcast %and3A_340 : i32 to vector<16xi32>
          %and3A_342 = arith.andi %add3A_339, %and3A_341 : vector<16xi32>
          %add3A_343 = arith.addi %add3A_79, %and3A_342 : vector<16xi32>
          %gather3A_344 = tpu.vector_load_idx %arg6[%broadcast_in_dim3A_62, %add3A_343] : memref<8x4096xf32, #tpu.memory_space<vmem>>[vector<16xi32>, vector<16xi32>], vector<16xf32>,
          %add3A_345 = arith.constant 3 : i32
          %add3A_346 = arith.addi %mul3A_317, %add3A_345 : i32
          %add3A_347 = vector.broadcast %add3A_346 : i32 to vector<16xi32>
          %add3A_348 = arith.addi %add3A_347, %iota3A : vector<16xi32>
          %and3A_349 = arith.constant 63 : i32
          %and3A_350 = vector.broadcast %and3A_349 : i32 to vector<16xi32>
          %and3A_351 = arith.andi %add3A_348, %and3A_350 : vector<16xi32>
          %add3A_352 = arith.addi %add3A_79, %and3A_351 : vector<16xi32>
          %gather3A_353 = tpu.vector_load_idx %arg6[%broadcast_in_dim3A_62, %add3A_352] : memref<8x4096xf32, #tpu.memory_space<vmem>>[vector<16xi32>, vector<16xi32>], vector<16xf32>,
          %min3A_354 = arith.minimumf %min3A_310, %gather3A_326 : vector<16xf32>
          %min3A_355 = arith.minimumf %min3A_311, %gather3A_335 : vector<16xf32>
          %min3A_356 = arith.minimumf %min3A_312, %gather3A_344 : vector<16xf32>
          %min3A_357 = arith.minimumf %min3A_313, %gather3A_353 : vector<16xf32>
          %scan3A_358 = arith.constant 3 : i32
          %scan3A_359 = arith.addi %scan3A_224, %scan3A_358 : i32
          %mul3A_360 = arith.constant 4 : i32
          %mul3A_361 = arith.muli %scan3A_359, %mul3A_360 : i32
          %add3A_362 = arith.constant 0 : i32
          %add3A_363 = arith.addi %mul3A_361, %add3A_362 : i32
          %add3A_364 = vector.broadcast %add3A_363 : i32 to vector<16xi32>
          %add3A_365 = arith.addi %add3A_364, %iota3A : vector<16xi32>
          %and3A_366 = arith.constant 63 : i32
          %and3A_367 = vector.broadcast %and3A_366 : i32 to vector<16xi32>
          %and3A_368 = arith.andi %add3A_365, %and3A_367 : vector<16xi32>
          %add3A_369 = arith.addi %add3A_79, %and3A_368 : vector<16xi32>
          %gather3A_370 = tpu.vector_load_idx %arg6[%broadcast_in_dim3A_62, %add3A_369] : memref<8x4096xf32, #tpu.memory_space<vmem>>[vector<16xi32>, vector<16xi32>], vector<16xf32>,
          %add3A_371 = arith.constant 1 : i32
          %add3A_372 = arith.addi %mul3A_361, %add3A_371 : i32
          %add3A_373 = vector.broadcast %add3A_372 : i32 to vector<16xi32>
          %add3A_374 = arith.addi %add3A_373, %iota3A : vector<16xi32>
          %and3A_375 = arith.constant 63 : i32
          %and3A_376 = vector.broadcast %and3A_375 : i32 to vector<16xi32>
          %and3A_377 = arith.andi %add3A_374, %and3A_376 : vector<16xi32>
          %add3A_378 = arith.addi %add3A_79, %and3A_377 : vector<16xi32>
          %gather3A_379 = tpu.vector_load_idx %arg6[%broadcast_in_dim3A_62, %add3A_378] : memref<8x4096xf32, #tpu.memory_space<vmem>>[vector<16xi32>, vector<16xi32>], vector<16xf32>,
          %add3A_380 = arith.constant 2 : i32
          %add3A_381 = arith.addi %mul3A_361, %add3A_380 : i32
          %add3A_382 = vector.broadcast %add3A_381 : i32 to vector<16xi32>
          %add3A_383 = arith.addi %add3A_382, %iota3A : vector<16xi32>
          %and3A_384 = arith.constant 63 : i32
          %and3A_385 = vector.broadcast %and3A_384 : i32 to vector<16xi32>
          %and3A_386 = arith.andi %add3A_383, %and3A_385 : vector<16xi32>
          %add3A_387 = arith.addi %add3A_79, %and3A_386 : vector<16xi32>
          %gather3A_388 = tpu.vector_load_idx %arg6[%broadcast_in_dim3A_62, %add3A_387] : memref<8x4096xf32, #tpu.memory_space<vmem>>[vector<16xi32>, vector<16xi32>], vector<16xf32>,
          %add3A_389 = arith.constant 3 : i32
          %add3A_390 = arith.addi %mul3A_361, %add3A_389 : i32
          %add3A_391 = vector.broadcast %add3A_390 : i32 to vector<16xi32>
          %add3A_392 = arith.addi %add3A_391, %iota3A : vector<16xi32>
          %and3A_393 = arith.constant 63 : i32
          %and3A_394 = vector.broadcast %and3A_393 : i32 to vector<16xi32>
          %and3A_395 = arith.andi %add3A_392, %and3A_394 : vector<16xi32>
          %add3A_396 = arith.addi %add3A_79, %and3A_395 : vector<16xi32>
          %gather3A_397 = tpu.vector_load_idx %arg6[%broadcast_in_dim3A_62, %add3A_396] : memref<8x4096xf32, #tpu.memory_space<vmem>>[vector<16xi32>, vector<16xi32>], vector<16xf32>,
          %min3A_398 = arith.minimumf %min3A_354, %gather3A_370 : vector<16xf32>
          %min3A_399 = arith.minimumf %min3A_355, %gather3A_379 : vector<16xf32>
          %min3A_400 = arith.minimumf %min3A_356, %gather3A_388 : vector<16xf32>
          %min3A_401 = arith.minimumf %min3A_357, %gather3A_397 : vector<16xf32>
          scf.yield %min3A_398, %min3A_399, %min3A_400, %min3A_401 : vector<16xf32>, vector<16xf32>, vector<16xf32>, vector<16xf32>
        }
        %scan3A_85 = arith.constant 16 : i32
        %min3A_86 = arith.minimumf %scan3A_84#0, %scan3A_84#1 : vector<16xf32>
        %min3A_87 = arith.minimumf %scan3A_84#2, %scan3A_84#3 : vector<16xf32>
        %min3A_88 = arith.minimumf %min3A_86, %min3A_87 : vector<16xf32>
        %add3A_89 = arith.constant 2048 : i32
        %add3A_90 = vector.broadcast %add3A_89 : i32 to vector<16xi32>
        %add3A_91 = arith.addi %mul3A_65, %add3A_90 : vector<16xi32>
        %scan3A_92 = arith.constant 0 : i32
        %scan3A_93 = arith.constant 16 : i32
        %scan3A_94 = arith.addi %scan3A_92, %scan3A_93 : i32
        %scan3A_95 = arith.constant 4 : i32
        %scan3A_96:4 = scf.for %scan3A_224 = %scan3A_92 to %scan3A_94 step %scan3A_95 iter_args(%scan3A_225 = %broadcast_in_dim3A_3, %scan3A_226 = %broadcast_in_dim3A_3, %scan3A_227 = %broadcast_in_dim3A_3, %scan3A_228 = %broadcast_in_dim3A_3) -> (vector<16xf32>, vector<16xf32>, vector<16xf32>, vector<16xf32>)  : i32 {
          %mul3A_229 = arith.constant 4 : i32
          %mul3A_230 = arith.muli %scan3A_224, %mul3A_229 : i32
          %add3A_231 = arith.constant 0 : i32
          %add3A_232 = arith.addi %mul3A_230, %add3A_231 : i32
          %add3A_233 = vector.broadcast %add3A_232 : i32 to vector<16xi32>
          %add3A_234 = arith.addi %add3A_233, %iota3A : vector<16xi32>
          %and3A_235 = arith.constant 63 : i32
          %and3A_236 = vector.broadcast %and3A_235 : i32 to vector<16xi32>
          %and3A_237 = arith.andi %add3A_234, %and3A_236 : vector<16xi32>
          %add3A_238 = arith.addi %add3A_91, %and3A_237 : vector<16xi32>
          %gather3A = tpu.vector_load_idx %arg6[%broadcast_in_dim3A_62, %add3A_238] : memref<8x4096xf32, #tpu.memory_space<vmem>>[vector<16xi32>, vector<16xi32>], vector<16xf32>,
          %add3A_239 = arith.constant 1 : i32
          %add3A_240 = arith.addi %mul3A_230, %add3A_239 : i32
          %add3A_241 = vector.broadcast %add3A_240 : i32 to vector<16xi32>
          %add3A_242 = arith.addi %add3A_241, %iota3A : vector<16xi32>
          %and3A_243 = arith.constant 63 : i32
          %and3A_244 = vector.broadcast %and3A_243 : i32 to vector<16xi32>
          %and3A_245 = arith.andi %add3A_242, %and3A_244 : vector<16xi32>
          %add3A_246 = arith.addi %add3A_91, %and3A_245 : vector<16xi32>
          %gather3A_247 = tpu.vector_load_idx %arg6[%broadcast_in_dim3A_62, %add3A_246] : memref<8x4096xf32, #tpu.memory_space<vmem>>[vector<16xi32>, vector<16xi32>], vector<16xf32>,
          %add3A_248 = arith.constant 2 : i32
          %add3A_249 = arith.addi %mul3A_230, %add3A_248 : i32
          %add3A_250 = vector.broadcast %add3A_249 : i32 to vector<16xi32>
          %add3A_251 = arith.addi %add3A_250, %iota3A : vector<16xi32>
          %and3A_252 = arith.constant 63 : i32
          %and3A_253 = vector.broadcast %and3A_252 : i32 to vector<16xi32>
          %and3A_254 = arith.andi %add3A_251, %and3A_253 : vector<16xi32>
          %add3A_255 = arith.addi %add3A_91, %and3A_254 : vector<16xi32>
          %gather3A_256 = tpu.vector_load_idx %arg6[%broadcast_in_dim3A_62, %add3A_255] : memref<8x4096xf32, #tpu.memory_space<vmem>>[vector<16xi32>, vector<16xi32>], vector<16xf32>,
          %add3A_257 = arith.constant 3 : i32
          %add3A_258 = arith.addi %mul3A_230, %add3A_257 : i32
          %add3A_259 = vector.broadcast %add3A_258 : i32 to vector<16xi32>
          %add3A_260 = arith.addi %add3A_259, %iota3A : vector<16xi32>
          %and3A_261 = arith.constant 63 : i32
          %and3A_262 = vector.broadcast %and3A_261 : i32 to vector<16xi32>
          %and3A_263 = arith.andi %add3A_260, %and3A_262 : vector<16xi32>
          %add3A_264 = arith.addi %add3A_91, %and3A_263 : vector<16xi32>
          %gather3A_265 = tpu.vector_load_idx %arg6[%broadcast_in_dim3A_62, %add3A_264] : memref<8x4096xf32, #tpu.memory_space<vmem>>[vector<16xi32>, vector<16xi32>], vector<16xf32>,
          %min3A_266 = arith.minimumf %scan3A_225, %gather3A : vector<16xf32>
          %min3A_267 = arith.minimumf %scan3A_226, %gather3A_247 : vector<16xf32>
          %min3A_268 = arith.minimumf %scan3A_227, %gather3A_256 : vector<16xf32>
          %min3A_269 = arith.minimumf %scan3A_228, %gather3A_265 : vector<16xf32>
          %scan3A_270 = arith.constant 1 : i32
          %scan3A_271 = arith.addi %scan3A_224, %scan3A_270 : i32
          %mul3A_272 = arith.constant 4 : i32
          %mul3A_273 = arith.muli %scan3A_271, %mul3A_272 : i32
          %add3A_274 = arith.constant 0 : i32
          %add3A_275 = arith.addi %mul3A_273, %add3A_274 : i32
          %add3A_276 = vector.broadcast %add3A_275 : i32 to vector<16xi32>
          %add3A_277 = arith.addi %add3A_276, %iota3A : vector<16xi32>
          %and3A_278 = arith.constant 63 : i32
          %and3A_279 = vector.broadcast %and3A_278 : i32 to vector<16xi32>
          %and3A_280 = arith.andi %add3A_277, %and3A_279 : vector<16xi32>
          %add3A_281 = arith.addi %add3A_91, %and3A_280 : vector<16xi32>
          %gather3A_282 = tpu.vector_load_idx %arg6[%broadcast_in_dim3A_62, %add3A_281] : memref<8x4096xf32, #tpu.memory_space<vmem>>[vector<16xi32>, vector<16xi32>], vector<16xf32>,
          %add3A_283 = arith.constant 1 : i32
          %add3A_284 = arith.addi %mul3A_273, %add3A_283 : i32
          %add3A_285 = vector.broadcast %add3A_284 : i32 to vector<16xi32>
          %add3A_286 = arith.addi %add3A_285, %iota3A : vector<16xi32>
          %and3A_287 = arith.constant 63 : i32
          %and3A_288 = vector.broadcast %and3A_287 : i32 to vector<16xi32>
          %and3A_289 = arith.andi %add3A_286, %and3A_288 : vector<16xi32>
          %add3A_290 = arith.addi %add3A_91, %and3A_289 : vector<16xi32>
          %gather3A_291 = tpu.vector_load_idx %arg6[%broadcast_in_dim3A_62, %add3A_290] : memref<8x4096xf32, #tpu.memory_space<vmem>>[vector<16xi32>, vector<16xi32>], vector<16xf32>,
          %add3A_292 = arith.constant 2 : i32
          %add3A_293 = arith.addi %mul3A_273, %add3A_292 : i32
          %add3A_294 = vector.broadcast %add3A_293 : i32 to vector<16xi32>
          %add3A_295 = arith.addi %add3A_294, %iota3A : vector<16xi32>
          %and3A_296 = arith.constant 63 : i32
          %and3A_297 = vector.broadcast %and3A_296 : i32 to vector<16xi32>
          %and3A_298 = arith.andi %add3A_295, %and3A_297 : vector<16xi32>
          %add3A_299 = arith.addi %add3A_91, %and3A_298 : vector<16xi32>
          %gather3A_300 = tpu.vector_load_idx %arg6[%broadcast_in_dim3A_62, %add3A_299] : memref<8x4096xf32, #tpu.memory_space<vmem>>[vector<16xi32>, vector<16xi32>], vector<16xf32>,
          %add3A_301 = arith.constant 3 : i32
          %add3A_302 = arith.addi %mul3A_273, %add3A_301 : i32
          %add3A_303 = vector.broadcast %add3A_302 : i32 to vector<16xi32>
          %add3A_304 = arith.addi %add3A_303, %iota3A : vector<16xi32>
          %and3A_305 = arith.constant 63 : i32
          %and3A_306 = vector.broadcast %and3A_305 : i32 to vector<16xi32>
          %and3A_307 = arith.andi %add3A_304, %and3A_306 : vector<16xi32>
          %add3A_308 = arith.addi %add3A_91, %and3A_307 : vector<16xi32>
          %gather3A_309 = tpu.vector_load_idx %arg6[%broadcast_in_dim3A_62, %add3A_308] : memref<8x4096xf32, #tpu.memory_space<vmem>>[vector<16xi32>, vector<16xi32>], vector<16xf32>,
          %min3A_310 = arith.minimumf %min3A_266, %gather3A_282 : vector<16xf32>
          %min3A_311 = arith.minimumf %min3A_267, %gather3A_291 : vector<16xf32>
          %min3A_312 = arith.minimumf %min3A_268, %gather3A_300 : vector<16xf32>
          %min3A_313 = arith.minimumf %min3A_269, %gather3A_309 : vector<16xf32>
          %scan3A_314 = arith.constant 2 : i32
          %scan3A_315 = arith.addi %scan3A_224, %scan3A_314 : i32
          %mul3A_316 = arith.constant 4 : i32
          %mul3A_317 = arith.muli %scan3A_315, %mul3A_316 : i32
          %add3A_318 = arith.constant 0 : i32
          %add3A_319 = arith.addi %mul3A_317, %add3A_318 : i32
          %add3A_320 = vector.broadcast %add3A_319 : i32 to vector<16xi32>
          %add3A_321 = arith.addi %add3A_320, %iota3A : vector<16xi32>
          %and3A_322 = arith.constant 63 : i32
          %and3A_323 = vector.broadcast %and3A_322 : i32 to vector<16xi32>
          %and3A_324 = arith.andi %add3A_321, %and3A_323 : vector<16xi32>
          %add3A_325 = arith.addi %add3A_91, %and3A_324 : vector<16xi32>
          %gather3A_326 = tpu.vector_load_idx %arg6[%broadcast_in_dim3A_62, %add3A_325] : memref<8x4096xf32, #tpu.memory_space<vmem>>[vector<16xi32>, vector<16xi32>], vector<16xf32>,
          %add3A_327 = arith.constant 1 : i32
          %add3A_328 = arith.addi %mul3A_317, %add3A_327 : i32
          %add3A_329 = vector.broadcast %add3A_328 : i32 to vector<16xi32>
          %add3A_330 = arith.addi %add3A_329, %iota3A : vector<16xi32>
          %and3A_331 = arith.constant 63 : i32
          %and3A_332 = vector.broadcast %and3A_331 : i32 to vector<16xi32>
          %and3A_333 = arith.andi %add3A_330, %and3A_332 : vector<16xi32>
          %add3A_334 = arith.addi %add3A_91, %and3A_333 : vector<16xi32>
          %gather3A_335 = tpu.vector_load_idx %arg6[%broadcast_in_dim3A_62, %add3A_334] : memref<8x4096xf32, #tpu.memory_space<vmem>>[vector<16xi32>, vector<16xi32>], vector<16xf32>,
          %add3A_336 = arith.constant 2 : i32
          %add3A_337 = arith.addi %mul3A_317, %add3A_336 : i32
          %add3A_338 = vector.broadcast %add3A_337 : i32 to vector<16xi32>
          %add3A_339 = arith.addi %add3A_338, %iota3A : vector<16xi32>
          %and3A_340 = arith.constant 63 : i32
          %and3A_341 = vector.broadcast %and3A_340 : i32 to vector<16xi32>
          %and3A_342 = arith.andi %add3A_339, %and3A_341 : vector<16xi32>
          %add3A_343 = arith.addi %add3A_91, %and3A_342 : vector<16xi32>
          %gather3A_344 = tpu.vector_load_idx %arg6[%broadcast_in_dim3A_62, %add3A_343] : memref<8x4096xf32, #tpu.memory_space<vmem>>[vector<16xi32>, vector<16xi32>], vector<16xf32>,
          %add3A_345 = arith.constant 3 : i32
          %add3A_346 = arith.addi %mul3A_317, %add3A_345 : i32
          %add3A_347 = vector.broadcast %add3A_346 : i32 to vector<16xi32>
          %add3A_348 = arith.addi %add3A_347, %iota3A : vector<16xi32>
          %and3A_349 = arith.constant 63 : i32
          %and3A_350 = vector.broadcast %and3A_349 : i32 to vector<16xi32>
          %and3A_351 = arith.andi %add3A_348, %and3A_350 : vector<16xi32>
          %add3A_352 = arith.addi %add3A_91, %and3A_351 : vector<16xi32>
          %gather3A_353 = tpu.vector_load_idx %arg6[%broadcast_in_dim3A_62, %add3A_352] : memref<8x4096xf32, #tpu.memory_space<vmem>>[vector<16xi32>, vector<16xi32>], vector<16xf32>,
          %min3A_354 = arith.minimumf %min3A_310, %gather3A_326 : vector<16xf32>
          %min3A_355 = arith.minimumf %min3A_311, %gather3A_335 : vector<16xf32>
          %min3A_356 = arith.minimumf %min3A_312, %gather3A_344 : vector<16xf32>
          %min3A_357 = arith.minimumf %min3A_313, %gather3A_353 : vector<16xf32>
          %scan3A_358 = arith.constant 3 : i32
          %scan3A_359 = arith.addi %scan3A_224, %scan3A_358 : i32
          %mul3A_360 = arith.constant 4 : i32
          %mul3A_361 = arith.muli %scan3A_359, %mul3A_360 : i32
          %add3A_362 = arith.constant 0 : i32
          %add3A_363 = arith.addi %mul3A_361, %add3A_362 : i32
          %add3A_364 = vector.broadcast %add3A_363 : i32 to vector<16xi32>
          %add3A_365 = arith.addi %add3A_364, %iota3A : vector<16xi32>
          %and3A_366 = arith.constant 63 : i32
          %and3A_367 = vector.broadcast %and3A_366 : i32 to vector<16xi32>
          %and3A_368 = arith.andi %add3A_365, %and3A_367 : vector<16xi32>
          %add3A_369 = arith.addi %add3A_91, %and3A_368 : vector<16xi32>
          %gather3A_370 = tpu.vector_load_idx %arg6[%broadcast_in_dim3A_62, %add3A_369] : memref<8x4096xf32, #tpu.memory_space<vmem>>[vector<16xi32>, vector<16xi32>], vector<16xf32>,
          %add3A_371 = arith.constant 1 : i32
          %add3A_372 = arith.addi %mul3A_361, %add3A_371 : i32
          %add3A_373 = vector.broadcast %add3A_372 : i32 to vector<16xi32>
          %add3A_374 = arith.addi %add3A_373, %iota3A : vector<16xi32>
          %and3A_375 = arith.constant 63 : i32
          %and3A_376 = vector.broadcast %and3A_375 : i32 to vector<16xi32>
          %and3A_377 = arith.andi %add3A_374, %and3A_376 : vector<16xi32>
          %add3A_378 = arith.addi %add3A_91, %and3A_377 : vector<16xi32>
          %gather3A_379 = tpu.vector_load_idx %arg6[%broadcast_in_dim3A_62, %add3A_378] : memref<8x4096xf32, #tpu.memory_space<vmem>>[vector<16xi32>, vector<16xi32>], vector<16xf32>,
          %add3A_380 = arith.constant 2 : i32
          %add3A_381 = arith.addi %mul3A_361, %add3A_380 : i32
          %add3A_382 = vector.broadcast %add3A_381 : i32 to vector<16xi32>
          %add3A_383 = arith.addi %add3A_382, %iota3A : vector<16xi32>
          %and3A_384 = arith.constant 63 : i32
          %and3A_385 = vector.broadcast %and3A_384 : i32 to vector<16xi32>
          %and3A_386 = arith.andi %add3A_383, %and3A_385 : vector<16xi32>
          %add3A_387 = arith.addi %add3A_91, %and3A_386 : vector<16xi32>
          %gather3A_388 = tpu.vector_load_idx %arg6[%broadcast_in_dim3A_62, %add3A_387] : memref<8x4096xf32, #tpu.memory_space<vmem>>[vector<16xi32>, vector<16xi32>], vector<16xf32>,
          %add3A_389 = arith.constant 3 : i32
          %add3A_390 = arith.addi %mul3A_361, %add3A_389 : i32
          %add3A_391 = vector.broadcast %add3A_390 : i32 to vector<16xi32>
          %add3A_392 = arith.addi %add3A_391, %iota3A : vector<16xi32>
          %and3A_393 = arith.constant 63 : i32
          %and3A_394 = vector.broadcast %and3A_393 : i32 to vector<16xi32>
          %and3A_395 = arith.andi %add3A_392, %and3A_394 : vector<16xi32>
          %add3A_396 = arith.addi %add3A_91, %and3A_395 : vector<16xi32>
          %gather3A_397 = tpu.vector_load_idx %arg6[%broadcast_in_dim3A_62, %add3A_396] : memref<8x4096xf32, #tpu.memory_space<vmem>>[vector<16xi32>, vector<16xi32>], vector<16xf32>,
          %min3A_398 = arith.minimumf %min3A_354, %gather3A_370 : vector<16xf32>
          %min3A_399 = arith.minimumf %min3A_355, %gather3A_379 : vector<16xf32>
          %min3A_400 = arith.minimumf %min3A_356, %gather3A_388 : vector<16xf32>
          %min3A_401 = arith.minimumf %min3A_357, %gather3A_397 : vector<16xf32>
          scf.yield %min3A_398, %min3A_399, %min3A_400, %min3A_401 : vector<16xf32>, vector<16xf32>, vector<16xf32>, vector<16xf32>
        }
        %scan3A_97 = arith.constant 16 : i32
        %min3A_98 = arith.minimumf %scan3A_96#0, %scan3A_96#1 : vector<16xf32>
        %min3A_99 = arith.minimumf %scan3A_96#2, %scan3A_96#3 : vector<16xf32>
        %min3A_100 = arith.minimumf %min3A_98, %min3A_99 : vector<16xf32>
        %add3A_101 = arith.constant 3072 : i32
        %add3A_102 = vector.broadcast %add3A_101 : i32 to vector<16xi32>
        %add3A_103 = arith.addi %mul3A_65, %add3A_102 : vector<16xi32>
        %scan3A_104 = arith.constant 0 : i32
        %scan3A_105 = arith.constant 16 : i32
        %scan3A_106 = arith.addi %scan3A_104, %scan3A_105 : i32
        %scan3A_107 = arith.constant 4 : i32
        %scan3A_108:4 = scf.for %scan3A_224 = %scan3A_104 to %scan3A_106 step %scan3A_107 iter_args(%scan3A_225 = %broadcast_in_dim3A_3, %scan3A_226 = %broadcast_in_dim3A_3, %scan3A_227 = %broadcast_in_dim3A_3, %scan3A_228 = %broadcast_in_dim3A_3) -> (vector<16xf32>, vector<16xf32>, vector<16xf32>, vector<16xf32>)  : i32 {
          %mul3A_229 = arith.constant 4 : i32
          %mul3A_230 = arith.muli %scan3A_224, %mul3A_229 : i32
          %add3A_231 = arith.constant 0 : i32
          %add3A_232 = arith.addi %mul3A_230, %add3A_231 : i32
          %add3A_233 = vector.broadcast %add3A_232 : i32 to vector<16xi32>
          %add3A_234 = arith.addi %add3A_233, %iota3A : vector<16xi32>
          %and3A_235 = arith.constant 63 : i32
          %and3A_236 = vector.broadcast %and3A_235 : i32 to vector<16xi32>
          %and3A_237 = arith.andi %add3A_234, %and3A_236 : vector<16xi32>
          %add3A_238 = arith.addi %add3A_103, %and3A_237 : vector<16xi32>
          %gather3A = tpu.vector_load_idx %arg6[%broadcast_in_dim3A_62, %add3A_238] : memref<8x4096xf32, #tpu.memory_space<vmem>>[vector<16xi32>, vector<16xi32>], vector<16xf32>,
          %add3A_239 = arith.constant 1 : i32
          %add3A_240 = arith.addi %mul3A_230, %add3A_239 : i32
          %add3A_241 = vector.broadcast %add3A_240 : i32 to vector<16xi32>
          %add3A_242 = arith.addi %add3A_241, %iota3A : vector<16xi32>
          %and3A_243 = arith.constant 63 : i32
          %and3A_244 = vector.broadcast %and3A_243 : i32 to vector<16xi32>
          %and3A_245 = arith.andi %add3A_242, %and3A_244 : vector<16xi32>
          %add3A_246 = arith.addi %add3A_103, %and3A_245 : vector<16xi32>
          %gather3A_247 = tpu.vector_load_idx %arg6[%broadcast_in_dim3A_62, %add3A_246] : memref<8x4096xf32, #tpu.memory_space<vmem>>[vector<16xi32>, vector<16xi32>], vector<16xf32>,
          %add3A_248 = arith.constant 2 : i32
          %add3A_249 = arith.addi %mul3A_230, %add3A_248 : i32
          %add3A_250 = vector.broadcast %add3A_249 : i32 to vector<16xi32>
          %add3A_251 = arith.addi %add3A_250, %iota3A : vector<16xi32>
          %and3A_252 = arith.constant 63 : i32
          %and3A_253 = vector.broadcast %and3A_252 : i32 to vector<16xi32>
          %and3A_254 = arith.andi %add3A_251, %and3A_253 : vector<16xi32>
          %add3A_255 = arith.addi %add3A_103, %and3A_254 : vector<16xi32>
          %gather3A_256 = tpu.vector_load_idx %arg6[%broadcast_in_dim3A_62, %add3A_255] : memref<8x4096xf32, #tpu.memory_space<vmem>>[vector<16xi32>, vector<16xi32>], vector<16xf32>,
          %add3A_257 = arith.constant 3 : i32
          %add3A_258 = arith.addi %mul3A_230, %add3A_257 : i32
          %add3A_259 = vector.broadcast %add3A_258 : i32 to vector<16xi32>
          %add3A_260 = arith.addi %add3A_259, %iota3A : vector<16xi32>
          %and3A_261 = arith.constant 63 : i32
          %and3A_262 = vector.broadcast %and3A_261 : i32 to vector<16xi32>
          %and3A_263 = arith.andi %add3A_260, %and3A_262 : vector<16xi32>
          %add3A_264 = arith.addi %add3A_103, %and3A_263 : vector<16xi32>
          %gather3A_265 = tpu.vector_load_idx %arg6[%broadcast_in_dim3A_62, %add3A_264] : memref<8x4096xf32, #tpu.memory_space<vmem>>[vector<16xi32>, vector<16xi32>], vector<16xf32>,
          %min3A_266 = arith.minimumf %scan3A_225, %gather3A : vector<16xf32>
          %min3A_267 = arith.minimumf %scan3A_226, %gather3A_247 : vector<16xf32>
          %min3A_268 = arith.minimumf %scan3A_227, %gather3A_256 : vector<16xf32>
          %min3A_269 = arith.minimumf %scan3A_228, %gather3A_265 : vector<16xf32>
          %scan3A_270 = arith.constant 1 : i32
          %scan3A_271 = arith.addi %scan3A_224, %scan3A_270 : i32
          %mul3A_272 = arith.constant 4 : i32
          %mul3A_273 = arith.muli %scan3A_271, %mul3A_272 : i32
          %add3A_274 = arith.constant 0 : i32
          %add3A_275 = arith.addi %mul3A_273, %add3A_274 : i32
          %add3A_276 = vector.broadcast %add3A_275 : i32 to vector<16xi32>
          %add3A_277 = arith.addi %add3A_276, %iota3A : vector<16xi32>
          %and3A_278 = arith.constant 63 : i32
          %and3A_279 = vector.broadcast %and3A_278 : i32 to vector<16xi32>
          %and3A_280 = arith.andi %add3A_277, %and3A_279 : vector<16xi32>
          %add3A_281 = arith.addi %add3A_103, %and3A_280 : vector<16xi32>
          %gather3A_282 = tpu.vector_load_idx %arg6[%broadcast_in_dim3A_62, %add3A_281] : memref<8x4096xf32, #tpu.memory_space<vmem>>[vector<16xi32>, vector<16xi32>], vector<16xf32>,
          %add3A_283 = arith.constant 1 : i32
          %add3A_284 = arith.addi %mul3A_273, %add3A_283 : i32
          %add3A_285 = vector.broadcast %add3A_284 : i32 to vector<16xi32>
          %add3A_286 = arith.addi %add3A_285, %iota3A : vector<16xi32>
          %and3A_287 = arith.constant 63 : i32
          %and3A_288 = vector.broadcast %and3A_287 : i32 to vector<16xi32>
          %and3A_289 = arith.andi %add3A_286, %and3A_288 : vector<16xi32>
          %add3A_290 = arith.addi %add3A_103, %and3A_289 : vector<16xi32>
          %gather3A_291 = tpu.vector_load_idx %arg6[%broadcast_in_dim3A_62, %add3A_290] : memref<8x4096xf32, #tpu.memory_space<vmem>>[vector<16xi32>, vector<16xi32>], vector<16xf32>,
          %add3A_292 = arith.constant 2 : i32
          %add3A_293 = arith.addi %mul3A_273, %add3A_292 : i32
          %add3A_294 = vector.broadcast %add3A_293 : i32 to vector<16xi32>
          %add3A_295 = arith.addi %add3A_294, %iota3A : vector<16xi32>
          %and3A_296 = arith.constant 63 : i32
          %and3A_297 = vector.broadcast %and3A_296 : i32 to vector<16xi32>
          %and3A_298 = arith.andi %add3A_295, %and3A_297 : vector<16xi32>
          %add3A_299 = arith.addi %add3A_103, %and3A_298 : vector<16xi32>
          %gather3A_300 = tpu.vector_load_idx %arg6[%broadcast_in_dim3A_62, %add3A_299] : memref<8x4096xf32, #tpu.memory_space<vmem>>[vector<16xi32>, vector<16xi32>], vector<16xf32>,
          %add3A_301 = arith.constant 3 : i32
          %add3A_302 = arith.addi %mul3A_273, %add3A_301 : i32
          %add3A_303 = vector.broadcast %add3A_302 : i32 to vector<16xi32>
          %add3A_304 = arith.addi %add3A_303, %iota3A : vector<16xi32>
          %and3A_305 = arith.constant 63 : i32
          %and3A_306 = vector.broadcast %and3A_305 : i32 to vector<16xi32>
          %and3A_307 = arith.andi %add3A_304, %and3A_306 : vector<16xi32>
          %add3A_308 = arith.addi %add3A_103, %and3A_307 : vector<16xi32>
          %gather3A_309 = tpu.vector_load_idx %arg6[%broadcast_in_dim3A_62, %add3A_308] : memref<8x4096xf32, #tpu.memory_space<vmem>>[vector<16xi32>, vector<16xi32>], vector<16xf32>,
          %min3A_310 = arith.minimumf %min3A_266, %gather3A_282 : vector<16xf32>
          %min3A_311 = arith.minimumf %min3A_267, %gather3A_291 : vector<16xf32>
          %min3A_312 = arith.minimumf %min3A_268, %gather3A_300 : vector<16xf32>
          %min3A_313 = arith.minimumf %min3A_269, %gather3A_309 : vector<16xf32>
          %scan3A_314 = arith.constant 2 : i32
          %scan3A_315 = arith.addi %scan3A_224, %scan3A_314 : i32
          %mul3A_316 = arith.constant 4 : i32
          %mul3A_317 = arith.muli %scan3A_315, %mul3A_316 : i32
          %add3A_318 = arith.constant 0 : i32
          %add3A_319 = arith.addi %mul3A_317, %add3A_318 : i32
          %add3A_320 = vector.broadcast %add3A_319 : i32 to vector<16xi32>
          %add3A_321 = arith.addi %add3A_320, %iota3A : vector<16xi32>
          %and3A_322 = arith.constant 63 : i32
          %and3A_323 = vector.broadcast %and3A_322 : i32 to vector<16xi32>
          %and3A_324 = arith.andi %add3A_321, %and3A_323 : vector<16xi32>
          %add3A_325 = arith.addi %add3A_103, %and3A_324 : vector<16xi32>
          %gather3A_326 = tpu.vector_load_idx %arg6[%broadcast_in_dim3A_62, %add3A_325] : memref<8x4096xf32, #tpu.memory_space<vmem>>[vector<16xi32>, vector<16xi32>], vector<16xf32>,
          %add3A_327 = arith.constant 1 : i32
          %add3A_328 = arith.addi %mul3A_317, %add3A_327 : i32
          %add3A_329 = vector.broadcast %add3A_328 : i32 to vector<16xi32>
          %add3A_330 = arith.addi %add3A_329, %iota3A : vector<16xi32>
          %and3A_331 = arith.constant 63 : i32
          %and3A_332 = vector.broadcast %and3A_331 : i32 to vector<16xi32>
          %and3A_333 = arith.andi %add3A_330, %and3A_332 : vector<16xi32>
          %add3A_334 = arith.addi %add3A_103, %and3A_333 : vector<16xi32>
          %gather3A_335 = tpu.vector_load_idx %arg6[%broadcast_in_dim3A_62, %add3A_334] : memref<8x4096xf32, #tpu.memory_space<vmem>>[vector<16xi32>, vector<16xi32>], vector<16xf32>,
          %add3A_336 = arith.constant 2 : i32
          %add3A_337 = arith.addi %mul3A_317, %add3A_336 : i32
          %add3A_338 = vector.broadcast %add3A_337 : i32 to vector<16xi32>
          %add3A_339 = arith.addi %add3A_338, %iota3A : vector<16xi32>
          %and3A_340 = arith.constant 63 : i32
          %and3A_341 = vector.broadcast %and3A_340 : i32 to vector<16xi32>
          %and3A_342 = arith.andi %add3A_339, %and3A_341 : vector<16xi32>
          %add3A_343 = arith.addi %add3A_103, %and3A_342 : vector<16xi32>
          %gather3A_344 = tpu.vector_load_idx %arg6[%broadcast_in_dim3A_62, %add3A_343] : memref<8x4096xf32, #tpu.memory_space<vmem>>[vector<16xi32>, vector<16xi32>], vector<16xf32>,
          %add3A_345 = arith.constant 3 : i32
          %add3A_346 = arith.addi %mul3A_317, %add3A_345 : i32
          %add3A_347 = vector.broadcast %add3A_346 : i32 to vector<16xi32>
          %add3A_348 = arith.addi %add3A_347, %iota3A : vector<16xi32>
          %and3A_349 = arith.constant 63 : i32
          %and3A_350 = vector.broadcast %and3A_349 : i32 to vector<16xi32>
          %and3A_351 = arith.andi %add3A_348, %and3A_350 : vector<16xi32>
          %add3A_352 = arith.addi %add3A_103, %and3A_351 : vector<16xi32>
          %gather3A_353 = tpu.vector_load_idx %arg6[%broadcast_in_dim3A_62, %add3A_352] : memref<8x4096xf32, #tpu.memory_space<vmem>>[vector<16xi32>, vector<16xi32>], vector<16xf32>,
          %min3A_354 = arith.minimumf %min3A_310, %gather3A_326 : vector<16xf32>
          %min3A_355 = arith.minimumf %min3A_311, %gather3A_335 : vector<16xf32>
          %min3A_356 = arith.minimumf %min3A_312, %gather3A_344 : vector<16xf32>
          %min3A_357 = arith.minimumf %min3A_313, %gather3A_353 : vector<16xf32>
          %scan3A_358 = arith.constant 3 : i32
          %scan3A_359 = arith.addi %scan3A_224, %scan3A_358 : i32
          %mul3A_360 = arith.constant 4 : i32
          %mul3A_361 = arith.muli %scan3A_359, %mul3A_360 : i32
          %add3A_362 = arith.constant 0 : i32
          %add3A_363 = arith.addi %mul3A_361, %add3A_362 : i32
          %add3A_364 = vector.broadcast %add3A_363 : i32 to vector<16xi32>
          %add3A_365 = arith.addi %add3A_364, %iota3A : vector<16xi32>
          %and3A_366 = arith.constant 63 : i32
          %and3A_367 = vector.broadcast %and3A_366 : i32 to vector<16xi32>
          %and3A_368 = arith.andi %add3A_365, %and3A_367 : vector<16xi32>
          %add3A_369 = arith.addi %add3A_103, %and3A_368 : vector<16xi32>
          %gather3A_370 = tpu.vector_load_idx %arg6[%broadcast_in_dim3A_62, %add3A_369] : memref<8x4096xf32, #tpu.memory_space<vmem>>[vector<16xi32>, vector<16xi32>], vector<16xf32>,
          %add3A_371 = arith.constant 1 : i32
          %add3A_372 = arith.addi %mul3A_361, %add3A_371 : i32
          %add3A_373 = vector.broadcast %add3A_372 : i32 to vector<16xi32>
          %add3A_374 = arith.addi %add3A_373, %iota3A : vector<16xi32>
          %and3A_375 = arith.constant 63 : i32
          %and3A_376 = vector.broadcast %and3A_375 : i32 to vector<16xi32>
          %and3A_377 = arith.andi %add3A_374, %and3A_376 : vector<16xi32>
          %add3A_378 = arith.addi %add3A_103, %and3A_377 : vector<16xi32>
          %gather3A_379 = tpu.vector_load_idx %arg6[%broadcast_in_dim3A_62, %add3A_378] : memref<8x4096xf32, #tpu.memory_space<vmem>>[vector<16xi32>, vector<16xi32>], vector<16xf32>,
          %add3A_380 = arith.constant 2 : i32
          %add3A_381 = arith.addi %mul3A_361, %add3A_380 : i32
          %add3A_382 = vector.broadcast %add3A_381 : i32 to vector<16xi32>
          %add3A_383 = arith.addi %add3A_382, %iota3A : vector<16xi32>
          %and3A_384 = arith.constant 63 : i32
          %and3A_385 = vector.broadcast %and3A_384 : i32 to vector<16xi32>
          %and3A_386 = arith.andi %add3A_383, %and3A_385 : vector<16xi32>
          %add3A_387 = arith.addi %add3A_103, %and3A_386 : vector<16xi32>
          %gather3A_388 = tpu.vector_load_idx %arg6[%broadcast_in_dim3A_62, %add3A_387] : memref<8x4096xf32, #tpu.memory_space<vmem>>[vector<16xi32>, vector<16xi32>], vector<16xf32>,
          %add3A_389 = arith.constant 3 : i32
          %add3A_390 = arith.addi %mul3A_361, %add3A_389 : i32
          %add3A_391 = vector.broadcast %add3A_390 : i32 to vector<16xi32>
          %add3A_392 = arith.addi %add3A_391, %iota3A : vector<16xi32>
          %and3A_393 = arith.constant 63 : i32
          %and3A_394 = vector.broadcast %and3A_393 : i32 to vector<16xi32>
          %and3A_395 = arith.andi %add3A_392, %and3A_394 : vector<16xi32>
          %add3A_396 = arith.addi %add3A_103, %and3A_395 : vector<16xi32>
          %gather3A_397 = tpu.vector_load_idx %arg6[%broadcast_in_dim3A_62, %add3A_396] : memref<8x4096xf32, #tpu.memory_space<vmem>>[vector<16xi32>, vector<16xi32>], vector<16xf32>,
          %min3A_398 = arith.minimumf %min3A_354, %gather3A_370 : vector<16xf32>
          %min3A_399 = arith.minimumf %min3A_355, %gather3A_379 : vector<16xf32>
          %min3A_400 = arith.minimumf %min3A_356, %gather3A_388 : vector<16xf32>
          %min3A_401 = arith.minimumf %min3A_357, %gather3A_397 : vector<16xf32>
          scf.yield %min3A_398, %min3A_399, %min3A_400, %min3A_401 : vector<16xf32>, vector<16xf32>, vector<16xf32>, vector<16xf32>
        }
        %scan3A_109 = arith.constant 16 : i32
        %min3A_110 = arith.minimumf %scan3A_108#0, %scan3A_108#1 : vector<16xf32>
        %min3A_111 = arith.minimumf %scan3A_108#2, %scan3A_108#3 : vector<16xf32>
        %min3A_112 = arith.minimumf %min3A_110, %min3A_111 : vector<16xf32>
        %min3A_113 = arith.minimumf %min3A_76, %min3A_88 : vector<16xf32>
        %min3A_114 = arith.minimumf %min3A_100, %min3A_112 : vector<16xf32>
        %min3A_115 = arith.minimumf %min3A_113, %min3A_114 : vector<16xf32>
        %masked_sort3A = arith.constant dense<true> : vector<16xi1>
        %masked_sort3A_116, %masked_sort3A_117, %masked_sort3A_118 = tpu.sort %min3A_115, %iota3A masked %masked_sort3A : (vector<16xf32>, vector<16xi32>, vector<16xi1>) -> (vector<16xi1>, vector<16xf32>, vector<16xi32>)
        %lt3A_119 = arith.constant 10 : i32
        %lt3A_120 = vector.broadcast %lt3A_119 : i32 to vector<16xi32>
        %lt3A_121 = arith.cmpi slt, %iota3A, %lt3A_120 : vector<16xi32>
        %jit3A = arith.constant 0xFF800000 : f32
        %broadcast_in_dim3A_122 = vector.broadcast %jit3A : f32 to vector<16xf32>
        %select_n3A = arith.select %lt3A_121, %masked_sort3A_117, %broadcast_in_dim3A_122 : vector<16xi1>, vector<16xf32>
        %reduce_max3A = arith.constant true
        %reduce_max3A_123 = vector.broadcast %reduce_max3A : i1 to vector<16xi1>
        %reduce_max3A_124 = tpu.scan <max>, %select_n3A masked %reduce_max3A_123 : vector<16xf32>, vector<16xi1> -> vector<16xf32>
        %reduce_max3A_125 = vector.extract %reduce_max3A_124[15] : f32 from vector<16xf32>
        %broadcast_in_dim3A_126 = vector.broadcast %reduce_max3A_125 : f32 to vector<16xf32>
        %le3A = arith.cmpf ole, %min3A_76, %broadcast_in_dim3A_126 : vector<16xf32>
        %all_reduce_population_count3A = tpu.all_reduce %le3A {dim = 0 : i64, kind = #tpu.reduction_kind<sum>} : vector<16xi1> -> vector<16xi32>
        %slice3A = vector.extract_strided_slice %all_reduce_population_count3A {offsets = [0], sizes = [1], strides = [1]} : vector<16xi32> to vector<1xi32>
        %squeeze3A = vector.extract %slice3A[0] : i32 from vector<1xi32>
        %gt3A = arith.constant 0 : i32
        %gt3A_127 = arith.cmpi sgt, %squeeze3A, %gt3A : i32
        %convert_element_type3A_128 = arith.extui %gt3A_127 : i1 to i32
        %cond3A_129 = arith.constant 0 : i32
        %cond3A_130 = arith.constant 0 : i32
        %cond3A_131 = arith.cmpi ne, %convert_element_type3A_128, %cond3A_130 : i32
        scf.if %cond3A_131 {
          %add3A_224 = arith.constant 0 : i32
          %add3A_225 = vector.broadcast %add3A_224 : i32 to vector<16xi32>
          %add3A_226 = arith.addi %iota3A, %add3A_225 : vector<16xi32>
          %swap3A_227 = arith.index_cast %cond3A_129 : i32 to index
          %swap3A_228 = tpu.vector_load %arg9[%swap3A_227] masked %le3A {strides = array<i32>} : memref<80xi32, #tpu.memory_space<vmem>>, vector<16xi32>, vector<16xi1>
          tpu.vector_store %arg9[%swap3A_227], %add3A_226 masked %le3A {strides = array<i32>} : memref<80xi32, #tpu.memory_space<vmem>>, vector<16xi32>, vector<16xi1>
        } else {
        }
        %add3A_132 = arith.constant 0 : i32
        %add3A_133 = arith.addi %add3A_132, %squeeze3A : i32
        %le3A_134 = arith.cmpf ole, %min3A_88, %broadcast_in_dim3A_126 : vector<16xf32>
        %all_reduce_population_count3A_135 = tpu.all_reduce %le3A_134 {dim = 0 : i64, kind = #tpu.reduction_kind<sum>} : vector<16xi1> -> vector<16xi32>
        %slice3A_136 = vector.extract_strided_slice %all_reduce_population_count3A_135 {offsets = [0], sizes = [1], strides = [1]} : vector<16xi32> to vector<1xi32>
        %squeeze3A_137 = vector.extract %slice3A_136[0] : i32 from vector<1xi32>
        %gt3A_138 = arith.constant 0 : i32
        %gt3A_139 = arith.cmpi sgt, %squeeze3A_137, %gt3A_138 : i32
        %convert_element_type3A_140 = arith.extui %gt3A_139 : i1 to i32
        %cond3A_141 = arith.constant 0 : i32
        %cond3A_142 = arith.cmpi ne, %convert_element_type3A_140, %cond3A_141 : i32
        scf.if %cond3A_142 {
          %add3A_224 = arith.constant 16 : i32
          %add3A_225 = vector.broadcast %add3A_224 : i32 to vector<16xi32>
          %add3A_226 = arith.addi %iota3A, %add3A_225 : vector<16xi32>
          %swap3A_227 = arith.index_cast %add3A_133 : i32 to index
          %swap3A_228 = tpu.vector_load %arg9[%swap3A_227] masked %le3A_134 {strides = array<i32>} : memref<80xi32, #tpu.memory_space<vmem>>, vector<16xi32>, vector<16xi1>
          tpu.vector_store %arg9[%swap3A_227], %add3A_226 masked %le3A_134 {strides = array<i32>} : memref<80xi32, #tpu.memory_space<vmem>>, vector<16xi32>, vector<16xi1>
        } else {
        }
        %add3A_143 = arith.addi %add3A_133, %squeeze3A_137 : i32
        %le3A_144 = arith.cmpf ole, %min3A_100, %broadcast_in_dim3A_126 : vector<16xf32>
        %all_reduce_population_count3A_145 = tpu.all_reduce %le3A_144 {dim = 0 : i64, kind = #tpu.reduction_kind<sum>} : vector<16xi1> -> vector<16xi32>
        %slice3A_146 = vector.extract_strided_slice %all_reduce_population_count3A_145 {offsets = [0], sizes = [1], strides = [1]} : vector<16xi32> to vector<1xi32>
        %squeeze3A_147 = vector.extract %slice3A_146[0] : i32 from vector<1xi32>
        %gt3A_148 = arith.constant 0 : i32
        %gt3A_149 = arith.cmpi sgt, %squeeze3A_147, %gt3A_148 : i32
        %convert_element_type3A_150 = arith.extui %gt3A_149 : i1 to i32
        %cond3A_151 = arith.constant 0 : i32
        %cond3A_152 = arith.cmpi ne, %convert_element_type3A_150, %cond3A_151 : i32
        scf.if %cond3A_152 {
          %add3A_224 = arith.constant 32 : i32
          %add3A_225 = vector.broadcast %add3A_224 : i32 to vector<16xi32>
          %add3A_226 = arith.addi %iota3A, %add3A_225 : vector<16xi32>
          %swap3A_227 = arith.index_cast %add3A_143 : i32 to index
          %swap3A_228 = tpu.vector_load %arg9[%swap3A_227] masked %le3A_144 {strides = array<i32>} : memref<80xi32, #tpu.memory_space<vmem>>, vector<16xi32>, vector<16xi1>
          tpu.vector_store %arg9[%swap3A_227], %add3A_226 masked %le3A_144 {strides = array<i32>} : memref<80xi32, #tpu.memory_space<vmem>>, vector<16xi32>, vector<16xi1>
        } else {
        }
        %add3A_153 = arith.addi %add3A_143, %squeeze3A_147 : i32
        %le3A_154 = arith.cmpf ole, %min3A_112, %broadcast_in_dim3A_126 : vector<16xf32>
        %all_reduce_population_count3A_155 = tpu.all_reduce %le3A_154 {dim = 0 : i64, kind = #tpu.reduction_kind<sum>} : vector<16xi1> -> vector<16xi32>
        %slice3A_156 = vector.extract_strided_slice %all_reduce_population_count3A_155 {offsets = [0], sizes = [1], strides = [1]} : vector<16xi32> to vector<1xi32>
        %squeeze3A_157 = vector.extract %slice3A_156[0] : i32 from vector<1xi32>
        %gt3A_158 = arith.constant 0 : i32
        %gt3A_159 = arith.cmpi sgt, %squeeze3A_157, %gt3A_158 : i32
        %convert_element_type3A_160 = arith.extui %gt3A_159 : i1 to i32
        %cond3A_161 = arith.constant 0 : i32
        %cond3A_162 = arith.cmpi ne, %convert_element_type3A_160, %cond3A_161 : i32
        scf.if %cond3A_162 {
          %add3A_224 = arith.constant 48 : i32
          %add3A_225 = vector.broadcast %add3A_224 : i32 to vector<16xi32>
          %add3A_226 = arith.addi %iota3A, %add3A_225 : vector<16xi32>
          %swap3A_227 = arith.index_cast %add3A_153 : i32 to index
          %swap3A_228 = tpu.vector_load %arg9[%swap3A_227] masked %le3A_154 {strides = array<i32>} : memref<80xi32, #tpu.memory_space<vmem>>, vector<16xi32>, vector<16xi1>
          tpu.vector_store %arg9[%swap3A_227], %add3A_226 masked %le3A_154 {strides = array<i32>} : memref<80xi32, #tpu.memory_space<vmem>>, vector<16xi32>, vector<16xi1>
        } else {
        }
        %add3A_163 = arith.addi %add3A_153, %squeeze3A_157 : i32
        %while3A = arith.constant 0 : i32
        %while3A_164 = arith.constant 0 : i32
        %while3A_165 = arith.subi %add3A_163, %while3A : i32
        %while3A_166 = arith.addi %while3A, %while3A_165 : i32
        %while3A_167 = arith.constant 1 : i32
        %while3A_168 = arith.divsi %while3A_165, %while3A_167 : i32
        %while3A_169 = arith.muli %while3A_168, %while3A_167 : i32
        %while3A_170 = arith.addi %while3A, %while3A_169 : i32
        %while3A_171 = arith.constant 1 : i32
        %while3A_172 = scf.for %while3A_224 = %while3A to %while3A_170 step %while3A_171 iter_args(%while3A_225 = %while3A_164) -> (i32)  : i32 {
          %broadcast_in_dim3A_226 = vector.broadcast %while3A_224 : i32 to vector<16xi32>
          %gather3A = tpu.vector_load_idx %arg9[%broadcast_in_dim3A_226] : memref<80xi32, #tpu.memory_space<vmem>>[vector<16xi32>], vector<16xi32>,
          %slice3A_227 = vector.extract_strided_slice %gather3A {offsets = [0], sizes = [1], strides = [1]} : vector<16xi32> to vector<1xi32>
          %squeeze3A_228 = vector.extract %slice3A_227[0] : i32 from vector<1xi32>
          %mul3A_229 = arith.constant 64 : i32
          %mul3A_230 = arith.muli %squeeze3A_228, %mul3A_229 : i32
          %add3A_231 = arith.constant 0 : i32
          %add3A_232 = arith.addi %mul3A_230, %add3A_231 : i32
          %get3A_233 = arith.index_cast %scan3A_60 : i32 to index
          %get3A_234 = arith.index_cast %add3A_232 : i32 to index
          %get3A_235 = tpu.vector_load %arg6[%get3A_233, %get3A_234] {strides = array<i32>} : memref<8x4096xf32, #tpu.memory_space<vmem>>, vector<16xf32>,
          %mul3A_236 = arith.constant 64 : i32
          %mul3A_237 = arith.muli %squeeze3A_228, %mul3A_236 : i32
          %add3A_238 = arith.constant 16 : i32
          %add3A_239 = arith.addi %mul3A_237, %add3A_238 : i32
          %get3A_240 = arith.index_cast %scan3A_60 : i32 to index
          %get3A_241 = arith.index_cast %add3A_239 : i32 to index
          %get3A_242 = tpu.vector_load %arg6[%get3A_240, %get3A_241] {strides = array<i32>} : memref<8x4096xf32, #tpu.memory_space<vmem>>, vector<16xf32>,
          %mul3A_243 = arith.constant 64 : i32
          %mul3A_244 = arith.muli %squeeze3A_228, %mul3A_243 : i32
          %add3A_245 = arith.constant 32 : i32
          %add3A_246 = arith.addi %mul3A_244, %add3A_245 : i32
          %get3A_247 = arith.index_cast %scan3A_60 : i32 to index
          %get3A_248 = arith.index_cast %add3A_246 : i32 to index
          %get3A_249 = tpu.vector_load %arg6[%get3A_247, %get3A_248] {strides = array<i32>} : memref<8x4096xf32, #tpu.memory_space<vmem>>, vector<16xf32>,
          %mul3A_250 = arith.constant 64 : i32
          %mul3A_251 = arith.muli %squeeze3A_228, %mul3A_250 : i32
          %add3A_252 = arith.constant 48 : i32
          %add3A_253 = arith.addi %mul3A_251, %add3A_252 : i32
          %get3A_254 = arith.index_cast %scan3A_60 : i32 to index
          %get3A_255 = arith.index_cast %add3A_253 : i32 to index
          %get3A_256 = tpu.vector_load %arg6[%get3A_254, %get3A_255] {strides = array<i32>} : memref<8x4096xf32, #tpu.memory_space<vmem>>, vector<16xf32>,
          %le3A_257 = arith.cmpf ole, %get3A_235, %broadcast_in_dim3A_126 : vector<16xf32>
          %le3A_258 = arith.cmpf ole, %get3A_242, %broadcast_in_dim3A_126 : vector<16xf32>
          %le3A_259 = arith.cmpf ole, %get3A_249, %broadcast_in_dim3A_126 : vector<16xf32>
          %le3A_260 = arith.cmpf ole, %get3A_256, %broadcast_in_dim3A_126 : vector<16xf32>
          %all_reduce_population_count3A_261 = tpu.all_reduce %le3A_257 {dim = 0 : i64, kind = #tpu.reduction_kind<sum>} : vector<16xi1> -> vector<16xi32>
          %all_reduce_population_count3A_262 = tpu.all_reduce %le3A_258 {dim = 0 : i64, kind = #tpu.reduction_kind<sum>} : vector<16xi1> -> vector<16xi32>
          %all_reduce_population_count3A_263 = tpu.all_reduce %le3A_259 {dim = 0 : i64, kind = #tpu.reduction_kind<sum>} : vector<16xi1> -> vector<16xi32>
          %all_reduce_population_count3A_264 = tpu.all_reduce %le3A_260 {dim = 0 : i64, kind = #tpu.reduction_kind<sum>} : vector<16xi1> -> vector<16xi32>
          %swap3A_265 = arith.index_cast %while3A_225 : i32 to index
          %swap3A_266 = tpu.vector_load %arg7[%swap3A_265] masked %le3A_257 {strides = array<i32>} : memref<4112xf32, #tpu.memory_space<vmem>>, vector<16xf32>, vector<16xi1>
          tpu.vector_store %arg7[%swap3A_265], %get3A_235 masked %le3A_257 {strides = array<i32>} : memref<4112xf32, #tpu.memory_space<vmem>>, vector<16xf32>, vector<16xi1>
          %mul3A_267 = arith.constant 4 : i32
          %mul3A_268 = arith.muli %squeeze3A_228, %mul3A_267 : i32
          %add3A_269 = arith.constant 0 : i32
          %add3A_270 = arith.addi %mul3A_268, %add3A_269 : i32
          %mul3A_271 = arith.constant 16 : i32
          %mul3A_272 = arith.muli %add3A_270, %mul3A_271 : i32
          %add3A_273 = vector.broadcast %mul3A_272 : i32 to vector<16xi32>
          %add3A_274 = arith.addi %iota3A, %add3A_273 : vector<16xi32>
          %swap3A_275 = arith.index_cast %while3A_225 : i32 to index
          %swap3A_276 = tpu.vector_load %arg8[%swap3A_275] masked %le3A_257 {strides = array<i32>} : memref<4112xi32, #tpu.memory_space<vmem>>, vector<16xi32>, vector<16xi1>
          tpu.vector_store %arg8[%swap3A_275], %add3A_274 masked %le3A_257 {strides = array<i32>} : memref<4112xi32, #tpu.memory_space<vmem>>, vector<16xi32>, vector<16xi1>
          %slice3A_277 = vector.extract_strided_slice %all_reduce_population_count3A_261 {offsets = [0], sizes = [1], strides = [1]} : vector<16xi32> to vector<1xi32>
          %squeeze3A_278 = vector.extract %slice3A_277[0] : i32 from vector<1xi32>
          %add3A_279 = arith.addi %while3A_225, %squeeze3A_278 : i32
          %swap3A_280 = arith.index_cast %add3A_279 : i32 to index
          %swap3A_281 = tpu.vector_load %arg7[%swap3A_280] masked %le3A_258 {strides = array<i32>} : memref<4112xf32, #tpu.memory_space<vmem>>, vector<16xf32>, vector<16xi1>
          tpu.vector_store %arg7[%swap3A_280], %get3A_242 masked %le3A_258 {strides = array<i32>} : memref<4112xf32, #tpu.memory_space<vmem>>, vector<16xf32>, vector<16xi1>
          %mul3A_282 = arith.constant 4 : i32
          %mul3A_283 = arith.muli %squeeze3A_228, %mul3A_282 : i32
          %add3A_284 = arith.constant 1 : i32
          %add3A_285 = arith.addi %mul3A_283, %add3A_284 : i32
          %mul3A_286 = arith.constant 16 : i32
          %mul3A_287 = arith.muli %add3A_285, %mul3A_286 : i32
          %add3A_288 = vector.broadcast %mul3A_287 : i32 to vector<16xi32>
          %add3A_289 = arith.addi %iota3A, %add3A_288 : vector<16xi32>
          %swap3A_290 = arith.index_cast %add3A_279 : i32 to index
          %swap3A_291 = tpu.vector_load %arg8[%swap3A_290] masked %le3A_258 {strides = array<i32>} : memref<4112xi32, #tpu.memory_space<vmem>>, vector<16xi32>, vector<16xi1>
          tpu.vector_store %arg8[%swap3A_290], %add3A_289 masked %le3A_258 {strides = array<i32>} : memref<4112xi32, #tpu.memory_space<vmem>>, vector<16xi32>, vector<16xi1>
          %slice3A_292 = vector.extract_strided_slice %all_reduce_population_count3A_262 {offsets = [0], sizes = [1], strides = [1]} : vector<16xi32> to vector<1xi32>
          %squeeze3A_293 = vector.extract %slice3A_292[0] : i32 from vector<1xi32>
          %add3A_294 = arith.addi %add3A_279, %squeeze3A_293 : i32
          %swap3A_295 = arith.index_cast %add3A_294 : i32 to index
          %swap3A_296 = tpu.vector_load %arg7[%swap3A_295] masked %le3A_259 {strides = array<i32>} : memref<4112xf32, #tpu.memory_space<vmem>>, vector<16xf32>, vector<16xi1>
          tpu.vector_store %arg7[%swap3A_295], %get3A_249 masked %le3A_259 {strides = array<i32>} : memref<4112xf32, #tpu.memory_space<vmem>>, vector<16xf32>, vector<16xi1>
          %mul3A_297 = arith.constant 4 : i32
          %mul3A_298 = arith.muli %squeeze3A_228, %mul3A_297 : i32
          %add3A_299 = arith.constant 2 : i32
          %add3A_300 = arith.addi %mul3A_298, %add3A_299 : i32
          %mul3A_301 = arith.constant 16 : i32
          %mul3A_302 = arith.muli %add3A_300, %mul3A_301 : i32
          %add3A_303 = vector.broadcast %mul3A_302 : i32 to vector<16xi32>
          %add3A_304 = arith.addi %iota3A, %add3A_303 : vector<16xi32>
          %swap3A_305 = arith.index_cast %add3A_294 : i32 to index
          %swap3A_306 = tpu.vector_load %arg8[%swap3A_305] masked %le3A_259 {strides = array<i32>} : memref<4112xi32, #tpu.memory_space<vmem>>, vector<16xi32>, vector<16xi1>
          tpu.vector_store %arg8[%swap3A_305], %add3A_304 masked %le3A_259 {strides = array<i32>} : memref<4112xi32, #tpu.memory_space<vmem>>, vector<16xi32>, vector<16xi1>
          %slice3A_307 = vector.extract_strided_slice %all_reduce_population_count3A_263 {offsets = [0], sizes = [1], strides = [1]} : vector<16xi32> to vector<1xi32>
          %squeeze3A_308 = vector.extract %slice3A_307[0] : i32 from vector<1xi32>
          %add3A_309 = arith.addi %add3A_294, %squeeze3A_308 : i32
          %swap3A_310 = arith.index_cast %add3A_309 : i32 to index
          %swap3A_311 = tpu.vector_load %arg7[%swap3A_310] masked %le3A_260 {strides = array<i32>} : memref<4112xf32, #tpu.memory_space<vmem>>, vector<16xf32>, vector<16xi1>
          tpu.vector_store %arg7[%swap3A_310], %get3A_256 masked %le3A_260 {strides = array<i32>} : memref<4112xf32, #tpu.memory_space<vmem>>, vector<16xf32>, vector<16xi1>
          %mul3A_312 = arith.constant 4 : i32
          %mul3A_313 = arith.muli %squeeze3A_228, %mul3A_312 : i32
          %add3A_314 = arith.constant 3 : i32
          %add3A_315 = arith.addi %mul3A_313, %add3A_314 : i32
          %mul3A_316 = arith.constant 16 : i32
          %mul3A_317 = arith.muli %add3A_315, %mul3A_316 : i32
          %add3A_318 = vector.broadcast %mul3A_317 : i32 to vector<16xi32>
          %add3A_319 = arith.addi %iota3A, %add3A_318 : vector<16xi32>
          %swap3A_320 = arith.index_cast %add3A_309 : i32 to index
          %swap3A_321 = tpu.vector_load %arg8[%swap3A_320] masked %le3A_260 {strides = array<i32>} : memref<4112xi32, #tpu.memory_space<vmem>>, vector<16xi32>, vector<16xi1>
          tpu.vector_store %arg8[%swap3A_320], %add3A_319 masked %le3A_260 {strides = array<i32>} : memref<4112xi32, #tpu.memory_space<vmem>>, vector<16xi32>, vector<16xi1>
          %slice3A_322 = vector.extract_strided_slice %all_reduce_population_count3A_264 {offsets = [0], sizes = [1], strides = [1]} : vector<16xi32> to vector<1xi32>
          %squeeze3A_323 = vector.extract %slice3A_322[0] : i32 from vector<1xi32>
          %add3A_324 = arith.addi %add3A_309, %squeeze3A_323 : i32
          scf.yield %add3A_324 : i32
        }
        %while3A_173 = arith.constant 1 : i32
        %while3A_174 = scf.for %while3A_224 = %while3A_170 to %while3A_166 step %while3A_173 iter_args(%while3A_225 = %while3A_172) -> (i32)  : i32 {
          %broadcast_in_dim3A_226 = vector.broadcast %while3A_224 : i32 to vector<16xi32>
          %gather3A = tpu.vector_load_idx %arg9[%broadcast_in_dim3A_226] : memref<80xi32, #tpu.memory_space<vmem>>[vector<16xi32>], vector<16xi32>,
          %slice3A_227 = vector.extract_strided_slice %gather3A {offsets = [0], sizes = [1], strides = [1]} : vector<16xi32> to vector<1xi32>
          %squeeze3A_228 = vector.extract %slice3A_227[0] : i32 from vector<1xi32>
          %mul3A_229 = arith.constant 64 : i32
          %mul3A_230 = arith.muli %squeeze3A_228, %mul3A_229 : i32
          %add3A_231 = arith.constant 0 : i32
          %add3A_232 = arith.addi %mul3A_230, %add3A_231 : i32
          %get3A_233 = arith.index_cast %scan3A_60 : i32 to index
          %get3A_234 = arith.index_cast %add3A_232 : i32 to index
          %get3A_235 = tpu.vector_load %arg6[%get3A_233, %get3A_234] {strides = array<i32>} : memref<8x4096xf32, #tpu.memory_space<vmem>>, vector<16xf32>,
          %mul3A_236 = arith.constant 64 : i32
          %mul3A_237 = arith.muli %squeeze3A_228, %mul3A_236 : i32
          %add3A_238 = arith.constant 16 : i32
          %add3A_239 = arith.addi %mul3A_237, %add3A_238 : i32
          %get3A_240 = arith.index_cast %scan3A_60 : i32 to index
          %get3A_241 = arith.index_cast %add3A_239 : i32 to index
          %get3A_242 = tpu.vector_load %arg6[%get3A_240, %get3A_241] {strides = array<i32>} : memref<8x4096xf32, #tpu.memory_space<vmem>>, vector<16xf32>,
          %mul3A_243 = arith.constant 64 : i32
          %mul3A_244 = arith.muli %squeeze3A_228, %mul3A_243 : i32
          %add3A_245 = arith.constant 32 : i32
          %add3A_246 = arith.addi %mul3A_244, %add3A_245 : i32
          %get3A_247 = arith.index_cast %scan3A_60 : i32 to index
          %get3A_248 = arith.index_cast %add3A_246 : i32 to index
          %get3A_249 = tpu.vector_load %arg6[%get3A_247, %get3A_248] {strides = array<i32>} : memref<8x4096xf32, #tpu.memory_space<vmem>>, vector<16xf32>,
          %mul3A_250 = arith.constant 64 : i32
          %mul3A_251 = arith.muli %squeeze3A_228, %mul3A_250 : i32
          %add3A_252 = arith.constant 48 : i32
          %add3A_253 = arith.addi %mul3A_251, %add3A_252 : i32
          %get3A_254 = arith.index_cast %scan3A_60 : i32 to index
          %get3A_255 = arith.index_cast %add3A_253 : i32 to index
          %get3A_256 = tpu.vector_load %arg6[%get3A_254, %get3A_255] {strides = array<i32>} : memref<8x4096xf32, #tpu.memory_space<vmem>>, vector<16xf32>,
          %le3A_257 = arith.cmpf ole, %get3A_235, %broadcast_in_dim3A_126 : vector<16xf32>
          %le3A_258 = arith.cmpf ole, %get3A_242, %broadcast_in_dim3A_126 : vector<16xf32>
          %le3A_259 = arith.cmpf ole, %get3A_249, %broadcast_in_dim3A_126 : vector<16xf32>
          %le3A_260 = arith.cmpf ole, %get3A_256, %broadcast_in_dim3A_126 : vector<16xf32>
          %all_reduce_population_count3A_261 = tpu.all_reduce %le3A_257 {dim = 0 : i64, kind = #tpu.reduction_kind<sum>} : vector<16xi1> -> vector<16xi32>
          %all_reduce_population_count3A_262 = tpu.all_reduce %le3A_258 {dim = 0 : i64, kind = #tpu.reduction_kind<sum>} : vector<16xi1> -> vector<16xi32>
          %all_reduce_population_count3A_263 = tpu.all_reduce %le3A_259 {dim = 0 : i64, kind = #tpu.reduction_kind<sum>} : vector<16xi1> -> vector<16xi32>
          %all_reduce_population_count3A_264 = tpu.all_reduce %le3A_260 {dim = 0 : i64, kind = #tpu.reduction_kind<sum>} : vector<16xi1> -> vector<16xi32>
          %swap3A_265 = arith.index_cast %while3A_225 : i32 to index
          %swap3A_266 = tpu.vector_load %arg7[%swap3A_265] masked %le3A_257 {strides = array<i32>} : memref<4112xf32, #tpu.memory_space<vmem>>, vector<16xf32>, vector<16xi1>
          tpu.vector_store %arg7[%swap3A_265], %get3A_235 masked %le3A_257 {strides = array<i32>} : memref<4112xf32, #tpu.memory_space<vmem>>, vector<16xf32>, vector<16xi1>
          %mul3A_267 = arith.constant 4 : i32
          %mul3A_268 = arith.muli %squeeze3A_228, %mul3A_267 : i32
          %add3A_269 = arith.constant 0 : i32
          %add3A_270 = arith.addi %mul3A_268, %add3A_269 : i32
          %mul3A_271 = arith.constant 16 : i32
          %mul3A_272 = arith.muli %add3A_270, %mul3A_271 : i32
          %add3A_273 = vector.broadcast %mul3A_272 : i32 to vector<16xi32>
          %add3A_274 = arith.addi %iota3A, %add3A_273 : vector<16xi32>
          %swap3A_275 = arith.index_cast %while3A_225 : i32 to index
          %swap3A_276 = tpu.vector_load %arg8[%swap3A_275] masked %le3A_257 {strides = array<i32>} : memref<4112xi32, #tpu.memory_space<vmem>>, vector<16xi32>, vector<16xi1>
          tpu.vector_store %arg8[%swap3A_275], %add3A_274 masked %le3A_257 {strides = array<i32>} : memref<4112xi32, #tpu.memory_space<vmem>>, vector<16xi32>, vector<16xi1>
          %slice3A_277 = vector.extract_strided_slice %all_reduce_population_count3A_261 {offsets = [0], sizes = [1], strides = [1]} : vector<16xi32> to vector<1xi32>
          %squeeze3A_278 = vector.extract %slice3A_277[0] : i32 from vector<1xi32>
          %add3A_279 = arith.addi %while3A_225, %squeeze3A_278 : i32
          %swap3A_280 = arith.index_cast %add3A_279 : i32 to index
          %swap3A_281 = tpu.vector_load %arg7[%swap3A_280] masked %le3A_258 {strides = array<i32>} : memref<4112xf32, #tpu.memory_space<vmem>>, vector<16xf32>, vector<16xi1>
          tpu.vector_store %arg7[%swap3A_280], %get3A_242 masked %le3A_258 {strides = array<i32>} : memref<4112xf32, #tpu.memory_space<vmem>>, vector<16xf32>, vector<16xi1>
          %mul3A_282 = arith.constant 4 : i32
          %mul3A_283 = arith.muli %squeeze3A_228, %mul3A_282 : i32
          %add3A_284 = arith.constant 1 : i32
          %add3A_285 = arith.addi %mul3A_283, %add3A_284 : i32
          %mul3A_286 = arith.constant 16 : i32
          %mul3A_287 = arith.muli %add3A_285, %mul3A_286 : i32
          %add3A_288 = vector.broadcast %mul3A_287 : i32 to vector<16xi32>
          %add3A_289 = arith.addi %iota3A, %add3A_288 : vector<16xi32>
          %swap3A_290 = arith.index_cast %add3A_279 : i32 to index
          %swap3A_291 = tpu.vector_load %arg8[%swap3A_290] masked %le3A_258 {strides = array<i32>} : memref<4112xi32, #tpu.memory_space<vmem>>, vector<16xi32>, vector<16xi1>
          tpu.vector_store %arg8[%swap3A_290], %add3A_289 masked %le3A_258 {strides = array<i32>} : memref<4112xi32, #tpu.memory_space<vmem>>, vector<16xi32>, vector<16xi1>
          %slice3A_292 = vector.extract_strided_slice %all_reduce_population_count3A_262 {offsets = [0], sizes = [1], strides = [1]} : vector<16xi32> to vector<1xi32>
          %squeeze3A_293 = vector.extract %slice3A_292[0] : i32 from vector<1xi32>
          %add3A_294 = arith.addi %add3A_279, %squeeze3A_293 : i32
          %swap3A_295 = arith.index_cast %add3A_294 : i32 to index
          %swap3A_296 = tpu.vector_load %arg7[%swap3A_295] masked %le3A_259 {strides = array<i32>} : memref<4112xf32, #tpu.memory_space<vmem>>, vector<16xf32>, vector<16xi1>
          tpu.vector_store %arg7[%swap3A_295], %get3A_249 masked %le3A_259 {strides = array<i32>} : memref<4112xf32, #tpu.memory_space<vmem>>, vector<16xf32>, vector<16xi1>
          %mul3A_297 = arith.constant 4 : i32
          %mul3A_298 = arith.muli %squeeze3A_228, %mul3A_297 : i32
          %add3A_299 = arith.constant 2 : i32
          %add3A_300 = arith.addi %mul3A_298, %add3A_299 : i32
          %mul3A_301 = arith.constant 16 : i32
          %mul3A_302 = arith.muli %add3A_300, %mul3A_301 : i32
          %add3A_303 = vector.broadcast %mul3A_302 : i32 to vector<16xi32>
          %add3A_304 = arith.addi %iota3A, %add3A_303 : vector<16xi32>
          %swap3A_305 = arith.index_cast %add3A_294 : i32 to index
          %swap3A_306 = tpu.vector_load %arg8[%swap3A_305] masked %le3A_259 {strides = array<i32>} : memref<4112xi32, #tpu.memory_space<vmem>>, vector<16xi32>, vector<16xi1>
          tpu.vector_store %arg8[%swap3A_305], %add3A_304 masked %le3A_259 {strides = array<i32>} : memref<4112xi32, #tpu.memory_space<vmem>>, vector<16xi32>, vector<16xi1>
          %slice3A_307 = vector.extract_strided_slice %all_reduce_population_count3A_263 {offsets = [0], sizes = [1], strides = [1]} : vector<16xi32> to vector<1xi32>
          %squeeze3A_308 = vector.extract %slice3A_307[0] : i32 from vector<1xi32>
          %add3A_309 = arith.addi %add3A_294, %squeeze3A_308 : i32
          %swap3A_310 = arith.index_cast %add3A_309 : i32 to index
          %swap3A_311 = tpu.vector_load %arg7[%swap3A_310] masked %le3A_260 {strides = array<i32>} : memref<4112xf32, #tpu.memory_space<vmem>>, vector<16xf32>, vector<16xi1>
          tpu.vector_store %arg7[%swap3A_310], %get3A_256 masked %le3A_260 {strides = array<i32>} : memref<4112xf32, #tpu.memory_space<vmem>>, vector<16xf32>, vector<16xi1>
          %mul3A_312 = arith.constant 4 : i32
          %mul3A_313 = arith.muli %squeeze3A_228, %mul3A_312 : i32
          %add3A_314 = arith.constant 3 : i32
          %add3A_315 = arith.addi %mul3A_313, %add3A_314 : i32
          %mul3A_316 = arith.constant 16 : i32
          %mul3A_317 = arith.muli %add3A_315, %mul3A_316 : i32
          %add3A_318 = vector.broadcast %mul3A_317 : i32 to vector<16xi32>
          %add3A_319 = arith.addi %iota3A, %add3A_318 : vector<16xi32>
          %swap3A_320 = arith.index_cast %add3A_309 : i32 to index
          %swap3A_321 = tpu.vector_load %arg8[%swap3A_320] masked %le3A_260 {strides = array<i32>} : memref<4112xi32, #tpu.memory_space<vmem>>, vector<16xi32>, vector<16xi1>
          tpu.vector_store %arg8[%swap3A_320], %add3A_319 masked %le3A_260 {strides = array<i32>} : memref<4112xi32, #tpu.memory_space<vmem>>, vector<16xi32>, vector<16xi1>
          %slice3A_322 = vector.extract_strided_slice %all_reduce_population_count3A_264 {offsets = [0], sizes = [1], strides = [1]} : vector<16xi32> to vector<1xi32>
          %squeeze3A_323 = vector.extract %slice3A_322[0] : i32 from vector<1xi32>
          %add3A_324 = arith.addi %add3A_309, %squeeze3A_323 : i32
          scf.yield %add3A_324 : i32
        }
        %swap3A = arith.index_cast %while3A_174 : i32 to index
        %swap3A_175 = tpu.vector_load %arg7[%swap3A] {strides = array<i32>} : memref<4112xf32, #tpu.memory_space<vmem>>, vector<16xf32>,
        tpu.vector_store %arg7[%swap3A], %broadcast_in_dim3A_3 {strides = array<i32>} : memref<4112xf32, #tpu.memory_space<vmem>>, vector<16xf32>,
        %get3A = arith.constant 0 : index
        %get3A_176 = tpu.vector_load %arg7[%get3A] {strides = array<i32>} : memref<4112xf32, #tpu.memory_space<vmem>>, vector<16xf32>,
        %get3A_177 = arith.constant 0 : index
        %get3A_178 = tpu.vector_load %arg8[%get3A_177] {strides = array<i32>} : memref<4112xi32, #tpu.memory_space<vmem>>, vector<16xi32>,
        %masked_sort3A_179 = arith.constant dense<true> : vector<16xi1>
        %masked_sort3A_180, %masked_sort3A_181, %masked_sort3A_182 = tpu.sort %get3A_176, %get3A_178 masked %masked_sort3A_179 : (vector<16xf32>, vector<16xi32>, vector<16xi1>) -> (vector<16xi1>, vector<16xf32>, vector<16xi32>)
        %add3A_183 = arith.constant 15 : i32
        %add3A_184 = arith.addi %while3A_174, %add3A_183 : i32
        %jit3A_185 = arith.constant 16 : i32
        %div3A = arith.divsi %add3A_184, %jit3A_185 : i32
        %sign3A = arith.constant 0 : i32
        %sign3A_186 = arith.cmpi sgt, %add3A_184, %sign3A : i32
        %sign3A_187 = arith.extui %sign3A_186 : i1 to i32
        %sign3A_188 = arith.constant 0 : i32
        %sign3A_189 = arith.cmpi slt, %add3A_184, %sign3A_188 : i32
        %sign3A_190 = arith.extui %sign3A_189 : i1 to i32
        %sign3A_191 = arith.subi %sign3A_187, %sign3A_190 : i32
        %sign3A_192 = arith.constant 0 : i32
        %sign3A_193 = arith.cmpi sgt, %jit3A_185, %sign3A_192 : i32
        %sign3A_194 = arith.extui %sign3A_193 : i1 to i32
        %sign3A_195 = arith.constant 0 : i32
        %sign3A_196 = arith.cmpi slt, %jit3A_185, %sign3A_195 : i32
        %sign3A_197 = arith.extui %sign3A_196 : i1 to i32
        %sign3A_198 = arith.subi %sign3A_194, %sign3A_197 : i32
        %ne3A = arith.cmpi ne, %sign3A_191, %sign3A_198 : i32
        %rem3A = arith.remsi %add3A_184, %jit3A_185 : i32
        %ne3A_199 = arith.constant 0 : i32
        %ne3A_200 = arith.cmpi ne, %rem3A, %ne3A_199 : i32
        %and3A = arith.andi %ne3A, %ne3A_200 : i1
        %sub3A = arith.constant 1 : i32
        %sub3A_201 = arith.subi %div3A, %sub3A : i32
        %select_n3A_202 = arith.select %and3A, %sub3A_201, %div3A : i32
        %while3A_203 = arith.constant 1 : i32
        %while3A_204 = arith.subi %select_n3A_202, %while3A_203 : i32
        %while3A_205 = arith.addi %while3A_203, %while3A_204 : i32
        %while3A_206 = arith.constant 1 : i32
        %while3A_207 = arith.divsi %while3A_204, %while3A_206 : i32
        %while3A_208 = arith.muli %while3A_207, %while3A_206 : i32
        %while3A_209 = arith.addi %while3A_203, %while3A_208 : i32
        %while3A_210 = arith.constant 1 : i32
        %while3A_211:2 = scf.for %while3A_224 = %while3A_203 to %while3A_209 step %while3A_210 iter_args(%while3A_225 = %masked_sort3A_181, %while3A_226 = %masked_sort3A_182) -> (vector<16xf32>, vector<16xi32>)  : i32 {
          %mul3A_227 = arith.constant 16 : i32
          %mul3A_228 = arith.muli %while3A_224, %mul3A_227 : i32
          %get3A_229 = arith.index_cast %mul3A_228 : i32 to index
          %get3A_230 = tpu.vector_load %arg7[%get3A_229] {strides = array<i32>} : memref<4112xf32, #tpu.memory_space<vmem>>, vector<16xf32>,
          %mul3A_231 = arith.constant 16 : i32
          %mul3A_232 = arith.muli %while3A_224, %mul3A_231 : i32
          %get3A_233 = arith.index_cast %mul3A_232 : i32 to index
          %get3A_234 = tpu.vector_load %arg8[%get3A_233] {strides = array<i32>} : memref<4112xi32, #tpu.memory_space<vmem>>, vector<16xi32>,
          %masked_sort3A_235 = arith.constant dense<true> : vector<16xi1>
          %masked_sort3A_236, %masked_sort3A_237, %masked_sort3A_238 = tpu.sort %get3A_230, %get3A_234 masked %masked_sort3A_235 : (vector<16xf32>, vector<16xi32>, vector<16xi1>) -> (vector<16xi1>, vector<16xf32>, vector<16xi32>)
          %rev3A = arith.constant 15 : i32
          %rev3A_239 = vector.broadcast %rev3A : i32 to vector<16xi32>
          %rev3A_240 = tpu.iota {dimensions = array<i32: 0>} : vector<16xi32>
          %rev3A_241 = arith.subi %rev3A_239, %rev3A_240 : vector<16xi32>
          %rev3A_242 = tpu.dynamic_gather %while3A_225[%rev3A_241] in [0] : vector<16xf32>, vector<16xi32> -> vector<16xf32>
          %rev3A_243 = arith.constant 15 : i32
          %rev3A_244 = vector.broadcast %rev3A_243 : i32 to vector<16xi32>
          %rev3A_245 = tpu.iota {dimensions = array<i32: 0>} : vector<16xi32>
          %rev3A_246 = arith.subi %rev3A_244, %rev3A_245 : vector<16xi32>
          %rev3A_247 = tpu.dynamic_gather %while3A_226[%rev3A_246] in [0] : vector<16xi32>, vector<16xi32> -> vector<16xi32>
          %lt3A_248 = arith.cmpf olt, %masked_sort3A_237, %rev3A_242 : vector<16xf32>
          %select_n3A_249 = arith.select %lt3A_248, %masked_sort3A_237, %rev3A_242 : vector<16xi1>, vector<16xf32>
          %select_n3A_250 = arith.select %lt3A_248, %masked_sort3A_238, %rev3A_247 : vector<16xi1>, vector<16xi32>
          %masked_sort3A_251 = arith.constant dense<true> : vector<16xi1>
          %masked_sort3A_252, %masked_sort3A_253, %masked_sort3A_254 = tpu.sort %select_n3A_249, %select_n3A_250 masked %masked_sort3A_251 : (vector<16xf32>, vector<16xi32>, vector<16xi1>) -> (vector<16xi1>, vector<16xf32>, vector<16xi32>)
          scf.yield %masked_sort3A_253, %masked_sort3A_254 : vector<16xf32>, vector<16xi32>
        }
        %while3A_212 = arith.constant 1 : i32
        %while3A_213:2 = scf.for %while3A_224 = %while3A_209 to %while3A_205 step %while3A_212 iter_args(%while3A_225 = %while3A_211#0, %while3A_226 = %while3A_211#1) -> (vector<16xf32>, vector<16xi32>)  : i32 {
          %mul3A_227 = arith.constant 16 : i32
          %mul3A_228 = arith.muli %while3A_224, %mul3A_227 : i32
          %get3A_229 = arith.index_cast %mul3A_228 : i32 to index
          %get3A_230 = tpu.vector_load %arg7[%get3A_229] {strides = array<i32>} : memref<4112xf32, #tpu.memory_space<vmem>>, vector<16xf32>,
          %mul3A_231 = arith.constant 16 : i32
          %mul3A_232 = arith.muli %while3A_224, %mul3A_231 : i32
          %get3A_233 = arith.index_cast %mul3A_232 : i32 to index
          %get3A_234 = tpu.vector_load %arg8[%get3A_233] {strides = array<i32>} : memref<4112xi32, #tpu.memory_space<vmem>>, vector<16xi32>,
          %masked_sort3A_235 = arith.constant dense<true> : vector<16xi1>
          %masked_sort3A_236, %masked_sort3A_237, %masked_sort3A_238 = tpu.sort %get3A_230, %get3A_234 masked %masked_sort3A_235 : (vector<16xf32>, vector<16xi32>, vector<16xi1>) -> (vector<16xi1>, vector<16xf32>, vector<16xi32>)
          %rev3A = arith.constant 15 : i32
          %rev3A_239 = vector.broadcast %rev3A : i32 to vector<16xi32>
          %rev3A_240 = tpu.iota {dimensions = array<i32: 0>} : vector<16xi32>
          %rev3A_241 = arith.subi %rev3A_239, %rev3A_240 : vector<16xi32>
          %rev3A_242 = tpu.dynamic_gather %while3A_225[%rev3A_241] in [0] : vector<16xf32>, vector<16xi32> -> vector<16xf32>
          %rev3A_243 = arith.constant 15 : i32
          %rev3A_244 = vector.broadcast %rev3A_243 : i32 to vector<16xi32>
          %rev3A_245 = tpu.iota {dimensions = array<i32: 0>} : vector<16xi32>
          %rev3A_246 = arith.subi %rev3A_244, %rev3A_245 : vector<16xi32>
          %rev3A_247 = tpu.dynamic_gather %while3A_226[%rev3A_246] in [0] : vector<16xi32>, vector<16xi32> -> vector<16xi32>
          %lt3A_248 = arith.cmpf olt, %masked_sort3A_237, %rev3A_242 : vector<16xf32>
          %select_n3A_249 = arith.select %lt3A_248, %masked_sort3A_237, %rev3A_242 : vector<16xi1>, vector<16xf32>
          %select_n3A_250 = arith.select %lt3A_248, %masked_sort3A_238, %rev3A_247 : vector<16xi1>, vector<16xi32>
          %masked_sort3A_251 = arith.constant dense<true> : vector<16xi1>
          %masked_sort3A_252, %masked_sort3A_253, %masked_sort3A_254 = tpu.sort %select_n3A_249, %select_n3A_250 masked %masked_sort3A_251 : (vector<16xf32>, vector<16xi32>, vector<16xi1>) -> (vector<16xi1>, vector<16xf32>, vector<16xi32>)
          scf.yield %masked_sort3A_253, %masked_sort3A_254 : vector<16xf32>, vector<16xi32>
        }
        %mul3A_214 = arith.constant 8 : i32
        %mul3A_215 = arith.muli %add3A_20, %mul3A_214 : i32
        %add3A_216 = arith.addi %mul3A_215, %scan3A_60 : i32
        %swap3A_217 = arith.index_cast %add3A_216 : i32 to index
        %swap3A_218 = arith.constant 0 : index
        %swap3A_219 = tpu.vector_load %arg10[%swap3A_217, %swap3A_218] {strides = array<i32>} : memref<128x16xf32, #tpu.memory_space<vmem>>, vector<16xf32>,
        tpu.vector_store %arg10[%swap3A_217, %swap3A_218], %while3A_213#0 {strides = array<i32>} : memref<128x16xf32, #tpu.memory_space<vmem>>, vector<16xf32>,
        %swap3A_220 = arith.index_cast %add3A_216 : i32 to index
        %swap3A_221 = arith.constant 0 : index
        %swap3A_222 = tpu.vector_load %arg11[%swap3A_220, %swap3A_221] {strides = array<i32>} : memref<128x16xi32, #tpu.memory_space<vmem>>, vector<16xi32>,
        tpu.vector_store %arg11[%swap3A_220, %swap3A_221], %while3A_213#1 {strides = array<i32>} : memref<128x16xi32, #tpu.memory_space<vmem>>, vector<16xi32>,
        %scan3A_223 = arith.constant 0 : i32
        scf.yield %scan3A_223 : i32
      }
      %scan3A_58 = arith.constant 8 : i32
      %scan3A_59 = arith.constant 0 : i32
      scf.yield %scan3A_59 : i32
    }
    %scan3A_12 = arith.constant 8 : i32
    "tpu.region"() ({
      %run_scoped3A = tpu.sem_alloc : memref<!tpu.dma_semaphore, #tpu.memory_space<semaphore_mem>>
      %dma_start3A_13 = arith.constant 0 : i32
      %dma_start3A_14 = tpu.memref_slice %arg3[%mul3A_2, %dma_start3A_13] : memref<4096x16xf32, #tpu.memory_space<hbm>> -> memref<128x16xf32, #tpu.memory_space<hbm>>
      %dma_start3A_15 = arith.constant 0 : i32
      %dma_start3A_16 = tpu.memref_slice %arg3[%mul3A_2, %dma_start3A_15] : memref<4096x16xf32, #tpu.memory_space<hbm>> -> memref<128x16xf32, #tpu.memory_space<hbm>>
      tpu.enqueue_dma source(%arg10 : memref<128x16xf32, #tpu.memory_space<vmem>>) target(%dma_start3A_16 : memref<128x16xf32, #tpu.memory_space<hbm>>) target_semaphore(%run_scoped3A : memref<!tpu.dma_semaphore, #tpu.memory_space<semaphore_mem>>)
      %dma_wait3A = arith.constant 0 : i32
      %dma_wait3A_17 = tpu.memref_slice %arg3[%mul3A_2, %dma_wait3A] : memref<4096x16xf32, #tpu.memory_space<hbm>> -> memref<128x16xf32, #tpu.memory_space<hbm>>
      %dma_wait3A_18 = arith.constant 0 : i32
      %dma_wait3A_19 = tpu.memref_slice %arg3[%mul3A_2, %dma_wait3A_18] : memref<4096x16xf32, #tpu.memory_space<hbm>> -> memref<128x16xf32, #tpu.memory_space<hbm>>
      tpu.wait_dma2 semaphore(%run_scoped3A : memref<!tpu.dma_semaphore, #tpu.memory_space<semaphore_mem>>) src(%arg10 : memref<128x16xf32, #tpu.memory_space<vmem>>) dst(%dma_wait3A_19 : memref<128x16xf32, #tpu.memory_space<hbm>>)
      tpu.yield
    }) : () -> ()
    "tpu.region"() ({
      %run_scoped3A = tpu.sem_alloc : memref<!tpu.dma_semaphore, #tpu.memory_space<semaphore_mem>>
      %dma_start3A_13 = arith.constant 0 : i32
      %dma_start3A_14 = tpu.memref_slice %arg4[%mul3A_2, %dma_start3A_13] : memref<4096x16xi32, #tpu.memory_space<hbm>> -> memref<128x16xi32, #tpu.memory_space<hbm>>
      %dma_start3A_15 = arith.constant 0 : i32
      %dma_start3A_16 = tpu.memref_slice %arg4[%mul3A_2, %dma_start3A_15] : memref<4096x16xi32, #tpu.memory_space<hbm>> -> memref<128x16xi32, #tpu.memory_space<hbm>>
      tpu.enqueue_dma source(%arg11 : memref<128x16xi32, #tpu.memory_space<vmem>>) target(%dma_start3A_16 : memref<128x16xi32, #tpu.memory_space<hbm>>) target_semaphore(%run_scoped3A : memref<!tpu.dma_semaphore, #tpu.memory_space<semaphore_mem>>)
      %dma_wait3A = arith.constant 0 : i32
      %dma_wait3A_17 = tpu.memref_slice %arg4[%mul3A_2, %dma_wait3A] : memref<4096x16xi32, #tpu.memory_space<hbm>> -> memref<128x16xi32, #tpu.memory_space<hbm>>
      %dma_wait3A_18 = arith.constant 0 : i32
      %dma_wait3A_19 = tpu.memref_slice %arg4[%mul3A_2, %dma_wait3A_18] : memref<4096x16xi32, #tpu.memory_space<hbm>> -> memref<128x16xi32, #tpu.memory_space<hbm>>
      tpu.wait_dma2 semaphore(%run_scoped3A : memref<!tpu.dma_semaphore, #tpu.memory_space<semaphore_mem>>) src(%arg11 : memref<128x16xi32, #tpu.memory_space<vmem>>) dst(%dma_wait3A_19 : memref<128x16xi32, #tpu.memory_space<hbm>>)
      tpu.yield
    }) : () -> ()
    return
  }
}

module attributes {stable_mosaic.version = 14 : i64} {
  func.func @_dist_body(%arg0: i32, %arg1: memref<256x128xf32, #tpu.memory_space<vmem>>, %arg2: memref<4096x128xf32, #tpu.memory_space<vmem>>, %arg3: memref<256x4096xf32, #tpu.memory_space<vmem>>) attributes {dimension_semantics = [#tpu.dimension_semantics<arbitrary>], iteration_bounds = array<i64: 16>, scalar_prefetch = 0 : i64, scratch_operands = 0 : i64, tpu.core_type = #tpu.core_type<tc>, window_params = [{transform_indices = @transform_0, window_bounds = array<i64: 256, 128>}, {pipeline_mode = #tpu.pipeline_mode<synchronous>, transform_indices = @transform_1, window_bounds = array<i64: 4096, 128>}, {transform_indices = @transform_2, window_bounds = array<i64: 256, 4096>}]} {
    %get3A = arith.constant 0 : index
    %get3A_0 = arith.constant 0 : index
    %get3A_1 = vector.load %arg1[%get3A, %get3A_0] : memref<256x128xf32, #tpu.memory_space<vmem>>, vector<256x128xf32>
    %get3A_2 = arith.constant 0 : index
    %get3A_3 = arith.constant 0 : index
    %get3A_4 = vector.load %arg2[%get3A_2, %get3A_3] : memref<4096x128xf32, #tpu.memory_space<vmem>>, vector<4096x128xf32>
    %dot_general3A = arith.constant dense<0.000000e+00> : vector<256x4096xf32>
    %dot_general3A_5 = tpu.matmul %get3A_1, %get3A_4, %dot_general3A {dimension_numbers = #tpu.dot_dimension_numbers<[1], [1], [0], [0], [0, 0, 1, 0], [], []>, transpose_lhs_hint = false} : vector<256x128xf32>, vector<4096x128xf32>, vector<256x4096xf32> -> vector<256x4096xf32>
    %sub3A = arith.constant 1.000000e+00 : f32
    %sub3A_6 = vector.broadcast %sub3A : f32 to vector<256x4096xf32>
    %sub3A_7 = arith.subf %sub3A_6, %dot_general3A_5 : vector<256x4096xf32>
    %iota3A = tpu.iota {dimensions = array<i32: 1>} : vector<256x4096xi32>
    %mul3A = arith.constant 256 : i32
    %mul3A_8 = arith.muli %arg0, %mul3A : i32
    %iota3A_9 = tpu.iota {dimensions = array<i32: 0>} : vector<256x4096xi32>
    %add3A = vector.broadcast %mul3A_8 : i32 to vector<256x4096xi32>
    %add3A_10 = arith.addi %add3A, %iota3A_9 : vector<256x4096xi32>
    %eq3A = arith.cmpi eq, %iota3A, %add3A_10 : vector<256x4096xi32>
    %jit3A = arith.constant 0x7F800000 : f32
    %broadcast_in_dim3A = vector.broadcast %jit3A : f32 to vector<256x4096xf32>
    %select_n3A = arith.select %eq3A, %broadcast_in_dim3A, %sub3A_7 : vector<256x4096xi1>, vector<256x4096xf32>
    %swap3A = arith.constant 0 : index
    %swap3A_11 = arith.constant 0 : index
    %swap3A_12 = vector.load %arg3[%swap3A, %swap3A_11] : memref<256x4096xf32, #tpu.memory_space<vmem>>, vector<256x4096xf32>
    tpu.vector_store %arg3[%swap3A, %swap3A_11], %select_n3A {strides = array<i32>} : memref<256x4096xf32, #tpu.memory_space<vmem>>, vector<256x4096xf32>,
    return
  }
  func.func @transform_0(%arg0: i32) -> (i32, i32) {
    %c0_i32 = arith.constant 0 : i32
    %c0_i32_0 = arith.constant 0 : i32
    return %arg0, %c0_i32 : i32, i32
  }
  func.func @transform_1(%arg0: i32) -> (i32, i32) {
    %c0_i32 = arith.constant 0 : i32
    %c0_i32_0 = arith.constant 0 : i32
    %c0_i32_1 = arith.constant 0 : i32
    return %c0_i32, %c0_i32_0 : i32, i32
  }
  func.func @transform_2(%arg0: i32) -> (i32, i32) {
    %c0_i32 = arith.constant 0 : i32
    %c0_i32_0 = arith.constant 0 : i32
    return %arg0, %c0_i32 : i32, i32
  }
}

</mosaic_0001>

<sc_bundles>
// kernel: kernel.4.cloned.1.call-start
scs
__scs_entry_jumppad:
0x0: {  	(pc) =	sbr.rel $0x88, $3  }
0x1: {  	(tag) =	ssettag $0x0;
	lr =	simm.s32 $0x1  }
0x2: {  	[smem:$0x3FA0] =	sst lr;
	_ =	strace $0xD0000000  }
0x3: {  	_ = 	snop  }
0x4: {  	_ = 	snop  }
0x5: {  	_ = 	snop  }
0x6: {  	_ = 	snop  }
0x7: {  	_ = 	snop  }
__scs_overlays_trampoline_lowered:
0x8: {  	[smem:$0x3FAF] =	sst s0  }
0x9: {  	[smem:$0x3FB0] =	sst s1  }
0xa: {  	[smem:$0x3FB1] =	sst s2  }
0xb: {  	[smem:$0x3FB2] =	sst s3  }
0xc: {  	[smem:$0x3FB3] =	sst s4  }
0xd: {  	[smem:$0x3FB4] =	sst s5  }
0xe: {  	[smem:$0x3FB5] =	sst s6  }
0xf: {  	[smem:$0x3FB6] =	sst s7  }
0x10: {  	[smem:$0x3FB7] =	sst s8  }
0x11: {  	[smem:$0x3FB8] =	sst s9;
	s0 =	simm.s32 @!p0 $0x0  }
0x12: {  	s1 =	sld [smem:$0x3F9E];
	s0 =	simm.s32 @p0 $0x1  }
0x13: {  	[smem:$0x3FB9] =	sst s0;
	s0 =	simm.s32 @!p1 $0x0  }
0x14: {  	s2 =	sld [smem:$0x3F9D];
	s0 =	simm.s32 @p1 $0x1  }
0x15: {  	[smem:$0x3FBA] =	sst s0;
	s0 =	simm.s32 @!p2 $0x0  }
0x16: {  	s3 =	sld [smem:$0x3FDB];
	s0 =	simm.s32 @p2 $0x1  }
0x17: {  	s4 =	simm.s32 $0x1BF5;
	[smem:$0x3FBC] =	sst s0  }
0x18: {  	s0 =	sld [smem:$0x3F9F];
	_ =	swait.ge [sflag:s4], $0x0  }
0x19: {  	s7 =	sld [smem:$0x3FA0]  }
0x1a: {  	s8 =	sadd.s32 $0xFFFFE003, lr  }
0x1b: {  	s9 =	sadd.s32 $0xFFFFFEF7, lr;
	s5 =	simm.s32 $0xFFFFFFFF;
	p2 =	slt.u32 s8, $0xFFFFF086  }
0x1c: {  	p1 =	slt.u32 s9, $0xF7A;
	s5 =	simm.s32 @!p2 $0x0  }
0x1d: {  	s5 =	simm.s32 @p1 $0x1;
	p0 =	seq.s32 s7, s2  }
0x1e: {  	s7 =	smul.u32 @!p0 $0xF7A, s2;
	p2 =	seq.s32 @!p0 s5, $0x0  }
0x1f: {  	s9 =	smul.u32 $0xF7A, s1;
	s8 =	simm.s32 @!p0 $0x1BF5;
	p2 =	por !p2, p0  }
0x20: {  	[sflag:s8] =	ssyncset.s32 @!p0 $0xFFFFF086;
	s6 =	sadd.s32 @!p0 s3, s7;
	s7 =	simm.s32 @!p0 $0x108  }
0x21: {  	s3 =	sadd.s32 s3, s9;
	s6 =	sadd.s32 @!p0 $0x88, s6;
	s7 =	simm.s32 @p2 $0x1082  }
0x22: {  	[simem:s7], [sflag:s8] =	dma.local @!p0 [hbm:s6], $0xF7A  }
0x23: {  	s9 =	sor.u32 $0xD0000000, s2;
	s6 =	simm.s32 $0x108;
	_ =	swait.ge @!p0 [sflag:s8], $0x0  }
0x24: {  	s3 =	sadd.s32 $0x88, s3;
	s6 =	simm.s32 @!p1 $0x1082;
	[sflag:s4] =	ssyncset.s32 $0xFFFFF086  }
0x25: {  	[simem:s6], [sflag:s4] =	dma.local [hbm:s3], $0xF7A  }
0x26: {  	[smem:$0x3FA0] =	sst s1;
	(tag) =	ssettag s2;
	_ =	strace s9  }
0x27: {  	s1 =	sld [smem:$0x3FB0]  }
0x28: {  	s2 =	sld [smem:$0x3FB1]  }
0x29: {  	s4 =	sld [smem:$0x3FB3]  }
0x2a: {  	p0 =	seq.s32 s5, $0x0;
	s5 =	sld [smem:$0x3FB4]  }
0x2b: {  	s6 =	sld [smem:$0x3FB5]  }
0x2c: {  	s7 =	sld [smem:$0x3FB6]  }
0x2d: {  	s3 =	simm.s32 $0x108;
	s8 =	sld [smem:$0x3FB7]  }
0x2e: {  	s3 =	simm.s32 @!p0 $0x1082;
	s9 =	sld [smem:$0x3FB8]  }
0x2f: {  	lr =	sadd.s32 s0, s3;
	s0 =	sld [smem:$0x3FAF]  }
0x30: {  	s3 =	sld [smem:$0x3FB2]  }
0x31: {  	[smem:$0x3FBB] =	sst s10  }
0x32: {  	s10 =	sld [smem:$0x3FB9];
	_ =	sdelay $0x3  }
0x33: {  	p0 =	seq.s32 s10, $0x1;
	s10 =	sld [smem:$0x3FBB];
	_ =	sdelay $0x3  }
0x34: {  	[smem:$0x3FBB] =	sst s10  }
0x35: {  	s10 =	sld [smem:$0x3FBA];
	_ =	sdelay $0x3  }
0x36: {  	p1 =	seq.s32 s10, $0x1;
	s10 =	sld [smem:$0x3FBB];
	_ =	sdelay $0x3  }
0x37: {  	[smem:$0x3FBB] =	sst s10  }
0x38: {  	s10 =	sld [smem:$0x3FBC]  }
0x39: {  	_ = 	snop;
	(pc) =	sbr.ind lr, $3  }
0x3a: {  	_ = 	snop  }
0x3b: {  	_ = 	snop  }
0x3c: {  	p2 =	seq.s32 s10, $0x1;
	s10 =	sld [smem:$0x3FBB]  }
0x3d: {  	_ =	shalt  }
0x3e: {  	_ =	shalt  }
0x3f: {  	_ =	shalt  }
0x40: {  	_ =	shalt  }
0x41: {  	_ =	shalt  }
0x42: {  	_ =	shalt  }
0x43: {  	_ =	shalt  }
0x44: {  	_ =	shalt  }
0x45: {  	_ =	shalt  }
0x46: {  	_ =	shalt  }
0x47: {  	_ =	shalt  }
0x48: {  	_ =	shalt  }
0x49: {  	_ =	shalt  }
0x4a: {  	_ =	shalt  }
0x4b: {  	_ =	shalt  }
0x4c: {  	_ =	shalt  }
0x4d: {  	_ =	shalt  }
0x4e: {  	_ =	shalt  }
0x4f: {  	_ =	shalt  }
0x50: {  	_ =	shalt  }
0x51: {  	_ =	shalt  }
0x52: {  	_ =	shalt  }
0x53: {  	_ =	shalt  }
0x54: {  	_ =	shalt  }
0x55: {  	_ =	shalt  }
0x56: {  	_ =	shalt  }
0x57: {  	_ =	shalt  }
0x58: {  	_ =	shalt  }
0x59: {  	_ =	shalt  }
0x5a: {  	_ =	shalt  }
0x5b: {  	_ =	shalt  }
0x5c: {  	_ =	shalt  }
0x5d: {  	_ =	shalt  }
0x5e: {  	_ =	shalt  }
0x5f: {  	_ =	shalt  }
0x60: {  	_ =	shalt  }
0x61: {  	_ =	shalt  }
0x62: {  	_ =	shalt  }
0x63: {  	_ =	shalt  }
0x64: {  	_ =	shalt  }
0x65: {  	_ =	shalt  }
0x66: {  	_ =	shalt  }
0x67: {  	_ =	shalt  }
0x68: {  	_ =	shalt  }
0x69: {  	_ =	shalt  }
0x6a: {  	_ =	shalt  }
0x6b: {  	_ =	shalt  }
0x6c: {  	_ =	shalt  }
0x6d: {  	_ =	shalt  }
0x6e: {  	_ =	shalt  }
0x6f: {  	_ =	shalt  }
0x70: {  	_ =	shalt  }
0x71: {  	_ =	shalt  }
0x72: {  	_ =	shalt  }
0x73: {  	_ =	shalt  }
0x74: {  	_ =	shalt  }
0x75: {  	_ =	shalt  }
0x76: {  	_ =	shalt  }
0x77: {  	_ =	shalt  }
0x78: {  	_ =	shalt  }
0x79: {  	_ =	shalt  }
0x7a: {  	_ =	shalt  }
0x7b: {  	_ =	shalt  }
0x7c: {  	_ =	shalt  }
0x7d: {  	_ =	shalt  }
0x7e: {  	_ =	shalt  }
0x7f: {  	_ =	shalt  }
0x80: {  	_ =	shalt  }
0x81: {  	_ =	shalt  }
0x82: {  	_ =	shalt  }
0x83: {  	_ =	shalt  }
0x84: {  	_ =	shalt  }
0x85: {  	_ =	shalt  }
0x86: {  	_ =	shalt  }
0x87: {  	_ =	shalt  }
.Lfunc_end0:
.L_simem_size_0:
called_computation_lowered:
.L_overlay_start_0:
0x88: {  	s2 =	sld [smem:$0x3FD9]  }
0x89: {  	s3 =	sld [smem:$0x3FFE];
	_ =	sdelay $0x1  }
0x8a: {  	s1 =	srdreg.scid  }
0x8b: {  	s0 =	sand.u32 $0x1, s1  }
0x8c: {  	s16 =	sshll.u32 s0, $0xA;
	s2 =	sadd.s32 s3, s2  }
0x8d: {  	s2 =	sadd.s32 s2, s16  }
0x8e: {  	[smem:$0x3FC7] =	sst s2  }
0x8f: {  	_ = 	snop  }
0x90: {  	(tm) =	ssettm $0x1  }
0x91: {  	s17 =	sld [smem:$0x3FFB];
	_ =	sdelay $0x3  }
0x92: {  	_ =	strace s17  }
0x93: {  	s2 =	sld [smem:$0x3FFC];
	_ =	sdelay $0x3  }
0x94: {  	_ =	strace s2  }
0x95: {  	s2 =	sld [smem:$0x3FFD];
	_ =	sdelay $0x3  }
0x96: {  	_ =	strace s2  }
0x97: {  	_ =	strace $0x8FFFFFFF  }
0x98: {  	s18 =	sld [smem:$0x3FDB];
	_ =	sdelay $0x1  }
0x99: {  	s19 =	simm.s32 $_scs_section_size  }
0x9a: {  	s4 =	simm.s32 $_size__tile_overlayer_lowered;
	s5 =	simm.s32 $_tile_overlayer_lowered  }
0x9b: {  	s22 =	simm.s32 $0x1BFF;
	s21 =	sshll.u32 s5, $0x1;
	s2 =	sadd.s32 s19, s18  }
0x9c: {  	s6 =	simm.s32 $0x0;
	s20 =	sshll.u32 s4, $0x1;
	s4 =	sadd.s32 s21, s2  }
0x9d: {  	[timem:s6], [sflag:s22] =	dma.local [hbm:s4], s20  }
0x9e: {  	_ =	swait.ge [sflag:s22], s20  }
0x9f: {  	s3 =	ssub.s32 $0x0, s20;
	[sflag:s22] =	ssyncset.done $0x0  }
0xa0: {  	[sflag:s22] =	ssyncadd.s32 s3;
	_ =	sdelay $0x1  }
0xa1: {  	s23 =	simm.s32 $0x1B8B  }
0xa2: {  	_ =	swait.ge [sflag:s23], $0x1  }
0xa3: {  	[sflag:s23] =	ssyncset.done $0x0  }
0xa4: {  	s25 =	simm.s32 $0x1B8E;
	s24 =	sld [smem:$0x3FFE];
	[sflag:s23] =	ssyncadd.s32 $0xFFFFFFFF  }
0xa5: {  	s26 =	simm.s32 $execute0_lowered;
	[smem:$0x3FD2] =	sst s25  }
0xa6: {  	s4 =	sshll.u32 s26, $0x1;
	_ =	strace $0x80000046;
	[dreg:$0x1] =	wrdreg $0xFFFFFFFF  }
0xa7: {  	s28 =	simm.s32 $_size_execute0_lowered;
	s2 =	sadd.s32 s2, s4;
	[dreg:$0x0] =	wrdreg $0x0  }
0xa8: {  	s4 =	sshll.u32 s28, $0x1;
	[dreg:$0x2] =	wrdreg s2  }
0xa9: {  	[dreg:$0x3] =	wrdreg s4  }
0xaa: {  	[dreg:$0x4] =	wrdreg $0xC0  }
0xab: {  	_ =	task [dreg:s6], $0x5FFFF  }
0xac: {  	[dreg:$0x1] =	wrdreg $0xFFFFFFFF  }
0xad: {  	[dreg:$0x0] =	wrdreg $0x60  }
0xae: {  	[dreg:$0x2] =	wrdreg s24  }
0xaf: {  	[dreg:$0x3] =	wrdreg $0x9  }
0xb0: {  	_ =	task.clear_ibuf [dreg:s6], $0x4FFFF;
	_ =	strace $0x90000046  }
0xb1: {  	s29 =	simm.s32 $0x9;
	_ =	strace $0x80000048  }
0xb2: {  	_ =	swait.ge [sflag:s29], $0x1  }
0xb3: {  	[sflag:s29] =	ssyncadd.s32 $0xFFFFFFFF  }
0xb4: {  	_ =	strace $0x90000048  }
0xb5: {  	_ =	sfence  }
0xb6: {  	s30 =	sld [smem:$0x0];
	_ =	sdelay $0x2  }
0xb7: {  	s31 =	sshll.u32 s1, $0xD;
	s1 =	sshrl.u32 s1, $0x2  }
0xb8: {  	s3 =	sand.u32 $0x4000, s31;
	s1 =	sadd.s32 s1, s30  }
0xb9: {  	s0 =	sor.u32 s3, s0;
	s1 =	sshll.u32 s1, $0x11  }
0xba: {  	s0 =	sor.u32 s1, s0  }
0xbb: {  	s0 =	sadd.s32 $0x8F2B, s0  }
0xbc: {  	[sflag:s0] =	ssyncadd.remote.s32 $0x1  }
0xbd: {  	_ =	sfence.sel $0xFFFF  }
0xbe: {  	[dreg:$0x0] =	wrdreg $0xFFFFFFFF;
	(pc) =	sbr.abs _section_cstart, $3  }
0xbf: {  	[dreg:$0x1] =	wrdreg $0xFFFFFFFF  }
0xc0: {  	_ =	task.clear_ibuf [dreg:s6], $0x2FFFF;
	_ =	strace $0x9FFFFFFF  }
0xc1: {  	(tm) =	ssettm $0x7FFFFFFF  }
tec
execute0_lowered:
.L_overlay_start_1:
0x0: {  	(tag) =	ssettag $0x1  }
0x1: {  	v0 =	vimm.s32 $0x4000;
	vm0 =	vcmask $0x700  }
0x2: {  	v1 =	vimm.s32 $0x4100;
	vm11 =	vcmask $0xB08;
	vm12 =	vcmask $0xF0C  }
0x3: {  	vm10 =	vcmask $0x1310;
	vm9 =	vcmask $0x1714;
	vm8 =	vcmask $0x1B18  }
0x4: {  	vm7 =	vcmask $0x1F1C;
	vm6 =	vcmask $0x2320;
	vm5 =	vcmask $0x2724  }
0x5: {  	vm4 =	vcmask $0x2B28;
	vm3 =	vcmask $0x2F2C;
	vm2 =	vcmask $0x3330  }
0x6: {  	vm1 =	vcmask $0x3734;
	v3 =	vimm.s32 $0x3C40;
	vm13 =	vcmask $0x300  }
0x7: {  	v2 =	vlaneseq.u32;
	vm14 =	vcmask $0x704;
	v4 =	vimm.s32 $0x3C4F  }
0x8: {  	v5 =	vimm.s32 $0x5C40;
	v6 =	vimm.s32 $0x5C4F;
	v7 =	vimm.s32 $0x7C40  }
0x9: {  	v8 =	vimm.s32 $0x7C4F;
	v9 =	vimm.f32 $+Inf;
	v0 =	vunpack.c.0.s8.s32 v0  }
0xa: {  	v1 =	vunpack.c.0.s8.s32 v1;
	v3 =	vsel vm13, $0x2000, v3;
	v4 =	vsel vm13, $0x2000, v4  }
0xb: {  	v5 =	vsel vm13, $0x4000, v5;
	v6 =	vsel vm13, $0x4000, v6;
	v7 =	vsel vm13, $0x6000, v7  }
0xc: {  	v8 =	vsel vm13, $0x6000, v8;
	v10 =	vmul.u32 $0xFFFFFFFF, v2;
	v3 =	vsel vm14, $0x2040, v3  }
0xd: {  	v4 =	vsel vm14, $0x2041, v4;
	v5 =	vsel vm14, $0x4040, v5;
	v6 =	vsel vm14, $0x4041, v6  }
0xe: {  	v7 =	vsel vm14, $0x6040, v7;
	v8 =	vsel vm14, $0x6041, v8;
	v0 =	vnsel vm0, $0x1C40, v0  }
0xf: {  	v1 =	vnsel vm0, $0x1C4F, v1;
	vm0 =	vcmask $0x3B38;
	v3 =	vsel vm11, $0x2400, v3  }
0x10: {  	v4 =	vsel vm11, $0x2402, v4;
	v5 =	vsel vm11, $0x4400, v5;
	v6 =	vsel vm11, $0x4402, v6  }
0x11: {  	v7 =	vsel vm11, $0x6400, v7;
	v8 =	vsel vm11, $0x6402, v8;
	v10 =	vadd.s32 $0xF, v10  }
0x12: {  	v0 =	vsel vm11, $0x400, v0;
	v1 =	vsel vm11, $0x402, v1;
	v3 =	vsel vm12, $0x2440, v3  }
0x13: {  	v4 =	vsel vm12, $0x2443, v4;
	v5 =	vsel vm12, $0x4440, v5;
	v6 =	vsel vm12, $0x4443, v6  }
0x14: {  	v7 =	vsel vm12, $0x6440, v7;
	v8 =	vsel vm12, $0x6443, v8;
	v0 =	vsel vm12, $0x440, v0  }
0x15: {  	v1 =	vsel vm12, $0x443, v1;
	v3 =	vsel vm10, $0x2800, v3;
	v4 =	vsel vm10, $0x2804, v4  }
0x16: {  	v5 =	vsel vm10, $0x4800, v5;
	v6 =	vsel vm10, $0x4804, v6;
	v7 =	vsel vm10, $0x6800, v7  }
0x17: {  	v8 =	vsel vm10, $0x6804, v8;
	v0 =	vsel vm10, $0x800, v0;
	v1 =	vsel vm10, $0x804, v1  }
0x18: {  	v3 =	vsel vm9, $0x2840, v3;
	v4 =	vsel vm9, $0x2845, v4;
	v5 =	vsel vm9, $0x4840, v5  }
0x19: {  	v6 =	vsel vm9, $0x4845, v6;
	v7 =	vsel vm9, $0x6840, v7;
	v8 =	vsel vm9, $0x6845, v8  }
0x1a: {  	v0 =	vsel vm9, $0x840, v0;
	v1 =	vsel vm9, $0x845, v1;
	v3 =	vsel vm8, $0x2C00, v3  }
0x1b: {  	v4 =	vsel vm8, $0x2C06, v4;
	v5 =	vsel vm8, $0x4C00, v5;
	v6 =	vsel vm8, $0x4C06, v6  }
0x1c: {  	v7 =	vsel vm8, $0x6C00, v7;
	v8 =	vsel vm8, $0x6C06, v8;
	v0 =	vsel vm8, $0xC00, v0  }
0x1d: {  	v1 =	vsel vm8, $0xC06, v1;
	v3 =	vsel vm7, $0x2C40, v3;
	v4 =	vsel vm7, $0x2C47, v4  }
0x1e: {  	v5 =	vsel vm7, $0x4C40, v5;
	v6 =	vsel vm7, $0x4C47, v6;
	v7 =	vsel vm7, $0x6C40, v7  }
0x1f: {  	v8 =	vsel vm7, $0x6C47, v8;
	v0 =	vsel vm7, $0xC40, v0;
	v1 =	vsel vm7, $0xC47, v1  }
0x20: {  	v3 =	vsel vm6, $0x3000, v3;
	v4 =	vsel vm6, $0x3008, v4;
	v5 =	vsel vm6, $0x5000, v5  }
0x21: {  	v6 =	vsel vm6, $0x5008, v6;
	v7 =	vsel vm6, $0x7000, v7;
	v8 =	vsel vm6, $0x7008, v8  }
0x22: {  	v0 =	vsel vm6, $0x1000, v0;
	v1 =	vsel vm6, $0x1008, v1;
	v3 =	vsel vm5, $0x3040, v3  }
0x23: {  	v4 =	vsel vm5, $0x3049, v4;
	v5 =	vsel vm5, $0x5040, v5;
	v6 =	vsel vm5, $0x5049, v6  }
0x24: {  	v7 =	vsel vm5, $0x7040, v7;
	v8 =	vsel vm5, $0x7049, v8;
	v0 =	vsel vm5, $0x1040, v0  }
0x25: {  	v1 =	vsel vm5, $0x1049, v1;
	v3 =	vsel vm4, $0x3400, v3;
	v4 =	vsel vm4, $0x340A, v4  }
0x26: {  	v5 =	vsel vm4, $0x5400, v5;
	v6 =	vsel vm4, $0x540A, v6;
	v7 =	vsel vm4, $0x7400, v7  }
0x27: {  	v8 =	vsel vm4, $0x740A, v8;
	v0 =	vsel vm4, $0x1400, v0;
	v1 =	vsel vm4, $0x140A, v1  }
0x28: {  	s5 =	rddreg [dreg:$0x0];
	s2 =	srdreg.scid;
	v3 =	vsel vm3, $0x3440, v3;
	v4 =	vsel vm3, $0x344B, v4;
	v5 =	vsel vm3, $0x5440, v5  }
0x29: {  	s0 =	rddreg [dreg:$0x1];
	s1 =	stileid.u32;
	s10 =	simm.s32 $0x1;
	v6 =	vsel vm3, $0x544B, v6;
	v7 =	vsel vm3, $0x7440, v7;
	v8 =	vsel vm3, $0x744B, v8  }
0x2a: {  	s11 =	simm.s32 $0x8000;
	s12 =	simm.s32 $0x12100;
	s13 =	simm.s32 $0x2;
	v0 =	vsel vm3, $0x1440, v0;
	v1 =	vsel vm3, $0x144B, v1;
	v3 =	vsel vm2, $0x3800, v3  }
0x2b: {  	s14 =	simm.s32 $0x12180;
	s15 =	simm.s32 $0x3;
	s16 =	simm.s32 $0x16180;
	v4 =	vsel vm2, $0x380C, v4;
	v5 =	vsel vm2, $0x5800, v5;
	v6 =	vsel vm2, $0x580C, v6  }
0x2c: {  	s17 =	simm.s32 $0x0;
	s4 =	sand.u32 $0x1, s2;
	s2 =	simm.s32 $0x0;
	v7 =	vsel vm2, $0x7800, v7;
	v8 =	vsel vm2, $0x780C, v8;
	v0 =	vsel vm2, $0x1800, v0  }
0x2d: {  	s3 =	sshll.u32 s1, $0x8;
	s6 =	sshll.u32 s4, $0x7;
	[smem:$0x7FF] =	sst s2;
	v1 =	vsel vm2, $0x180C, v1;
	v3 =	vsel vm1, $0x3840, v3;
	v4 =	vsel vm1, $0x384D, v4  }
.Ltmp0:
0x2e: {  	s7 =	ssub.s32 $0x2, s4;
	s4 =	sadd.s32 $0x800, s5;
	v5 =	vsel vm1, $0x5840, v5;
	v6 =	vsel vm1, $0x584D, v6;
	v7 =	vsel vm1, $0x7840, v7;
	(pc) =	sbr.rel .LBB2_1-.Ltmp0, $4  }
0x2f: {  	s3 =	sor.u32 s6, s3;
	_ =	strace $0x80000047;
	s30 =	sshrl.u32 s7, $0x1;
	v8 =	vsel vm1, $0x784D, v8;
	v0 =	vsel vm1, $0x1840, v0;
	v1 =	vsel vm1, $0x184D, v1  }
0x30: {  	s6 =	sshll.u32 s3, $0x4;
	s9 =	ssub.s32 s7, s30;
	s31 =	sshll.u32 s3, $0x9;
	v3 =	vsel vm0, $0x3C00, v3;
	v4 =	vsel vm0, $0x3C0E, v4;
	v5 =	vsel vm0, $0x5C00, v5  }
0x31: {  	s7 =	sor.u32 $0x10, s3;
	s8 =	sadd.s32 s6, s5;
	s6 =	sadd.s32 s4, s31;
	v6 =	vsel vm0, $0x5C0E, v6;
	v7 =	vsel vm0, $0x7C00, v7;
	v8 =	vsel vm0, $0x7C0E, v8  }
0x32: {  	s9 =	smax.u32 s9, $0x1;
	s5 =	sadd.s32 $0x210800, s8;
	s8 =	sadd.s32 $0x200800, s8;
	v0 =	vsel vm0, $0x1C00, v0;
	v1 =	vsel vm0, $0x1C0E, v1;
	vm0 =	vmmov $0x3ff  }
.LBB2_45:
0x33: {  	[hbm4b:s5+s2] =	stream.linear.scatter [tilespmem:s14], [sflag:$0x3], $0x4000, $0x38;
	[tilespmem:$0x1A180] =	vst v63  }
0x34: {  	s17 =	sadd.s32 $0x1, s17;
	_ =	swait.ge [sflag:s15], $0x4000  }
0x35: {  	p0 =	sne.s32 s17, s9;
	[sflag:s15] =	ssyncset.done $0x0  }
.Ltmp1:
0x36: {  	[sflag:s15] =	ssyncadd.s32 $0xFFFFC000;
	(pc) =	sbr.rel @!p0 .LBB2_46-.Ltmp1, $4  }
0x37: {  	[hbm4b:s8+s2] =	stream.linear.scatter [tilespmem:s16], [sflag:$0x3], $0x4000, $0x38;
	[tilespmem:$0x1A180] =	vst v63  }
0x38: {  	_ =	swait.ge [sflag:s15], $0x4000  }
0x39: {  	[sflag:s15] =	ssyncset.done $0x0  }
0x3a: {  	[sflag:s15] =	ssyncadd.s32 $0xFFFFC000  }
.LBB2_1:
.Ltmp2:
0x3b: {  	(pc) =	sbr.rel .LBB2_3-.Ltmp2, $3  }
0x3c: {  	_ =	sdelay $0x1  }
0x3d: {  	[tilespmem:s2], [sflag:$0x1] =	stream.linear.gather [hbm4b:s6+s2], $0x8000, $0x38;
	[tilespmem:$0x1A180] =	vst v63  }
0x3e: {  	s19 =	simm.s32 $0x0  }
.LBB2_2:
0x3f: {  	p0 =	seq.s32 s19, $0x8  }
.Ltmp3:
0x40: {  	_ = 	snop;
	(pc) =	sbr.rel @p0 .LBB2_45-.Ltmp3, $1  }
0x41: {  	_ =	sdelay $0x3  }
.LBB2_3:
0x42: {  	s20 =	sshll.u32 s19, $0x4  }
.Ltmp4:
0x43: {  	s18 =	sor.u32 $0x8, s20;
	(pc) =	sbr.rel .LBB2_4-.Ltmp4, $4  }
0x44: {  	_ =	swait.ge [sflag:s10], $0x8000;
	s21 =	sadd.s32 s3, s18  }
0x45: {  	s31 =	sshll.u32 s19, $0xB;
	[sflag:s10] =	ssyncset.done $0x0;
	s21 =	sshll.u32 s21, $0x9  }
0x46: {  	[sflag:s10] =	ssyncadd.s32 $0xFFFF8000;
	s22 =	sadd.s32 s4, s21;
	s21 =	simm.s32 $0x0  }
0x47: {  	v11 =	vmov s31;
	[tilespmem:s11], [sflag:$0x2] =	stream.linear.gather [hbm4b:s22+s21], $0x8000, $0x38;
	[tilespmem:$0x1A180] =	vst v63  }
.LBB2_19:
0x48: {  	_ = 	snop  }
.LBB2_22:
0x49: {  	vm1 =	vlt.f32 @p0 v18, v16  }
0x4a: {  	v16 =	vsel @p0 vm1, v18, v16;
	v17 =	vsel @p0 vm1, v19, v17  }
0x4b: {  	(xrf1) =	vsort.ascd.msk.f32 @p0 $0xffff, v16, v17;
	_ =	sdelay $0x2  }
0x4c: {  	(xrf1) =	vsort.ascd.msk.f32 $0xffff, v14, v15;
	_ =	sdelay $0xa  }
0x4d: {  	v14, v15, _ =	vpop @p0 (xrf1)  }
0x4e: {  	v13 =	vpsel p0, v14, v13  }
0x4f: {  	v12 =	vpsel p0, v15, v12;
	v13 =	vperm.xlane v13, v10  }
0x50: {  	v14, v15, _ =	vpop (xrf1);
	v12 =	vperm.xlane v12, v10  }
0x51: {  	vm1 =	vlt.f32 v14, v13  }
0x52: {  	v13 =	vsel vm1, v14, v13;
	v12 =	vsel vm1, v15, v12  }
0x53: {  	(xrf1) =	vsort.ascd.msk.f32 $0xffff, v13, v12;
	_ =	sdelay $0xd  }
0x54: {  	v13, v12, _ =	vpop (xrf1)  }
.LBB2_23:
0x55: {  	s21 =	sadd.s32 $0x1, s21  }
0x56: {  	p0 =	sne.s32 s21, $0x8  }
.Ltmp5:
0x57: {  	_ = 	snop;
	(pc) =	sbr.rel @!p0 .LBB2_24-.Ltmp5, $3  }
0x58: {  	_ =	sdelay $0x1  }
0x59: {  	[tilespmem:v11+s22+$0x12180 ss:$0x1] =	vst.idx.msk $0xffff, v13  }
0x5a: {  	[tilespmem:v11+s22+$0x16180 ss:$0x1] =	vst.idx.msk $0xffff, v12  }
.LBB2_4:
0x5b: {  	v12 =	vmov s21  }
0x5c: {  	s22 =	simm.s32 $0xF;
	v12 =	vshll.u32 v12, $0x7  }
0x5d: {  	s28 =	simm.s32 $0x8;
	v15 =	vimm.f32 $+Inf;
	s23 =	simm.s32 $0xC;
	s24 =	simm.s32 $0xD;
	v16 =	vadd.s32 s22, v2;
	v14 =	vbroadcast v12, $0x0  }
0x5e: {  	s25 =	simm.s32 $0x4;
	v17 =	vadd.s32 s28, v2;
	v18 =	vadd.s32 s23, v2;
	v19 =	vadd.s32 s24, v2  }
0x5f: {  	s29 =	simm.s32 $0x9;
	v20 =	vadd.s32 s25, v2;
	v16 =	vand.u32 $0x3F, v16;
	v13 =	vor.u32 v0, v14  }
0x60: {  	s30 =	simm.s32 $0xA;
	v21 =	vadd.s32 s29, v2;
	v18 =	vand.u32 $0x3F, v18;
	v16 =	vor.u32 v16, v13  }
0x61: {  	v22 =	vadd.s32 s30, v2;
	v19 =	vand.u32 $0x3F, v19;
	v18 =	vor.u32 v18, v13  }
0x62: {  	s23 =	simm.s32 $0x0;
	v17 =	vand.u32 $0x3F, v17;
	v21 =	vand.u32 $0x3F, v21;
	v19 =	vor.u32 v19, v13  }
0x63: {  	v22 =	vand.u32 $0x3F, v22;
	v25 =	vor.u32 s23, v12;
	v24 =	vor.u32 v17, v13  }
0x64: {  	s31 =	simm.s32 $0x5;
	v20 =	vand.u32 $0x3F, v20;
	v25 =	vbroadcast v25, $0x0;
	v21 =	vor.u32 v21, v13  }
0x65: {  	v23 =	vadd.s32 s31, v2;
	s24 =	simm.s32 $0x6;
	v22 =	vor.u32 v22, v13;
	v20 =	vor.u32 v20, v13;
	v17 =	vld.idx.msk [tilespmem:v16+s2+$0x0], $0xffff  }
0x66: {  	s25 =	simm.s32 $0x1;
	v35 =	vor.u32 v1, v25;
	v16 =	vand.u32 $0x3F, v23;
	v18 =	vld.idx.msk [tilespmem:v18+s2+$0x0], $0xffff;
	v23 =	vadd.s32 s24, v2  }
0x67: {  	s26 =	simm.s32 $0x2;
	v31 =	vor.u32 v16, v13;
	v16 =	vld.idx.msk [tilespmem:v19+s2+$0x0], $0xffff;
	v19 =	vadd.s32 s25, v2;
	v25 =	vand.u32 $0x3F, v23  }
0x68: {  	v26 =	vadd.s32 s26, v2;
	s28 =	simm.s32 $0x3;
	v23 =	vld.idx.msk [tilespmem:v24+s2+$0x0], $0xffff;
	v24 =	vand.u32 $0x3F, v19;
	v30 =	vor.u32 v25, v13  }
0x69: {  	s29 =	simm.s32 $0x7;
	v19 =	vld.idx.msk [tilespmem:v21+s2+$0x0], $0xffff;
	v21 =	vand.u32 $0x3F, v26;
	v25 =	vadd.s32 s28, v2;
	v27 =	vor.u32 v24, v13  }
0x6a: {  	s31 =	simm.s32 $0xE;
	v24 =	vld.idx.msk [tilespmem:v22+s2+$0x0], $0xffff;
	v28 =	vor.u32 v21, v13;
	v21 =	vand.u32 $0x3F, v25;
	v22 =	vadd.s32 s29, v2  }
0x6b: {  	s30 =	simm.s32 $0xB;
	v34 =	vadd.s32 s31, v2;
	v26 =	vld.idx.msk [tilespmem:v20+s2+$0x0], $0xffff;
	v29 =	vor.u32 v21, v13;
	v20 =	vand.u32 $0x3F, v22  }
0x6c: {  	v21 =	vadd.s32 s30, v2;
	v22 =	vimm.f32 $+Inf;
	v32 =	vor.u32 v20, v13;
	v25 =	vld.idx.msk [tilespmem:v31+s2+$0x0], $0xffff  }
0x6d: {  	s22 =	simm.s32 $0x0;
	s23 =	simm.s32 $0x1F;
	v33 =	vand.u32 $0x3F, v21;
	v20 =	vimm.f32 $+Inf;
	v21 =	vimm.f32 $+Inf;
	v31 =	vld.idx.msk [tilespmem:v35+s2+$0x0], $0xffff  }
.LBB2_5:
0x6e: {  	v35 =	vadd.s32 s23, v2;
	v30 =	vld.idx.msk [tilespmem:v30+s2+$0x0], $0xffff;
	v33 =	vor.u32 v33, v13;
	v34 =	vand.u32 $0x3F, v34  }
0x6f: {  	s24 =	sadd.s32 $0xFFFFFFF9, s23;
	s25 =	sadd.s32 $0xFFFFFFFD, s23;
	s26 =	sadd.s32 $0xFFFFFFFE, s23;
	v35 =	vand.u32 $0x3F, v35;
	v27 =	vld.idx.msk [tilespmem:v27+s2+$0x0], $0xffff;
	v34 =	vor.u32 v34, v13  }
0x70: {  	s28 =	sadd.s32 $0xFFFFFFF5, s23;
	s29 =	sadd.s32 $0xFFFFFFFB, s23;
	v36 =	vadd.s32 s24, v2;
	s24 =	sadd.s32 $0xFFFFFFFA, s23;
	v37 =	vadd.s32 s25, v2;
	v38 =	vadd.s32 s26, v2;
	v28 =	vld.idx.msk [tilespmem:v28+s2+$0x0], $0xffff  }
0x71: {  	v39 =	vadd.s32 s28, v2;
	s25 =	sadd.s32 $0xFFFFFFF6, s23;
	v41 =	vadd.s32 s29, v2;
	v40 =	vadd.s32 s24, v2;
	v29 =	vld.idx.msk [tilespmem:v29+s2+$0x0], $0xffff  }
0x72: {  	v42 =	vadd.s32 s25, v2;
	v37 =	vand.u32 $0x3F, v37;
	v35 =	vor.u32 v35, v13;
	v32 =	vld.idx.msk [tilespmem:v32+s2+$0x0], $0xffff  }
0x73: {  	v36 =	vand.u32 $0x3F, v36;
	v38 =	vand.u32 $0x3F, v38;
	v15 =	vmin.f32 v15, v31;
	v31 =	vld.idx.msk [tilespmem:v33+s2+$0x0], $0xffff  }
0x74: {  	v33 =	vand.u32 $0x3F, v40;
	v40 =	vand.u32 $0x3F, v41;
	v15 =	vmin.f32 v15, v26;
	v26 =	vld.idx.msk [tilespmem:v34+s2+$0x0], $0xffff  }
0x75: {  	v34 =	vor.u32 v37, v13;
	v37 =	vor.u32 v38, v13;
	v15 =	vmin.f32 v15, v23  }
0x76: {  	v23 =	vor.u32 v36, v13;
	v33 =	vor.u32 v33, v13;
	v15 =	vmin.f32 v15, v18  }
0x77: {  	v18 =	vmin.f32 v20, v27;
	v20 =	vmin.f32 v21, v28;
	v21 =	vmin.f32 v22, v29  }
0x78: {  	v18 =	vmin.f32 v18, v25;
	v20 =	vmin.f32 v20, v30;
	v21 =	vmin.f32 v21, v32  }
0x79: {  	v18 =	vmin.f32 v18, v19;
	v19 =	vmin.f32 v20, v24;
	v22 =	vmin.f32 v21, v31  }
0x7a: {  	s24 =	sadd.s32 $0xFFFFFFF1, s23;
	v20 =	vmin.f32 v18, v16;
	v21 =	vmin.f32 v19, v26;
	v22 =	vmin.f32 v22, v17  }
0x7b: {  	v24 =	vor.u32 v40, v13;
	v16 =	vor.u32 s24, v12;
	v18 =	vand.u32 $0x3F, v39;
	v17 =	vld.idx.msk [tilespmem:v35+s2+$0x0], $0xffff  }
0x7c: {  	s24 =	sadd.s32 $0xFFFFFFF7, s23;
	v19 =	vbroadcast v16, $0x0;
	v25 =	vor.u32 v18, v13;
	v16 =	vand.u32 $0x3F, v42;
	v18 =	vld.idx.msk [tilespmem:v34+s2+$0x0], $0xffff  }
0x7d: {  	s22 =	sadd.s32 $0x4, s22;
	s25 =	sadd.s32 $0xFFFFFFF2, s23;
	v26 =	vadd.s32 s24, v2;
	v31 =	vor.u32 v16, v13;
	v16 =	vld.idx.msk [tilespmem:v37+s2+$0x0], $0xffff  }
0x7e: {  	p0 =	slt.u32 s22, $0xC;
	s24 =	sadd.s32 $0xFFFFFFF3, s23;
	v26 =	vand.u32 $0x3F, v26;
	v32 =	vor.u32 v1, v19;
	v19 =	vadd.s32 s25, v2;
	v23 =	vld.idx.msk [tilespmem:v23+s2+$0x0], $0xffff  }
.Ltmp6:
0x7f: {  	v28 =	vadd.s32 s24, v2;
	s24 =	sadd.s32 $0xFFFFFFF4, s23;
	v30 =	vor.u32 v26, v13;
	v27 =	vand.u32 $0x3F, v19;
	v19 =	vld.idx.msk [tilespmem:v33+s2+$0x0], $0xffff;
	(pc) =	sbr.rel @p0 .LBB2_5-.Ltmp6, $4  }
0x80: {  	v26 =	vand.u32 $0x3F, v28;
	v29 =	vadd.s32 s24, v2;
	s24 =	sadd.s32 $0xFFFFFFF8, s23;
	v27 =	vor.u32 v27, v13;
	v24 =	vld.idx.msk [tilespmem:v24+s2+$0x0], $0xffff  }
0x81: {  	v28 =	vor.u32 v26, v13;
	v29 =	vand.u32 $0x3F, v29;
	v33 =	vadd.s32 s24, v2;
	s24 =	sadd.s32 $0xFFFFFFFC, s23;
	v26 =	vld.idx.msk [tilespmem:v25+s2+$0x0], $0xffff  }
0x82: {  	v29 =	vor.u32 v29, v13;
	v33 =	vand.u32 $0x3F, v33;
	v34 =	vadd.s32 s24, v2;
	s24 =	sadd.s32 $0xFFFFFFFF, s23;
	v25 =	vld.idx.msk [tilespmem:v31+s2+$0x0], $0xffff  }
0x83: {  	s23 =	sadd.s32 $0x10, s23;
	v31 =	vld.idx.msk [tilespmem:v32+s2+$0x0], $0xffff;
	v32 =	vor.u32 v33, v13;
	v33 =	vand.u32 $0x3F, v34;
	v34 =	vadd.s32 s24, v2  }
0x84: {  	_ =	sdelay $0x2  }
0x85: {  	v34 =	vand.u32 $0x3F, v34  }
0x86: {  	v33 =	vor.u32 v33, v13;
	v27 =	vld.idx.msk [tilespmem:v27+s2+$0x0], $0xffff;
	v13 =	vor.u32 v34, v13  }
0x87: {  	v29 =	vld.idx.msk [tilespmem:v29+s2+$0x0], $0xffff  }
0x88: {  	v28 =	vld.idx.msk [tilespmem:v28+s2+$0x0], $0xffff  }
0x89: {  	v32 =	vld.idx.msk [tilespmem:v32+s2+$0x0], $0xffff;
	v15 =	vmin.f32 v15, v31  }
0x8a: {  	v30 =	vld.idx.msk [tilespmem:v30+s2+$0x0], $0xffff;
	v15 =	vmin.f32 v15, v26  }
0x8b: {  	s23 =	simm.s32 $0xC;
	v26 =	vld.idx.msk [tilespmem:v13+s2+$0x0], $0xffff;
	v13 =	vmin.f32 v15, v23  }
0x8c: {  	s24 =	simm.s32 $0xD;
	s31 =	simm.s32 $0x5;
	v31 =	vld.idx.msk [tilespmem:v33+s2+$0x0], $0xffff;
	v15 =	vmin.f32 v20, v27;
	v20 =	vmin.f32 v22, v29;
	v22 =	vadd.s32 s23, v2  }
0x8d: {  	v23 =	vadd.s32 s24, v2;
	v27 =	vadd.s32 s31, v2;
	v13 =	vmin.f32 v13, v18  }
0x8e: {  	s28 =	simm.s32 $0x8;
	s29 =	simm.s32 $0x9;
	v18 =	vmin.f32 v21, v28;
	v15 =	vmin.f32 v15, v25;
	v20 =	vmin.f32 v20, v32  }
0x8f: {  	v21 =	vadd.s32 s28, v2;
	v25 =	vadd.s32 s29, v2;
	v18 =	vmin.f32 v18, v30  }
0x90: {  	s22 =	simm.s32 $0xF;
	v22 =	vand.u32 $0x3F, v22;
	v15 =	vmin.f32 v15, v19;
	v18 =	vmin.f32 v18, v24  }
0x91: {  	v15 =	vmin.f32 v15, v16;
	v19 =	vmin.f32 v20, v31;
	v20 =	vadd.s32 s22, v2  }
0x92: {  	s23 =	simm.s32 $0x0;
	v16 =	vmin.f32 v18, v26;
	v18 =	vor.u32 v3, v14;
	v20 =	vand.u32 $0x3F, v20  }
0x93: {  	s31 =	simm.s32 $0xE;
	v23 =	vand.u32 $0x3F, v23;
	v29 =	vor.u32 s23, v12;
	v20 =	vor.u32 v20, v18  }
0x94: {  	v38 =	vadd.s32 s31, v2;
	v21 =	vand.u32 $0x3F, v21;
	v22 =	vor.u32 v22, v18  }
0x95: {  	s30 =	simm.s32 $0xA;
	s26 =	simm.s32 $0x2;
	v25 =	vand.u32 $0x3F, v25;
	v29 =	vbroadcast v29, $0x0;
	v23 =	vor.u32 v23, v18  }
0x96: {  	s25 =	simm.s32 $0x4;
	v30 =	vadd.s32 s26, v2;
	v26 =	vadd.s32 s30, v2;
	v28 =	vor.u32 v21, v18  }
0x97: {  	v24 =	vadd.s32 s25, v2;
	v26 =	vand.u32 $0x3F, v26;
	v25 =	vor.u32 v25, v18  }
0x98: {  	s24 =	simm.s32 $0x6;
	v24 =	vand.u32 $0x3F, v24;
	v39 =	vor.u32 v4, v29;
	v26 =	vor.u32 v26, v18;
	v21 =	vld.idx.msk [tilespmem:v20+s2+$0x0], $0xffff  }
0x99: {  	s25 =	simm.s32 $0x1;
	v24 =	vor.u32 v24, v18;
	v20 =	vand.u32 $0x3F, v27;
	v22 =	vld.idx.msk [tilespmem:v22+s2+$0x0], $0xffff;
	v27 =	vadd.s32 s24, v2  }
0x9a: {  	v35 =	vor.u32 v20, v18;
	v20 =	vld.idx.msk [tilespmem:v23+s2+$0x0], $0xffff;
	v23 =	vadd.s32 s25, v2;
	v29 =	vand.u32 $0x3F, v27  }
0x9b: {  	s28 =	simm.s32 $0x3;
	v17 =	vmin.f32 v19, v17;
	v27 =	vld.idx.msk [tilespmem:v28+s2+$0x0], $0xffff;
	v28 =	vand.u32 $0x3F, v23;
	v34 =	vor.u32 v29, v18  }
0x9c: {  	s29 =	simm.s32 $0x7;
	v23 =	vld.idx.msk [tilespmem:v25+s2+$0x0], $0xffff;
	v25 =	vand.u32 $0x3F, v30;
	v29 =	vadd.s32 s28, v2;
	v31 =	vor.u32 v28, v18  }
0x9d: {  	v28 =	vld.idx.msk [tilespmem:v26+s2+$0x0], $0xffff;
	v32 =	vor.u32 v25, v18;
	v25 =	vand.u32 $0x3F, v29;
	v26 =	vadd.s32 s29, v2  }
0x9e: {  	v19 =	vimm.f32 $+Inf;
	s30 =	simm.s32 $0xB;
	v30 =	vld.idx.msk [tilespmem:v24+s2+$0x0], $0xffff;
	v33 =	vor.u32 v25, v18;
	v24 =	vand.u32 $0x3F, v26  }
0x9f: {  	v25 =	vadd.s32 s30, v2;
	v26 =	vimm.f32 $+Inf;
	v36 =	vor.u32 v24, v18;
	v29 =	vld.idx.msk [tilespmem:v35+s2+$0x0], $0xffff  }
0xa0: {  	s23 =	simm.s32 $0x1F;
	s22 =	simm.s32 $0x0;
	v37 =	vand.u32 $0x3F, v25;
	v24 =	vimm.f32 $+Inf;
	v25 =	vimm.f32 $+Inf;
	v35 =	vld.idx.msk [tilespmem:v39+s2+$0x0], $0xffff  }
.LBB2_7:
0xa1: {  	v39 =	vadd.s32 s23, v2;
	v34 =	vld.idx.msk [tilespmem:v34+s2+$0x0], $0xffff;
	v37 =	vor.u32 v37, v18;
	v38 =	vand.u32 $0x3F, v38  }
0xa2: {  	s24 =	sadd.s32 $0xFFFFFFF9, s23;
	s25 =	sadd.s32 $0xFFFFFFFD, s23;
	s26 =	sadd.s32 $0xFFFFFFFE, s23;
	v39 =	vand.u32 $0x3F, v39;
	v31 =	vld.idx.msk [tilespmem:v31+s2+$0x0], $0xffff;
	v38 =	vor.u32 v38, v18  }
0xa3: {  	s28 =	sadd.s32 $0xFFFFFFF5, s23;
	s29 =	sadd.s32 $0xFFFFFFFB, s23;
	v40 =	vadd.s32 s24, v2;
	s24 =	sadd.s32 $0xFFFFFFFA, s23;
	v41 =	vadd.s32 s25, v2;
	v42 =	vadd.s32 s26, v2;
	v32 =	vld.idx.msk [tilespmem:v32+s2+$0x0], $0xffff  }
0xa4: {  	v43 =	vadd.s32 s28, v2;
	s25 =	sadd.s32 $0xFFFFFFF6, s23;
	v45 =	vadd.s32 s29, v2;
	v44 =	vadd.s32 s24, v2;
	v33 =	vld.idx.msk [tilespmem:v33+s2+$0x0], $0xffff  }
0xa5: {  	v46 =	vadd.s32 s25, v2;
	v41 =	vand.u32 $0x3F, v41;
	v39 =	vor.u32 v39, v18;
	v36 =	vld.idx.msk [tilespmem:v36+s2+$0x0], $0xffff  }
0xa6: {  	v40 =	vand.u32 $0x3F, v40;
	v42 =	vand.u32 $0x3F, v42;
	v19 =	vmin.f32 v19, v35;
	v35 =	vld.idx.msk [tilespmem:v37+s2+$0x0], $0xffff  }
0xa7: {  	v37 =	vand.u32 $0x3F, v44;
	v44 =	vand.u32 $0x3F, v45;
	v19 =	vmin.f32 v19, v30;
	v30 =	vld.idx.msk [tilespmem:v38+s2+$0x0], $0xffff  }
0xa8: {  	v38 =	vor.u32 v41, v18;
	v41 =	vor.u32 v42, v18;
	v19 =	vmin.f32 v19, v27  }
0xa9: {  	v27 =	vor.u32 v40, v18;
	v37 =	vor.u32 v37, v18;
	v19 =	vmin.f32 v19, v22  }
0xaa: {  	v22 =	vmin.f32 v24, v31;
	v24 =	vmin.f32 v25, v32;
	v25 =	vmin.f32 v26, v33  }
0xab: {  	v22 =	vmin.f32 v22, v29;
	v24 =	vmin.f32 v24, v34;
	v25 =	vmin.f32 v25, v36  }
0xac: {  	v22 =	vmin.f32 v22, v23;
	v23 =	vmin.f32 v24, v28;
	v26 =	vmin.f32 v25, v35  }
0xad: {  	s24 =	sadd.s32 $0xFFFFFFF1, s23;
	v24 =	vmin.f32 v22, v20;
	v25 =	vmin.f32 v23, v30;
	v26 =	vmin.f32 v26, v21  }
0xae: {  	v28 =	vor.u32 v44, v18;
	v20 =	vor.u32 s24, v12;
	v22 =	vand.u32 $0x3F, v43;
	v21 =	vld.idx.msk [tilespmem:v39+s2+$0x0], $0xffff  }
0xaf: {  	s24 =	sadd.s32 $0xFFFFFFF7, s23;
	v23 =	vbroadcast v20, $0x0;
	v29 =	vor.u32 v22, v18;
	v20 =	vand.u32 $0x3F, v46;
	v22 =	vld.idx.msk [tilespmem:v38+s2+$0x0], $0xffff  }
0xb0: {  	s22 =	sadd.s32 $0x4, s22;
	s25 =	sadd.s32 $0xFFFFFFF2, s23;
	v30 =	vadd.s32 s24, v2;
	v35 =	vor.u32 v20, v18;
	v20 =	vld.idx.msk [tilespmem:v41+s2+$0x0], $0xffff  }
0xb1: {  	p0 =	slt.u32 s22, $0xC;
	s24 =	sadd.s32 $0xFFFFFFF3, s23;
	v30 =	vand.u32 $0x3F, v30;
	v36 =	vor.u32 v4, v23;
	v23 =	vadd.s32 s25, v2;
	v27 =	vld.idx.msk [tilespmem:v27+s2+$0x0], $0xffff  }
.Ltmp7:
0xb2: {  	v32 =	vadd.s32 s24, v2;
	s24 =	sadd.s32 $0xFFFFFFF4, s23;
	v34 =	vor.u32 v30, v18;
	v31 =	vand.u32 $0x3F, v23;
	v23 =	vld.idx.msk [tilespmem:v37+s2+$0x0], $0xffff;
	(pc) =	sbr.rel @p0 .LBB2_7-.Ltmp7, $4  }
0xb3: {  	v30 =	vand.u32 $0x3F, v32;
	v33 =	vadd.s32 s24, v2;
	s24 =	sadd.s32 $0xFFFFFFF8, s23;
	v31 =	vor.u32 v31, v18;
	v28 =	vld.idx.msk [tilespmem:v28+s2+$0x0], $0xffff  }
0xb4: {  	v32 =	vor.u32 v30, v18;
	v33 =	vand.u32 $0x3F, v33;
	v37 =	vadd.s32 s24, v2;
	s24 =	sadd.s32 $0xFFFFFFFC, s23;
	v30 =	vld.idx.msk [tilespmem:v29+s2+$0x0], $0xffff  }
0xb5: {  	v33 =	vor.u32 v33, v18;
	v37 =	vand.u32 $0x3F, v37;
	v38 =	vadd.s32 s24, v2;
	s24 =	sadd.s32 $0xFFFFFFFF, s23;
	v29 =	vld.idx.msk [tilespmem:v35+s2+$0x0], $0xffff  }
0xb6: {  	s23 =	sadd.s32 $0x10, s23;
	v35 =	vld.idx.msk [tilespmem:v36+s2+$0x0], $0xffff;
	v36 =	vor.u32 v37, v18;
	v37 =	vand.u32 $0x3F, v38;
	v38 =	vadd.s32 s24, v2  }
0xb7: {  	_ =	sdelay $0x3  }
0xb8: {  	v37 =	vor.u32 v37, v18;
	v38 =	vand.u32 $0x3F, v38;
	v31 =	vld.idx.msk [tilespmem:v31+s2+$0x0], $0xffff  }
0xb9: {  	v33 =	vld.idx.msk [tilespmem:v33+s2+$0x0], $0xffff;
	v18 =	vor.u32 v38, v18  }
0xba: {  	v34 =	vld.idx.msk [tilespmem:v34+s2+$0x0], $0xffff  }
0xbb: {  	v32 =	vld.idx.msk [tilespmem:v32+s2+$0x0], $0xffff  }
0xbc: {  	v36 =	vld.idx.msk [tilespmem:v36+s2+$0x0], $0xffff;
	s26 =	simm.s32 $0x2;
	v19 =	vmin.f32 v19, v35  }
0xbd: {  	v62 =	vadd.s32 s26, v2;
	v57 =	vld.idx.msk [tilespmem:v37+s2+$0x0], $0xffff;
	v19 =	vmin.f32 v19, v30  }
0xbe: {  	s23 =	simm.s32 $0xC;
	s24 =	simm.s32 $0xD;
	s31 =	simm.s32 $0x5;
	v30 =	vld.idx.msk [tilespmem:v18+s2+$0x0], $0xffff;
	v18 =	vmin.f32 v19, v27;
	v19 =	vmin.f32 v24, v31;
	v24 =	vmin.f32 v26, v33  }
0xbf: {  	v26 =	vadd.s32 s23, v2;
	v27 =	vadd.s32 s24, v2;
	v31 =	vadd.s32 s31, v2  }
0xc0: {  	s28 =	simm.s32 $0x8;
	v18 =	vmin.f32 v18, v22;
	v22 =	vmin.f32 v25, v32;
	v19 =	vmin.f32 v19, v29  }
0xc1: {  	s29 =	simm.s32 $0x9;
	v24 =	vmin.f32 v24, v36;
	v25 =	vadd.s32 s28, v2;
	v22 =	vmin.f32 v22, v34  }
0xc2: {  	s22 =	simm.s32 $0xF;
	v29 =	vadd.s32 s29, v2;
	v19 =	vmin.f32 v19, v23;
	v22 =	vmin.f32 v22, v28  }
0xc3: {  	v19 =	vmin.f32 v19, v20;
	v23 =	vmin.f32 v24, v57;
	v24 =	vadd.s32 s22, v2  }
0xc4: {  	s25 =	simm.s32 $0x4;
	v20 =	vmin.f32 v22, v30;
	v22 =	vor.u32 v5, v14;
	v24 =	vand.u32 $0x3F, v24  }
0xc5: {  	v26 =	vand.u32 $0x3F, v26;
	v28 =	vadd.s32 s25, v2;
	v24 =	vor.u32 v24, v22  }
0xc6: {  	s30 =	simm.s32 $0xA;
	s23 =	simm.s32 $0x0;
	v27 =	vand.u32 $0x3F, v27;
	v28 =	vand.u32 $0x3F, v28;
	v26 =	vor.u32 v26, v22  }
0xc7: {  	v59 =	vor.u32 s23, v12;
	v30 =	vadd.s32 s30, v2;
	v28 =	vor.u32 v28, v22  }
0xc8: {  	v25 =	vand.u32 $0x3F, v25;
	v27 =	vor.u32 v27, v22;
	v30 =	vand.u32 $0x3F, v30  }
0xc9: {  	s31 =	simm.s32 $0xE;
	v29 =	vand.u32 $0x3F, v29;
	v33 =	vbroadcast v59, $0x0;
	v30 =	vor.u32 v30, v22  }
0xca: {  	s28 =	simm.s32 $0x3;
	v42 =	vadd.s32 s31, v2;
	v58 =	vor.u32 v25, v22;
	v29 =	vor.u32 v29, v22;
	v25 =	vld.idx.msk [tilespmem:v24+s2+$0x0], $0xffff  }
0xcb: {  	s24 =	simm.s32 $0x6;
	v63 =	vadd.s32 s28, v2;
	v43 =	vor.u32 v6, v33;
	v24 =	vand.u32 $0x3F, v31;
	v26 =	vld.idx.msk [tilespmem:v26+s2+$0x0], $0xffff  }
0xcc: {  	s25 =	simm.s32 $0x1;
	v21 =	vmin.f32 v23, v21;
	v31 =	vadd.s32 s24, v2;
	v34 =	vld.idx.msk [tilespmem:v28+s2+$0x0], $0xffff;
	v39 =	vor.u32 v24, v22  }
0xcd: {  	s29 =	simm.s32 $0x7;
	v23 =	vimm.f32 $+Inf;
	v24 =	vld.idx.msk [tilespmem:v27+s2+$0x0], $0xffff;
	v27 =	vadd.s32 s25, v2;
	v60 =	vand.u32 $0x3F, v31  }
0xce: {  	v32 =	vld.idx.msk [tilespmem:v30+s2+$0x0], $0xffff;
	v30 =	vadd.s32 s29, v2;
	v61 =	vand.u32 $0x3F, v27;
	v38 =	vor.u32 v60, v22  }
0xcf: {  	v27 =	vld.idx.msk [tilespmem:v29+s2+$0x0], $0xffff;
	v29 =	vand.u32 $0x3F, v62;
	v28 =	vand.u32 $0x3F, v30;
	v35 =	vor.u32 v61, v22  }
0xd0: {  	s30 =	simm.s32 $0xB;
	v31 =	vld.idx.msk [tilespmem:v58+s2+$0x0], $0xffff;
	v30 =	vimm.f32 $+Inf;
	v36 =	vor.u32 v29, v22;
	v29 =	vand.u32 $0x3F, v63  }
0xd1: {  	v40 =	vor.u32 v28, v22;
	v37 =	vor.u32 v29, v22;
	v29 =	vadd.s32 s30, v2;
	v33 =	vld.idx.msk [tilespmem:v39+s2+$0x0], $0xffff  }
0xd2: {  	s23 =	simm.s32 $0x1F;
	s22 =	simm.s32 $0x0;
	v28 =	vimm.f32 $+Inf;
	v41 =	vand.u32 $0x3F, v29;
	v29 =	vimm.f32 $+Inf;
	v39 =	vld.idx.msk [tilespmem:v43+s2+$0x0], $0xffff  }
.LBB2_9:
0xd3: {  	v43 =	vadd.s32 s23, v2;
	v38 =	vld.idx.msk [tilespmem:v38+s2+$0x0], $0xffff;
	v41 =	vor.u32 v41, v22;
	v42 =	vand.u32 $0x3F, v42  }
0xd4: {  	s24 =	sadd.s32 $0xFFFFFFF9, s23;
	s25 =	sadd.s32 $0xFFFFFFFD, s23;
	s26 =	sadd.s32 $0xFFFFFFFE, s23;
	v43 =	vand.u32 $0x3F, v43;
	v35 =	vld.idx.msk [tilespmem:v35+s2+$0x0], $0xffff;
	v42 =	vor.u32 v42, v22  }
0xd5: {  	s28 =	sadd.s32 $0xFFFFFFF5, s23;
	s29 =	sadd.s32 $0xFFFFFFFB, s23;
	v44 =	vadd.s32 s24, v2;
	s24 =	sadd.s32 $0xFFFFFFFA, s23;
	v45 =	vadd.s32 s25, v2;
	v46 =	vadd.s32 s26, v2;
	v36 =	vld.idx.msk [tilespmem:v36+s2+$0x0], $0xffff  }
0xd6: {  	v47 =	vadd.s32 s28, v2;
	s25 =	sadd.s32 $0xFFFFFFF6, s23;
	v49 =	vadd.s32 s29, v2;
	v48 =	vadd.s32 s24, v2;
	v37 =	vld.idx.msk [tilespmem:v37+s2+$0x0], $0xffff  }
0xd7: {  	v50 =	vadd.s32 s25, v2;
	v45 =	vand.u32 $0x3F, v45;
	v43 =	vor.u32 v43, v22;
	v40 =	vld.idx.msk [tilespmem:v40+s2+$0x0], $0xffff  }
0xd8: {  	v44 =	vand.u32 $0x3F, v44;
	v46 =	vand.u32 $0x3F, v46;
	v23 =	vmin.f32 v23, v39;
	v39 =	vld.idx.msk [tilespmem:v41+s2+$0x0], $0xffff  }
0xd9: {  	v41 =	vand.u32 $0x3F, v48;
	v48 =	vand.u32 $0x3F, v49;
	v23 =	vmin.f32 v23, v34;
	v34 =	vld.idx.msk [tilespmem:v42+s2+$0x0], $0xffff  }
0xda: {  	v42 =	vor.u32 v45, v22;
	v45 =	vor.u32 v46, v22;
	v23 =	vmin.f32 v23, v31  }
0xdb: {  	v31 =	vor.u32 v44, v22;
	v41 =	vor.u32 v41, v22;
	v23 =	vmin.f32 v23, v26  }
0xdc: {  	v26 =	vmin.f32 v28, v35;
	v28 =	vmin.f32 v29, v36;
	v29 =	vmin.f32 v30, v37  }
0xdd: {  	v26 =	vmin.f32 v26, v33;
	v28 =	vmin.f32 v28, v38;
	v29 =	vmin.f32 v29, v40  }
0xde: {  	v26 =	vmin.f32 v26, v27;
	v27 =	vmin.f32 v28, v32;
	v30 =	vmin.f32 v29, v39  }
0xdf: {  	s24 =	sadd.s32 $0xFFFFFFF1, s23;
	v28 =	vmin.f32 v26, v24;
	v29 =	vmin.f32 v27, v34;
	v30 =	vmin.f32 v30, v25  }
0xe0: {  	v32 =	vor.u32 v48, v22;
	v24 =	vor.u32 s24, v12;
	v26 =	vand.u32 $0x3F, v47;
	v25 =	vld.idx.msk [tilespmem:v43+s2+$0x0], $0xffff  }
0xe1: {  	s24 =	sadd.s32 $0xFFFFFFF7, s23;
	v27 =	vbroadcast v24, $0x0;
	v33 =	vor.u32 v26, v22;
	v24 =	vand.u32 $0x3F, v50;
	v26 =	vld.idx.msk [tilespmem:v42+s2+$0x0], $0xffff  }
0xe2: {  	s22 =	sadd.s32 $0x4, s22;
	s25 =	sadd.s32 $0xFFFFFFF2, s23;
	v34 =	vadd.s32 s24, v2;
	v39 =	vor.u32 v24, v22;
	v24 =	vld.idx.msk [tilespmem:v45+s2+$0x0], $0xffff  }
0xe3: {  	p0 =	slt.u32 s22, $0xC;
	s24 =	sadd.s32 $0xFFFFFFF3, s23;
	v34 =	vand.u32 $0x3F, v34;
	v40 =	vor.u32 v6, v27;
	v27 =	vadd.s32 s25, v2;
	v31 =	vld.idx.msk [tilespmem:v31+s2+$0x0], $0xffff  }
.Ltmp8:
0xe4: {  	v36 =	vadd.s32 s24, v2;
	s24 =	sadd.s32 $0xFFFFFFF4, s23;
	v38 =	vor.u32 v34, v22;
	v35 =	vand.u32 $0x3F, v27;
	v27 =	vld.idx.msk [tilespmem:v41+s2+$0x0], $0xffff;
	(pc) =	sbr.rel @p0 .LBB2_9-.Ltmp8, $4  }
0xe5: {  	v34 =	vand.u32 $0x3F, v36;
	v37 =	vadd.s32 s24, v2;
	s24 =	sadd.s32 $0xFFFFFFF8, s23;
	v35 =	vor.u32 v35, v22;
	v32 =	vld.idx.msk [tilespmem:v32+s2+$0x0], $0xffff  }
0xe6: {  	v36 =	vor.u32 v34, v22;
	v37 =	vand.u32 $0x3F, v37;
	v41 =	vadd.s32 s24, v2;
	s24 =	sadd.s32 $0xFFFFFFFC, s23;
	v34 =	vld.idx.msk [tilespmem:v33+s2+$0x0], $0xffff  }
0xe7: {  	v37 =	vor.u32 v37, v22;
	v41 =	vand.u32 $0x3F, v41;
	v42 =	vadd.s32 s24, v2;
	s24 =	sadd.s32 $0xFFFFFFFF, s23;
	v33 =	vld.idx.msk [tilespmem:v39+s2+$0x0], $0xffff  }
0xe8: {  	s23 =	sadd.s32 $0x10, s23;
	v39 =	vld.idx.msk [tilespmem:v40+s2+$0x0], $0xffff;
	v40 =	vor.u32 v41, v22;
	v41 =	vand.u32 $0x3F, v42;
	v42 =	vadd.s32 s24, v2  }
0xe9: {  	_ =	sdelay $0x2  }
0xea: {  	v42 =	vand.u32 $0x3F, v42  }
0xeb: {  	v41 =	vor.u32 v41, v22;
	v35 =	vld.idx.msk [tilespmem:v35+s2+$0x0], $0xffff;
	v22 =	vor.u32 v42, v22  }
0xec: {  	v37 =	vld.idx.msk [tilespmem:v37+s2+$0x0], $0xffff  }
0xed: {  	v36 =	vld.idx.msk [tilespmem:v36+s2+$0x0], $0xffff;
	s29 =	simm.s32 $0x9  }
0xee: {  	v40 =	vld.idx.msk [tilespmem:v40+s2+$0x0], $0xffff;
	v14 =	vor.u32 v7, v14;
	s30 =	simm.s32 $0xA;
	s26 =	simm.s32 $0x2;
	v50 =	vadd.s32 s29, v2;
	v23 =	vmin.f32 v23, v39  }
0xef: {  	v38 =	vld.idx.msk [tilespmem:v38+s2+$0x0], $0xffff;
	s31 =	simm.s32 $0x5;
	v51 =	vadd.s32 s30, v2;
	v58 =	vadd.s32 s26, v2;
	v23 =	vmin.f32 v23, v34  }
0xf0: {  	s24 =	simm.s32 $0xD;
	v52 =	vadd.s32 s31, v2;
	v59 =	vand.u32 $0x3F, v58;
	v49 =	vld.idx.msk [tilespmem:v22+s2+$0x0], $0xffff;
	v22 =	vmin.f32 v23, v31  }
0xf1: {  	s25 =	simm.s32 $0x4;
	v23 =	vmin.f32 v28, v35;
	v28 =	vmin.f32 v30, v37;
	v30 =	vadd.s32 s24, v2  }
0xf2: {  	s23 =	simm.s32 $0xC;
	v31 =	vadd.s32 s25, v2;
	v22 =	vmin.f32 v22, v26;
	v26 =	vmin.f32 v29, v36  }
0xf3: {  	v23 =	vmin.f32 v23, v33;
	v28 =	vmin.f32 v28, v40;
	v29 =	vadd.s32 s23, v2  }
0xf4: {  	v48 =	vld.idx.msk [tilespmem:v41+s2+$0x0], $0xffff;
	s24 =	simm.s32 $0x6;
	v30 =	vand.u32 $0x3F, v30;
	v33 =	vand.u32 $0x3F, v51;
	v31 =	vand.u32 $0x3F, v31  }
0xf5: {  	v56 =	vadd.s32 s24, v2;
	v26 =	vmin.f32 v26, v38;
	v23 =	vmin.f32 v23, v27  }
0xf6: {  	v29 =	vand.u32 $0x3F, v29;
	v30 =	vor.u32 v30, v14;
	v33 =	vor.u32 v33, v14  }
0xf7: {  	v31 =	vor.u32 v31, v14;
	v34 =	vand.u32 $0x3F, v56;
	v26 =	vmin.f32 v26, v32  }
0xf8: {  	s28 =	simm.s32 $0x8;
	v29 =	vor.u32 v29, v14;
	v32 =	vand.u32 $0x3F, v50;
	v41 =	vor.u32 v34, v14  }
0xf9: {  	s22 =	simm.s32 $0xF;
	v27 =	vmin.f32 v28, v48;
	v28 =	vadd.s32 s28, v2;
	v32 =	vor.u32 v32, v14  }
0xfa: {  	s23 =	simm.s32 $0x0;
	v25 =	vmin.f32 v27, v25;
	v27 =	vadd.s32 s22, v2;
	v28 =	vand.u32 $0x3F, v28  }
0xfb: {  	v27 =	vand.u32 $0x3F, v27;
	v53 =	vor.u32 v28, v14;
	v28 =	vor.u32 s23, v12;
	v34 =	vld.idx.msk [tilespmem:v33+s2+$0x0], $0xffff  }
0xfc: {  	s29 =	simm.s32 $0x7;
	s30 =	simm.s32 $0xB;
	v27 =	vor.u32 v27, v14;
	v54 =	vbroadcast v28, $0x0;
	v28 =	vand.u32 $0x3F, v52;
	v37 =	vld.idx.msk [tilespmem:v31+s2+$0x0], $0xffff  }
0xfd: {  	s31 =	simm.s32 $0xE;
	v62 =	vadd.s32 s29, v2;
	v63 =	vadd.s32 s30, v2;
	s25 =	simm.s32 $0x1;
	v29 =	vld.idx.msk [tilespmem:v29+s2+$0x0], $0xffff;
	v55 =	vor.u32 v28, v14  }
0xfe: {  	v45 =	vadd.s32 s31, v2;
	v28 =	vld.idx.msk [tilespmem:v30+s2+$0x0], $0xffff;
	v30 =	vadd.s32 s25, v2;
	v46 =	vor.u32 v8, v54  }
0xff: {  	v44 =	vand.u32 $0x3F, v63;
	v39 =	vor.u32 v59, v14;
	s28 =	simm.s32 $0x3;
	v57 =	vand.u32 $0x3F, v30;
	v30 =	vld.idx.msk [tilespmem:v32+s2+$0x0], $0xffff  }
0x100: {  	v23 =	vmin.f32 v23, v24;
	v60 =	vadd.s32 s28, v2;
	v38 =	vor.u32 v57, v14;
	v35 =	vld.idx.msk [tilespmem:v53+s2+$0x0], $0xffff  }
0x101: {  	v24 =	vmin.f32 v26, v49;
	v26 =	vimm.f32 $+Inf;
	v61 =	vand.u32 $0x3F, v60;
	v27 =	vld.idx.msk [tilespmem:v27+s2+$0x0], $0xffff  }
0x102: {  	v40 =	vor.u32 v61, v14;
	v31 =	vand.u32 $0x3F, v62;
	v33 =	vimm.f32 $+Inf;
	v36 =	vld.idx.msk [tilespmem:v55+s2+$0x0], $0xffff  }
0x103: {  	s22 =	simm.s32 $0x0;
	s23 =	simm.s32 $0x1F;
	v43 =	vor.u32 v31, v14;
	v31 =	vimm.f32 $+Inf;
	v32 =	vimm.f32 $+Inf;
	v42 =	vld.idx.msk [tilespmem:v46+s2+$0x0], $0xffff  }
.LBB2_11:
0x104: {  	v46 =	vadd.s32 s23, v2;
	v41 =	vld.idx.msk [tilespmem:v41+s2+$0x0], $0xffff;
	v44 =	vor.u32 v44, v14;
	v45 =	vand.u32 $0x3F, v45  }
0x105: {  	s24 =	sadd.s32 $0xFFFFFFF9, s23;
	s25 =	sadd.s32 $0xFFFFFFFD, s23;
	s26 =	sadd.s32 $0xFFFFFFFE, s23;
	v46 =	vand.u32 $0x3F, v46;
	v38 =	vld.idx.msk [tilespmem:v38+s2+$0x0], $0xffff;
	v45 =	vor.u32 v45, v14  }
0x106: {  	s28 =	sadd.s32 $0xFFFFFFF5, s23;
	s29 =	sadd.s32 $0xFFFFFFFB, s23;
	v47 =	vadd.s32 s24, v2;
	s24 =	sadd.s32 $0xFFFFFFFA, s23;
	v48 =	vadd.s32 s25, v2;
	v49 =	vadd.s32 s26, v2;
	v39 =	vld.idx.msk [tilespmem:v39+s2+$0x0], $0xffff  }
0x107: {  	v50 =	vadd.s32 s28, v2;
	s25 =	sadd.s32 $0xFFFFFFF6, s23;
	v52 =	vadd.s32 s29, v2;
	v51 =	vadd.s32 s24, v2;
	v40 =	vld.idx.msk [tilespmem:v40+s2+$0x0], $0xffff  }
0x108: {  	v53 =	vadd.s32 s25, v2;
	v48 =	vand.u32 $0x3F, v48;
	v46 =	vor.u32 v46, v14;
	v43 =	vld.idx.msk [tilespmem:v43+s2+$0x0], $0xffff  }
0x109: {  	v47 =	vand.u32 $0x3F, v47;
	v49 =	vand.u32 $0x3F, v49;
	v26 =	vmin.f32 v26, v42;
	v42 =	vld.idx.msk [tilespmem:v44+s2+$0x0], $0xffff  }
0x10a: {  	v44 =	vand.u32 $0x3F, v51;
	v51 =	vand.u32 $0x3F, v52;
	v26 =	vmin.f32 v26, v37;
	v37 =	vld.idx.msk [tilespmem:v45+s2+$0x0], $0xffff  }
0x10b: {  	v45 =	vor.u32 v48, v14;
	v48 =	vor.u32 v49, v14;
	v26 =	vmin.f32 v26, v35  }
0x10c: {  	v35 =	vor.u32 v47, v14;
	v44 =	vor.u32 v44, v14;
	v26 =	vmin.f32 v26, v29  }
0x10d: {  	v29 =	vmin.f32 v31, v38;
	v31 =	vmin.f32 v32, v39;
	v32 =	vmin.f32 v33, v40  }
0x10e: {  	v29 =	vmin.f32 v29, v36;
	v31 =	vmin.f32 v31, v41;
	v32 =	vmin.f32 v32, v43  }
0x10f: {  	v29 =	vmin.f32 v29, v30;
	v30 =	vmin.f32 v31, v34;
	v33 =	vmin.f32 v32, v42  }
0x110: {  	s24 =	sadd.s32 $0xFFFFFFF1, s23;
	v31 =	vmin.f32 v29, v28;
	v32 =	vmin.f32 v30, v37;
	v33 =	vmin.f32 v33, v27  }
0x111: {  	v34 =	vor.u32 v51, v14;
	v28 =	vor.u32 s24, v12;
	v29 =	vand.u32 $0x3F, v50;
	v27 =	vld.idx.msk [tilespmem:v46+s2+$0x0], $0xffff  }
0x112: {  	s24 =	sadd.s32 $0xFFFFFFF7, s23;
	v30 =	vbroadcast v28, $0x0;
	v36 =	vor.u32 v29, v14;
	v28 =	vand.u32 $0x3F, v53;
	v29 =	vld.idx.msk [tilespmem:v45+s2+$0x0], $0xffff  }
0x113: {  	s22 =	sadd.s32 $0x4, s22;
	s25 =	sadd.s32 $0xFFFFFFF2, s23;
	v37 =	vadd.s32 s24, v2;
	v42 =	vor.u32 v28, v14;
	v28 =	vld.idx.msk [tilespmem:v48+s2+$0x0], $0xffff  }
0x114: {  	p0 =	slt.u32 s22, $0xC;
	s24 =	sadd.s32 $0xFFFFFFF3, s23;
	v37 =	vand.u32 $0x3F, v37;
	v43 =	vor.u32 v8, v30;
	v30 =	vadd.s32 s25, v2;
	v35 =	vld.idx.msk [tilespmem:v35+s2+$0x0], $0xffff  }
.Ltmp9:
0x115: {  	v39 =	vadd.s32 s24, v2;
	s24 =	sadd.s32 $0xFFFFFFF4, s23;
	v41 =	vor.u32 v37, v14;
	v38 =	vand.u32 $0x3F, v30;
	v30 =	vld.idx.msk [tilespmem:v44+s2+$0x0], $0xffff;
	(pc) =	sbr.rel @p0 .LBB2_11-.Ltmp9, $4  }
0x116: {  	v37 =	vand.u32 $0x3F, v39;
	v40 =	vadd.s32 s24, v2;
	s24 =	sadd.s32 $0xFFFFFFF8, s23;
	v38 =	vor.u32 v38, v14;
	v34 =	vld.idx.msk [tilespmem:v34+s2+$0x0], $0xffff  }
0x117: {  	v39 =	vor.u32 v37, v14;
	v40 =	vand.u32 $0x3F, v40;
	v44 =	vadd.s32 s24, v2;
	s24 =	sadd.s32 $0xFFFFFFFC, s23;
	v37 =	vld.idx.msk [tilespmem:v36+s2+$0x0], $0xffff  }
0x118: {  	v40 =	vor.u32 v40, v14;
	v44 =	vand.u32 $0x3F, v44;
	v45 =	vadd.s32 s24, v2;
	s24 =	sadd.s32 $0xFFFFFFFF, s23;
	v36 =	vld.idx.msk [tilespmem:v42+s2+$0x0], $0xffff  }
0x119: {  	s23 =	sadd.s32 $0x10, s23;
	v42 =	vld.idx.msk [tilespmem:v43+s2+$0x0], $0xffff;
	v43 =	vor.u32 v44, v14;
	v44 =	vand.u32 $0x3F, v45;
	v45 =	vadd.s32 s24, v2  }
0x11a: {  	_ =	sdelay $0x3  }
0x11b: {  	v12 =	vld.idx.msk [tilespmem:v41+s2+$0x0], $0xffff;
	v49 =	vor.u32 v44, v14;
	v50 =	vand.u32 $0x3F, v45  }
0x11c: {  	v38 =	vld.idx.msk [tilespmem:v38+s2+$0x0], $0xffff;
	v14 =	vor.u32 v50, v14  }
0x11d: {  	v39 =	vld.idx.msk [tilespmem:v39+s2+$0x0], $0xffff  }
0x11e: {  	v40 =	vld.idx.msk [tilespmem:v40+s2+$0x0], $0xffff  }
0x11f: {  	v43 =	vld.idx.msk [tilespmem:v43+s2+$0x0], $0xffff;
	v13 =	vmin.f32 v13, v15  }
0x120: {  	v15 =	vmin.f32 v16, v17;
	v56 =	vmin.f32 v20, v21;
	v57 =	vmin.f32 v22, v23;
	v41 =	vld.idx.msk [tilespmem:v49+s2+$0x0], $0xffff  }
0x121: {  	v58 =	vmin.f32 v24, v25;
	v13 =	vmin.f32 v13, v15;
	v26 =	vmin.f32 v26, v42;
	v14 =	vld.idx.msk [tilespmem:v14+s2+$0x0], $0xffff  }
0x122: {  	v26 =	vmin.f32 v26, v37;
	v51 =	vmin.f32 v31, v38;
	v52 =	vmin.f32 v32, v39  }
0x123: {  	v53 =	vmin.f32 v33, v40;
	v26 =	vmin.f32 v26, v35;
	v12 =	vmin.f32 v52, v12  }
0x124: {  	v54 =	vmin.f32 v53, v43;
	v26 =	vmin.f32 v26, v29;
	v29 =	vmin.f32 v51, v36  }
0x125: {  	v12 =	vmin.f32 v12, v34;
	v29 =	vmin.f32 v29, v30;
	v55 =	vmin.f32 v54, v41  }
0x126: {  	v28 =	vmin.f32 v29, v28;
	v12 =	vmin.f32 v12, v14;
	v14 =	vmin.f32 v55, v27  }
0x127: {  	v15 =	vmin.f32 v18, v19;
	v59 =	vmin.f32 v26, v28;
	v12 =	vmin.f32 v12, v14  }
0x128: {  	v14 =	vmin.f32 v15, v56;
	v15 =	vmin.f32 v57, v58;
	v16 =	vmin.f32 v59, v12  }
0x129: {  	v12 =	vmin.f32 v13, v14;
	v17 =	vmin.f32 v15, v16  }
0x12a: {  	v12 =	vmin.f32 v12, v17  }
0x12b: {  	(xrf1) =	vsort.ascd.msk.f32 $0xffff, v12, v2;
	_ =	sdelay $0xd  }
0x12c: {  	v12, _, _ =	vpop (xrf1)  }
0x12d: {  	v12 =	vnsel vm0, $0xFF800000, v12  }
0x12e: {  	(xrf0) =	vmax.scan.msk.f32 $0xffff, v12;
	_ =	sdelay $0x5  }
0x12f: {  	v12, _, _ =	vpop (xrf0)  }
0x130: {  	v12 =	vbroadcast v12, $0xF;
	_ =	sdelay $0x1  }
0x131: {  	vm1 =	vle.f32 v13, v12  }
0x132: {  	v60 =	vmpcnt.ones.xlane vm1;
	vm1 =	vle.f32 v14, v12  }
0x133: {  	v61 =	vmpcnt.ones.xlane vm1;
	vm1 =	vle.f32 v15, v12  }
0x134: {  	(v2sf) =	vpush v60, $0x0;
	v62 =	vmpcnt.ones.xlane vm1  }
0x135: {  	vm1 =	vle.f32 v16, v12;
	(v2sf) =	vpush v61, $0x0  }
0x136: {  	v63 =	vmpcnt.ones.xlane vm1;
	(v2sf) =	vpush v62, $0x0;
	_ =	sdelay $0x1  }
0x137: {  	(v2sf) =	vpush v63, $0x0;
	_ =	sdelay $0xa  }
0x138: {  	s24 =	spop (v2sf)  }
0x139: {  	s23 =	spop (v2sf)  }
0x13a: {  	p0 =	slt.s32 s24, $0x1;
	s25 =	spop (v2sf)  }
0x13b: {  	s22 =	simm.s32 @!p0 $0x12100;
	p1 =	slt.s32 s23, $0x1;
	vm1 =	vle.f32 @!p0 v13, v12;
	v13 =	vlaneseq.u32 @!p0;
	s28 =	sadd.s32 s24, s23  }
0x13c: {  	v17 =	vlaneseq.u32 @!p1;
	s26 =	spop (v2sf);
	[tilespmem:s22+$0x0] =	vst.msk @!p0 vm1, v13;
	s22 =	sadd.s32 s28, s25  }
0x13d: {  	vm1 =	vle.f32 @!p1 v14, v12;
	v13 =	vor.u32 @!p1 $0x10, v17;
	s29 =	sadd.s32 s22, s26  }
0x13e: {  	[tilespmem:s24+$0x12100] =	vst.msk @!p1 vm1, v13;
	p1 =	slt.s32 s29, $0x1  }
.Ltmp10:
0x13f: {  	p2 =	slt.s32 s25, $0x1;
	(pc) =	sbr.rel @p1 .LBB2_13-.Ltmp10, $4  }
0x140: {  	v14 =	vlaneseq.u32 @!p2;
	p0 =	slt.s32 s26, $0x1  }
0x141: {  	vm1 =	vle.f32 @!p2 v15, v12;
	v13 =	vor.u32 @!p2 $0x20, v14;
	v14 =	vlaneseq.u32 @!p0  }
0x142: {  	[tilespmem:s28+$0x12100] =	vst.msk @!p2 vm1, v13;
	vm1 =	vle.f32 @!p0 v16, v12;
	v13 =	vor.u32 @!p0 $0x30, v14  }
0x143: {  	[tilespmem:s22+$0x12100] =	vst.msk @!p0 vm1, v13;
	s22 =	sshll.u32 s21, $0x7  }
0x144: {  	s28 =	simm.s32 $0x0  }
0x145: {  	v13 =	vmov s28;
	_ =	sdelay $0x4  }
0x146: {  	v13 =	vld.idx.msk [tilespmem:v13+s12+$0x0], $0xffff;
	_ =	sdelay $0x4  }
0x147: {  	(v2sf) =	vpush v13, $0x0;
	_ =	sdelay $0xd  }
0x148: {  	v13 =	vmov s22  }
0x149: {  	s29 =	spop (v2sf)  }
0x14a: {  	s30 =	sshll.u32 s29, $0x6;
	s29 =	sshll.u32 s29, $0x9  }
0x14b: {  	s31 =	sand.u32 $0x40, s30;
	s29 =	sand.u32 $0xFFFFFC00, s29  }
0x14c: {  	s29 =	sor.u32 s31, s29  }
0x14d: {  	v16 =	vld.idx.msk [tilespmem:v13+s29+$0x0 ss:$0x1], $0xffff;
	_ =	sdelay $0x4  }
0x14e: {  	vm4 =	vle.f32 v16, v12  }
0x14f: {  	v15 =	vmpcnt.ones.xlane vm4;
	_ =	sdelay $0x1  }
0x150: {  	(v2sf) =	vpush v15, $0x0;
	_ =	sdelay $0x4  }
0x151: {  	v17 =	vld.idx.msk [tilespmem:v13+s29+$0x10 ss:$0x1], $0xffff  }
0x152: {  	v14 =	vld.idx.msk [tilespmem:v13+s29+$0x20 ss:$0x1], $0xffff  }
0x153: {  	v15 =	vld.idx.msk [tilespmem:v13+s29+$0x30 ss:$0x1], $0xffff;
	_ =	sdelay $0x2  }
0x154: {  	vm3 =	vle.f32 v17, v12  }
0x155: {  	vm1 =	vle.f32 v14, v12;
	v18 =	vmpcnt.ones.xlane vm3  }
0x156: {  	v19 =	vmpcnt.ones.xlane vm1;
	vm2 =	vle.f32 v15, v12  }
0x157: {  	[tilespmem:s28+$0x10000] =	vst.msk vm4, v16;
	(v2sf) =	vpush v18, $0x0;
	v16 =	vmpcnt.ones.xlane vm2  }
0x158: {  	(v2sf) =	vpush v19, $0x0  }
0x159: {  	s31 =	spop (v2sf);
	(v2sf) =	vpush v16, $0x0;
	_ =	sdelay $0x5  }
0x15a: {  	s24 =	sadd.s32 s25, s24  }
0x15b: {  	s24 =	sadd.s32 s26, s24  }
0x15c: {  	s23 =	sadd.s32 s23, s24  }
0x15d: {  	p0 =	sne.s32 s23, $0x1  }
.Ltmp11:
0x15e: {  	_ = 	snop;
	(pc) =	sbr.rel @!p0 .LBB2_16-.Ltmp11, $4  }
0x15f: {  	_ = 	snop  }
0x160: {  	s24 =	simm.s32 $0x1;
	s25 =	sor.u32 $0x30, s30;
	v18 =	vor.u32 s30, v2  }
0x161: {  	s29 =	sor.u32 $0x10, s30;
	[tilespmem:s28+$0x11080] =	vst.msk vm4, v18;
	s26 =	sadd.s32 $0x0, s31;
	s31 =	spop (v2sf)  }
0x162: {  	s28 =	sor.u32 $0x20, s30;
	v16 =	vor.u32 s29, v2;
	[tilespmem:s26+$0x10000] =	vst.msk vm3, v17;
	s29 =	sadd.s32 s31, s26;
	s30 =	spop (v2sf)  }
.LBB2_15:
0x163: {  	v17 =	vmov s24;
	s24 =	sadd.s32 $0x1, s24;
	[tilespmem:s26+$0x11080] =	vst.msk vm3, v16;
	s30 =	sadd.s32 s30, s29;
	s26 =	spop (v2sf)  }
0x164: {  	p0 =	sne.s32 s23, s24;
	[tilespmem:s29+$0x10000] =	vst.msk vm1, v14;
	v14 =	vor.u32 s28, v2;
	s26 =	sadd.s32 s26, s30  }
0x165: {  	[tilespmem:s29+$0x11080] =	vst.msk vm1, v14  }
0x166: {  	v14 =	vor.u32 s25, v2;
	[tilespmem:s30+$0x10000] =	vst.msk vm2, v15  }
0x167: {  	[tilespmem:s30+$0x11080] =	vst.msk vm2, v14  }
0x168: {  	v14 =	vld.idx.msk [tilespmem:v17+s12+$0x0], $0xffff;
	_ =	sdelay $0x5  }
0x169: {  	(v2sf) =	vpush v14, $0x0;
	_ =	sdelay $0xe  }
0x16a: {  	s25 =	spop (v2sf)  }
0x16b: {  	s28 =	sshll.u32 s25, $0x6;
	s25 =	sshll.u32 s25, $0x9  }
0x16c: {  	s29 =	sand.u32 $0x40, s28;
	s30 =	sand.u32 $0xFFFFFC00, s25;
	v16 =	vor.u32 s28, v2;
	s25 =	sor.u32 $0x30, s28  }
0x16d: {  	s29 =	sor.u32 s29, s30;
	s30 =	sor.u32 $0x10, s28;
	s28 =	sor.u32 $0x20, s28  }
0x16e: {  	v17 =	vld.idx.msk [tilespmem:v13+s29+$0x0 ss:$0x1], $0xffff  }
0x16f: {  	v18 =	vld.idx.msk [tilespmem:v13+s29+$0x10 ss:$0x1], $0xffff  }
0x170: {  	v14 =	vld.idx.msk [tilespmem:v13+s29+$0x20 ss:$0x1], $0xffff  }
0x171: {  	v15 =	vld.idx.msk [tilespmem:v13+s29+$0x30 ss:$0x1], $0xffff;
	_ =	sdelay $0x2  }
0x172: {  	vm2 =	vle.f32 v17, v12  }
0x173: {  	vm3 =	vle.f32 v18, v12;
	v19 =	vmpcnt.ones.xlane vm2;
	[tilespmem:s26+$0x10000] =	vst.msk vm2, v17  }
0x174: {  	vm1 =	vle.f32 v14, v12;
	v17 =	vmpcnt.ones.xlane vm3;
	[tilespmem:s26+$0x11080] =	vst.msk vm2, v16  }
0x175: {  	vm2 =	vle.f32 v15, v12;
	v16 =	vmpcnt.ones.xlane vm1;
	(v2sf) =	vpush v19, $0x0  }
0x176: {  	v19 =	vmpcnt.ones.xlane vm2;
	(v2sf) =	vpush v17, $0x0  }
0x177: {  	(v2sf) =	vpush v16, $0x0  }
0x178: {  	(v2sf) =	vpush v19, $0x0;
	_ =	sdelay $0x9  }
.Ltmp12:
0x179: {  	(pc) =	sbr.rel @p0 .LBB2_15-.Ltmp12, $4  }
0x17a: {  	_ = 	snop  }
0x17b: {  	s29 =	spop (v2sf)  }
0x17c: {  	s26 =	sadd.s32 s26, s29;
	s29 =	spop (v2sf)  }
0x17d: {  	v16 =	vor.u32 s30, v2;
	[tilespmem:s26+$0x10000] =	vst.msk vm3, v18;
	s29 =	sadd.s32 s29, s26;
	s30 =	spop (v2sf)  }
.LBB2_16:
.Ltmp13:
0x17e: {  	[tilespmem:s26+$0x11080] =	vst.msk vm3, v16;
	(pc) =	sbr.rel .LBB2_17-.Ltmp13, $4  }
0x17f: {  	v12 =	vor.u32 s28, v2;
	[tilespmem:s29+$0x10000] =	vst.msk vm1, v14  }
0x180: {  	s24 =	sadd.s32 s30, s29;
	[tilespmem:s29+$0x11080] =	vst.msk vm1, v12  }
0x181: {  	s23 =	spop (v2sf);
	v63 =	vor.u32 s25, v2;
	[tilespmem:s24+$0x10000] =	vst.msk vm2, v15  }
0x182: {  	s23 =	sadd.s32 s23, s24;
	[tilespmem:s24+$0x11080] =	vst.msk vm2, v63  }
.LBB2_13:
0x183: {  	s23 =	simm.s32 $0x0  }
.LBB2_17:
0x184: {  	[tilespmem:s23+$0x10000] =	vst v9  }
0x185: {  	v12 =	vld [tilespmem:$0x10000]  }
0x186: {  	v13 =	vld [tilespmem:$0x11080];
	_ =	sdelay $0x4  }
0x187: {  	(xrf1) =	vsort.ascd.msk.f32 $0xffff, v12, v13;
	_ =	sdelay $0x1  }
0x188: {  	s30 =	sadd.s32 $0xF, s23  }
0x189: {  	s24 =	sand.u32 $0xF, s30  }
0x18a: {  	s31 =	sshra.s32 s30, $0x1F;
	p1 =	slt.s32 s30, $0x1;
	p0 =	sne.s32 s24, $0x0  }
0x18b: {  	s24 =	sshrl.u32 s31, $0x1C;
	p0 =	por !p1, !p0  }
0x18c: {  	s23 =	sadd.s32 s24, s30;
	s24 =	simm.s32 $0x1;
	p0 =	por !p0, !p0  }
0x18d: {  	s23 =	sshra.s32 s23, $0x4;
	s24 =	simm.s32 @!p0 $0x0  }
0x18e: {  	s24 =	ssub.s32 s23, s24  }
0x18f: {  	p1 =	slt.s32 s24, $0x2  }
.Ltmp14:
0x190: {  	_ = 	snop;
	(pc) =	sbr.rel @p1 .LBB2_23-.Ltmp14, $2  }
0x191: {  	_ =	sdelay $0x2  }
0x192: {  	v13, v12, _ =	vpop (xrf1)  }
0x193: {  	s24 =	simm.s32 $0xFFFFFFFF  }
0x194: {  	s24 =	simm.s32 @!p0 $0x0  }
0x195: {  	s23 =	sadd.s32 s24, s23  }
0x196: {  	s23 =	sadd.s32 $0xFFFFFFFF, s23  }
0x197: {  	p1 =	sne.s32 s23, $0x1  }
.Ltmp15:
0x198: {  	_ = 	snop;
	(pc) =	sbr.rel @!p1 .LBB2_19-.Ltmp15, $4  }
0x199: {  	_ = 	snop  }
0x19a: {  	s31 =	simm.s32 $0x10010  }
0x19b: {  	s25 =	simm.s32 $0x11090;
	v14 =	vld [tilespmem:s31+$0x0]  }
0x19c: {  	v15 =	vld [tilespmem:s25+$0x0];
	p0 =	por $0x0, $0x0;
	s25 =	sadd.s32 $0xFFFFFFFF, s23  }
0x19d: {  	_ =	sdelay $0x3  }
0x19e: {  	(xrf1) =	vsort.ascd.msk.f32 $0xffff, v14, v15;
	_ =	sdelay $0x8  }
0x19f: {  	p1 =	sne.s32 s25, $0x1  }
.Ltmp16:
0x1a0: {  	_ = 	snop;
	(pc) =	sbr.rel @!p1 .LBB2_22-.Ltmp16, $4  }
0x1a1: {  	_ = 	snop  }
0x1a2: {  	s23 =	simm.s32 $0x10020  }
0x1a3: {  	s24 =	simm.s32 $0x110A0;
	v16 =	vperm.xlane v13, v10;
	v14 =	vld [tilespmem:s23+$0x0]  }
0x1a4: {  	s25 =	sadd.s32 $0xFFFFFFFF, s25;
	v17 =	vperm.xlane v12, v10;
	p0 =	por $0x1, $0x1;
	v15 =	vld [tilespmem:s24+$0x0];
	v18, v19, _ =	vpop (xrf1)  }
.LBB2_21:
0x1a5: {  	p1 =	sne.s32 s25, $0x1;
	vm1 =	vlt.f32 v18, v16  }
0x1a6: {  	v16 =	vsel vm1, v18, v16;
	v17 =	vsel vm1, v19, v17  }
0x1a7: {  	(xrf1) =	vsort.ascd.msk.f32 $0xffff, v16, v17;
	_ =	sdelay $0x1  }
0x1a8: {  	(xrf1) =	vsort.ascd.msk.f32 $0xffff, v14, v15;
	_ =	sdelay $0x9  }
.Ltmp17:
0x1a9: {  	(pc) =	sbr.rel @p1 .LBB2_21-.Ltmp17, $4  }
0x1aa: {  	_ = 	snop  }
0x1ab: {  	s23 =	sadd.s32 $0x10, s23;
	v15, v17, _ =	vpop (xrf1)  }
0x1ac: {  	s24 =	sadd.s32 $0x10, s24;
	v14 =	vld [tilespmem:s23+$0x0];
	v16 =	vperm.xlane v15, v10  }
0x1ad: {  	s25 =	sadd.s32 $0xFFFFFFFF, s25;
	v17 =	vperm.xlane v17, v10;
	v15 =	vld [tilespmem:s24+$0x0];
	v18, v19, _ =	vpop (xrf1)  }
.Ltmp18:
0x1ae: {  	_ = 	snop;
	(pc) =	sbr.rel .LBB2_22-.Ltmp18, $1  }
0x1af: {  	_ =	sdelay $0x3  }
.LBB2_24:
0x1b0: {  	p0 =	seq.s32 s19, $0x7  }
.Ltmp19:
0x1b1: {  	_ =	swait.ge [sflag:s13], $0x8000;
	s20 =	sadd.s32 @!p0 s20, s7;
	(pc) =	sbr.rel .LBB2_25-.Ltmp19, $4  }
0x1b2: {  	[sflag:s13] =	ssyncset.done $0x0;
	s20 =	sshll.u32 @!p0 s20, $0x9  }
0x1b3: {  	s21 =	simm.s32 @!p0 $0x0;
	[sflag:s13] =	ssyncadd.s32 $0xFFFF8000;
	s20 =	sadd.s32 @!p0 s4, s20  }
0x1b4: {  	[tilespmem:s21], [sflag:$0x1] =	stream.linear.gather @!p0 [hbm4b:s20+s21], $0x8000, $0x38;
	[tilespmem:$0x1A180] =	vst v63  }
0x1b5: {  	s19 =	sadd.s32 $0x1, s19;
	s20 =	simm.s32 $0x0  }
.LBB2_40:
0x1b6: {  	_ = 	snop  }
.LBB2_43:
0x1b7: {  	vm1 =	vlt.f32 @p0 v17, v15  }
0x1b8: {  	v15 =	vsel @p0 vm1, v17, v15;
	v16 =	vsel @p0 vm1, v18, v16  }
0x1b9: {  	(xrf1) =	vsort.ascd.msk.f32 @p0 $0xffff, v15, v16;
	_ =	sdelay $0x2  }
0x1ba: {  	(xrf1) =	vsort.ascd.msk.f32 $0xffff, v13, v14;
	_ =	sdelay $0xa  }
0x1bb: {  	v13, v14, _ =	vpop @p0 (xrf1)  }
0x1bc: {  	v12 =	vpsel p0, v13, v12  }
0x1bd: {  	v11 =	vpsel p0, v14, v11;
	v12 =	vperm.xlane v12, v10  }
0x1be: {  	v13, v14, _ =	vpop (xrf1);
	v11 =	vperm.xlane v11, v10  }
0x1bf: {  	vm1 =	vlt.f32 v13, v12  }
0x1c0: {  	v12 =	vsel vm1, v13, v12;
	v11 =	vsel vm1, v14, v11  }
0x1c1: {  	(xrf1) =	vsort.ascd.msk.f32 $0xffff, v12, v11;
	_ =	sdelay $0xd  }
0x1c2: {  	v12, v11, _ =	vpop (xrf1)  }
.LBB2_44:
0x1c3: {  	s21 =	sor.u32 s18, s20;
	s20 =	sadd.s32 $0x1, s20  }
0x1c4: {  	p0 =	seq.s32 s20, $0x8  }
.Ltmp20:
0x1c5: {  	_ = 	snop;
	(pc) =	sbr.rel @p0 .LBB2_2-.Ltmp20, $4  }
0x1c6: {  	_ = 	snop  }
0x1c7: {  	s21 =	sshll.u32 s21, $0x7  }
0x1c8: {  	[tilespmem:s21+$0x12180] =	vst v12  }
0x1c9: {  	[tilespmem:s21+$0x16180] =	vst v11  }
.LBB2_25:
0x1ca: {  	v11 =	vmov s20  }
0x1cb: {  	s21 =	simm.s32 $0xF;
	v11 =	vshll.u32 v11, $0x7  }
0x1cc: {  	s28 =	simm.s32 $0x8;
	v14 =	vimm.f32 $+Inf;
	s22 =	simm.s32 $0xC;
	s23 =	simm.s32 $0xD;
	v15 =	vadd.s32 s21, v2;
	v13 =	vbroadcast v11, $0x0  }
0x1cd: {  	s24 =	simm.s32 $0x4;
	v16 =	vadd.s32 s28, v2;
	v17 =	vadd.s32 s22, v2;
	v18 =	vadd.s32 s23, v2  }
0x1ce: {  	s29 =	simm.s32 $0x9;
	v19 =	vadd.s32 s24, v2;
	v15 =	vand.u32 $0x3F, v15;
	v12 =	vor.u32 v0, v13  }
0x1cf: {  	s30 =	simm.s32 $0xA;
	v20 =	vadd.s32 s29, v2;
	v17 =	vand.u32 $0x3F, v17;
	v15 =	vor.u32 v15, v12  }
0x1d0: {  	v21 =	vadd.s32 s30, v2;
	v18 =	vand.u32 $0x3F, v18;
	v17 =	vor.u32 v17, v12  }
0x1d1: {  	s23 =	simm.s32 $0x0;
	v16 =	vand.u32 $0x3F, v16;
	v20 =	vand.u32 $0x3F, v20;
	v18 =	vor.u32 v18, v12  }
0x1d2: {  	v21 =	vand.u32 $0x3F, v21;
	v24 =	vor.u32 s23, v11;
	v23 =	vor.u32 v16, v12  }
0x1d3: {  	s31 =	simm.s32 $0x5;
	v19 =	vand.u32 $0x3F, v19;
	v24 =	vbroadcast v24, $0x0;
	v20 =	vor.u32 v20, v12  }
0x1d4: {  	v22 =	vadd.s32 s31, v2;
	s24 =	simm.s32 $0x6;
	v21 =	vor.u32 v21, v12;
	v19 =	vor.u32 v19, v12;
	v16 =	vld.idx.msk [tilespmem:v15+s11+$0x0], $0xffff  }
0x1d5: {  	s25 =	simm.s32 $0x1;
	v34 =	vor.u32 v1, v24;
	v15 =	vand.u32 $0x3F, v22;
	v17 =	vld.idx.msk [tilespmem:v17+s11+$0x0], $0xffff;
	v22 =	vadd.s32 s24, v2  }
0x1d6: {  	s26 =	simm.s32 $0x2;
	v30 =	vor.u32 v15, v12;
	v15 =	vld.idx.msk [tilespmem:v18+s11+$0x0], $0xffff;
	v18 =	vadd.s32 s25, v2;
	v24 =	vand.u32 $0x3F, v22  }
0x1d7: {  	v25 =	vadd.s32 s26, v2;
	s28 =	simm.s32 $0x3;
	v22 =	vld.idx.msk [tilespmem:v23+s11+$0x0], $0xffff;
	v23 =	vand.u32 $0x3F, v18;
	v29 =	vor.u32 v24, v12  }
0x1d8: {  	s29 =	simm.s32 $0x7;
	v18 =	vld.idx.msk [tilespmem:v20+s11+$0x0], $0xffff;
	v20 =	vand.u32 $0x3F, v25;
	v24 =	vadd.s32 s28, v2;
	v26 =	vor.u32 v23, v12  }
0x1d9: {  	s31 =	simm.s32 $0xE;
	v23 =	vld.idx.msk [tilespmem:v21+s11+$0x0], $0xffff;
	v27 =	vor.u32 v20, v12;
	v20 =	vand.u32 $0x3F, v24;
	v21 =	vadd.s32 s29, v2  }
0x1da: {  	s30 =	simm.s32 $0xB;
	v33 =	vadd.s32 s31, v2;
	v25 =	vld.idx.msk [tilespmem:v19+s11+$0x0], $0xffff;
	v28 =	vor.u32 v20, v12;
	v19 =	vand.u32 $0x3F, v21  }
0x1db: {  	v20 =	vadd.s32 s30, v2;
	v21 =	vimm.f32 $+Inf;
	v31 =	vor.u32 v19, v12;
	v24 =	vld.idx.msk [tilespmem:v30+s11+$0x0], $0xffff  }
0x1dc: {  	s21 =	simm.s32 $0x0;
	s22 =	simm.s32 $0x1F;
	v32 =	vand.u32 $0x3F, v20;
	v19 =	vimm.f32 $+Inf;
	v20 =	vimm.f32 $+Inf;
	v30 =	vld.idx.msk [tilespmem:v34+s11+$0x0], $0xffff  }
.LBB2_26:
0x1dd: {  	v34 =	vadd.s32 s22, v2;
	v29 =	vld.idx.msk [tilespmem:v29+s11+$0x0], $0xffff;
	v32 =	vor.u32 v32, v12;
	v33 =	vand.u32 $0x3F, v33  }
0x1de: {  	s23 =	sadd.s32 $0xFFFFFFF9, s22;
	s24 =	sadd.s32 $0xFFFFFFFD, s22;
	s25 =	sadd.s32 $0xFFFFFFFE, s22;
	v34 =	vand.u32 $0x3F, v34;
	v26 =	vld.idx.msk [tilespmem:v26+s11+$0x0], $0xffff;
	v33 =	vor.u32 v33, v12  }
0x1df: {  	s26 =	sadd.s32 $0xFFFFFFF5, s22;
	s28 =	sadd.s32 $0xFFFFFFFB, s22;
	v35 =	vadd.s32 s23, v2;
	s23 =	sadd.s32 $0xFFFFFFFA, s22;
	v36 =	vadd.s32 s24, v2;
	v37 =	vadd.s32 s25, v2;
	v27 =	vld.idx.msk [tilespmem:v27+s11+$0x0], $0xffff  }
0x1e0: {  	v38 =	vadd.s32 s26, v2;
	s24 =	sadd.s32 $0xFFFFFFF6, s22;
	v40 =	vadd.s32 s28, v2;
	v39 =	vadd.s32 s23, v2;
	v28 =	vld.idx.msk [tilespmem:v28+s11+$0x0], $0xffff  }
0x1e1: {  	v41 =	vadd.s32 s24, v2;
	v36 =	vand.u32 $0x3F, v36;
	v34 =	vor.u32 v34, v12;
	v31 =	vld.idx.msk [tilespmem:v31+s11+$0x0], $0xffff  }
0x1e2: {  	v35 =	vand.u32 $0x3F, v35;
	v37 =	vand.u32 $0x3F, v37;
	v14 =	vmin.f32 v14, v30;
	v30 =	vld.idx.msk [tilespmem:v32+s11+$0x0], $0xffff  }
0x1e3: {  	v32 =	vand.u32 $0x3F, v39;
	v39 =	vand.u32 $0x3F, v40;
	v14 =	vmin.f32 v14, v25;
	v25 =	vld.idx.msk [tilespmem:v33+s11+$0x0], $0xffff  }
0x1e4: {  	v33 =	vor.u32 v36, v12;
	v36 =	vor.u32 v37, v12;
	v14 =	vmin.f32 v14, v22  }
0x1e5: {  	v22 =	vor.u32 v35, v12;
	v32 =	vor.u32 v32, v12;
	v14 =	vmin.f32 v14, v17  }
0x1e6: {  	v17 =	vmin.f32 v19, v26;
	v19 =	vmin.f32 v20, v27;
	v20 =	vmin.f32 v21, v28  }
0x1e7: {  	v17 =	vmin.f32 v17, v24;
	v19 =	vmin.f32 v19, v29;
	v20 =	vmin.f32 v20, v31  }
0x1e8: {  	v17 =	vmin.f32 v17, v18;
	v18 =	vmin.f32 v19, v23;
	v21 =	vmin.f32 v20, v30  }
0x1e9: {  	s23 =	sadd.s32 $0xFFFFFFF1, s22;
	v19 =	vmin.f32 v17, v15;
	v20 =	vmin.f32 v18, v25;
	v21 =	vmin.f32 v21, v16  }
0x1ea: {  	v23 =	vor.u32 v39, v12;
	v15 =	vor.u32 s23, v11;
	v17 =	vand.u32 $0x3F, v38;
	v16 =	vld.idx.msk [tilespmem:v34+s11+$0x0], $0xffff  }
0x1eb: {  	s23 =	sadd.s32 $0xFFFFFFF7, s22;
	v18 =	vbroadcast v15, $0x0;
	v24 =	vor.u32 v17, v12;
	v15 =	vand.u32 $0x3F, v41;
	v17 =	vld.idx.msk [tilespmem:v33+s11+$0x0], $0xffff  }
0x1ec: {  	s21 =	sadd.s32 $0x4, s21;
	s24 =	sadd.s32 $0xFFFFFFF2, s22;
	v25 =	vadd.s32 s23, v2;
	v30 =	vor.u32 v15, v12;
	v15 =	vld.idx.msk [tilespmem:v36+s11+$0x0], $0xffff  }
0x1ed: {  	p0 =	slt.u32 s21, $0xC;
	s23 =	sadd.s32 $0xFFFFFFF3, s22;
	v25 =	vand.u32 $0x3F, v25;
	v31 =	vor.u32 v1, v18;
	v18 =	vadd.s32 s24, v2;
	v22 =	vld.idx.msk [tilespmem:v22+s11+$0x0], $0xffff  }
.Ltmp21:
0x1ee: {  	v27 =	vadd.s32 s23, v2;
	s23 =	sadd.s32 $0xFFFFFFF4, s22;
	v29 =	vor.u32 v25, v12;
	v26 =	vand.u32 $0x3F, v18;
	v18 =	vld.idx.msk [tilespmem:v32+s11+$0x0], $0xffff;
	(pc) =	sbr.rel @p0 .LBB2_26-.Ltmp21, $4  }
0x1ef: {  	v25 =	vand.u32 $0x3F, v27;
	v28 =	vadd.s32 s23, v2;
	s23 =	sadd.s32 $0xFFFFFFF8, s22;
	v26 =	vor.u32 v26, v12;
	v23 =	vld.idx.msk [tilespmem:v23+s11+$0x0], $0xffff  }
0x1f0: {  	v27 =	vor.u32 v25, v12;
	v28 =	vand.u32 $0x3F, v28;
	v32 =	vadd.s32 s23, v2;
	s23 =	sadd.s32 $0xFFFFFFFC, s22;
	v25 =	vld.idx.msk [tilespmem:v24+s11+$0x0], $0xffff  }
0x1f1: {  	v28 =	vor.u32 v28, v12;
	v32 =	vand.u32 $0x3F, v32;
	v33 =	vadd.s32 s23, v2;
	s23 =	sadd.s32 $0xFFFFFFFF, s22;
	v24 =	vld.idx.msk [tilespmem:v30+s11+$0x0], $0xffff  }
0x1f2: {  	s22 =	sadd.s32 $0x10, s22;
	v30 =	vld.idx.msk [tilespmem:v31+s11+$0x0], $0xffff;
	v31 =	vor.u32 v32, v12;
	v32 =	vand.u32 $0x3F, v33;
	v33 =	vadd.s32 s23, v2  }
0x1f3: {  	_ =	sdelay $0x2  }
0x1f4: {  	v33 =	vand.u32 $0x3F, v33  }
0x1f5: {  	v32 =	vor.u32 v32, v12;
	v26 =	vld.idx.msk [tilespmem:v26+s11+$0x0], $0xffff;
	v12 =	vor.u32 v33, v12  }
0x1f6: {  	v28 =	vld.idx.msk [tilespmem:v28+s11+$0x0], $0xffff  }
0x1f7: {  	v27 =	vld.idx.msk [tilespmem:v27+s11+$0x0], $0xffff  }
0x1f8: {  	v31 =	vld.idx.msk [tilespmem:v31+s11+$0x0], $0xffff;
	v14 =	vmin.f32 v14, v30  }
0x1f9: {  	v29 =	vld.idx.msk [tilespmem:v29+s11+$0x0], $0xffff;
	v14 =	vmin.f32 v14, v25  }
0x1fa: {  	s22 =	simm.s32 $0xC;
	v25 =	vld.idx.msk [tilespmem:v12+s11+$0x0], $0xffff;
	v12 =	vmin.f32 v14, v22  }
0x1fb: {  	s23 =	simm.s32 $0xD;
	s31 =	simm.s32 $0x5;
	v30 =	vld.idx.msk [tilespmem:v32+s11+$0x0], $0xffff;
	v14 =	vmin.f32 v19, v26;
	v19 =	vmin.f32 v21, v28;
	v21 =	vadd.s32 s22, v2  }
0x1fc: {  	v22 =	vadd.s32 s23, v2;
	v26 =	vadd.s32 s31, v2;
	v12 =	vmin.f32 v12, v17  }
0x1fd: {  	s28 =	simm.s32 $0x8;
	s29 =	simm.s32 $0x9;
	v17 =	vmin.f32 v20, v27;
	v14 =	vmin.f32 v14, v24;
	v19 =	vmin.f32 v19, v31  }
0x1fe: {  	v20 =	vadd.s32 s28, v2;
	v24 =	vadd.s32 s29, v2;
	v17 =	vmin.f32 v17, v29  }
0x1ff: {  	s21 =	simm.s32 $0xF;
	v21 =	vand.u32 $0x3F, v21;
	v14 =	vmin.f32 v14, v18;
	v17 =	vmin.f32 v17, v23  }
0x200: {  	v14 =	vmin.f32 v14, v15;
	v18 =	vmin.f32 v19, v30;
	v19 =	vadd.s32 s21, v2  }
0x201: {  	s23 =	simm.s32 $0x0;
	v15 =	vmin.f32 v17, v25;
	v17 =	vor.u32 v3, v13;
	v19 =	vand.u32 $0x3F, v19  }
0x202: {  	s31 =	simm.s32 $0xE;
	v22 =	vand.u32 $0x3F, v22;
	v28 =	vor.u32 s23, v11;
	v19 =	vor.u32 v19, v17  }
0x203: {  	v37 =	vadd.s32 s31, v2;
	v20 =	vand.u32 $0x3F, v20;
	v21 =	vor.u32 v21, v17  }
0x204: {  	s30 =	simm.s32 $0xA;
	s26 =	simm.s32 $0x2;
	v24 =	vand.u32 $0x3F, v24;
	v28 =	vbroadcast v28, $0x0;
	v22 =	vor.u32 v22, v17  }
0x205: {  	s24 =	simm.s32 $0x4;
	v29 =	vadd.s32 s26, v2;
	v25 =	vadd.s32 s30, v2;
	v27 =	vor.u32 v20, v17  }
0x206: {  	v23 =	vadd.s32 s24, v2;
	v25 =	vand.u32 $0x3F, v25;
	v24 =	vor.u32 v24, v17  }
0x207: {  	s24 =	simm.s32 $0x6;
	v23 =	vand.u32 $0x3F, v23;
	v38 =	vor.u32 v4, v28;
	v25 =	vor.u32 v25, v17;
	v20 =	vld.idx.msk [tilespmem:v19+s11+$0x0], $0xffff  }
0x208: {  	s25 =	simm.s32 $0x1;
	v23 =	vor.u32 v23, v17;
	v19 =	vand.u32 $0x3F, v26;
	v21 =	vld.idx.msk [tilespmem:v21+s11+$0x0], $0xffff;
	v26 =	vadd.s32 s24, v2  }
0x209: {  	v34 =	vor.u32 v19, v17;
	v19 =	vld.idx.msk [tilespmem:v22+s11+$0x0], $0xffff;
	v22 =	vadd.s32 s25, v2;
	v28 =	vand.u32 $0x3F, v26  }
0x20a: {  	s28 =	simm.s32 $0x3;
	v16 =	vmin.f32 v18, v16;
	v26 =	vld.idx.msk [tilespmem:v27+s11+$0x0], $0xffff;
	v27 =	vand.u32 $0x3F, v22;
	v33 =	vor.u32 v28, v17  }
0x20b: {  	s29 =	simm.s32 $0x7;
	v22 =	vld.idx.msk [tilespmem:v24+s11+$0x0], $0xffff;
	v24 =	vand.u32 $0x3F, v29;
	v28 =	vadd.s32 s28, v2;
	v30 =	vor.u32 v27, v17  }
0x20c: {  	v27 =	vld.idx.msk [tilespmem:v25+s11+$0x0], $0xffff;
	v31 =	vor.u32 v24, v17;
	v24 =	vand.u32 $0x3F, v28;
	v25 =	vadd.s32 s29, v2  }
0x20d: {  	v18 =	vimm.f32 $+Inf;
	s30 =	simm.s32 $0xB;
	v29 =	vld.idx.msk [tilespmem:v23+s11+$0x0], $0xffff;
	v32 =	vor.u32 v24, v17;
	v23 =	vand.u32 $0x3F, v25  }
0x20e: {  	v24 =	vadd.s32 s30, v2;
	v25 =	vimm.f32 $+Inf;
	v35 =	vor.u32 v23, v17;
	v28 =	vld.idx.msk [tilespmem:v34+s11+$0x0], $0xffff  }
0x20f: {  	s22 =	simm.s32 $0x1F;
	s21 =	simm.s32 $0x0;
	v36 =	vand.u32 $0x3F, v24;
	v23 =	vimm.f32 $+Inf;
	v24 =	vimm.f32 $+Inf;
	v34 =	vld.idx.msk [tilespmem:v38+s11+$0x0], $0xffff  }
.LBB2_28:
0x210: {  	v38 =	vadd.s32 s22, v2;
	v33 =	vld.idx.msk [tilespmem:v33+s11+$0x0], $0xffff;
	v36 =	vor.u32 v36, v17;
	v37 =	vand.u32 $0x3F, v37  }
0x211: {  	s23 =	sadd.s32 $0xFFFFFFF9, s22;
	s24 =	sadd.s32 $0xFFFFFFFD, s22;
	s25 =	sadd.s32 $0xFFFFFFFE, s22;
	v38 =	vand.u32 $0x3F, v38;
	v30 =	vld.idx.msk [tilespmem:v30+s11+$0x0], $0xffff;
	v37 =	vor.u32 v37, v17  }
0x212: {  	s26 =	sadd.s32 $0xFFFFFFF5, s22;
	s28 =	sadd.s32 $0xFFFFFFFB, s22;
	v39 =	vadd.s32 s23, v2;
	s23 =	sadd.s32 $0xFFFFFFFA, s22;
	v40 =	vadd.s32 s24, v2;
	v41 =	vadd.s32 s25, v2;
	v31 =	vld.idx.msk [tilespmem:v31+s11+$0x0], $0xffff  }
0x213: {  	v42 =	vadd.s32 s26, v2;
	s24 =	sadd.s32 $0xFFFFFFF6, s22;
	v44 =	vadd.s32 s28, v2;
	v43 =	vadd.s32 s23, v2;
	v32 =	vld.idx.msk [tilespmem:v32+s11+$0x0], $0xffff  }
0x214: {  	v45 =	vadd.s32 s24, v2;
	v40 =	vand.u32 $0x3F, v40;
	v38 =	vor.u32 v38, v17;
	v35 =	vld.idx.msk [tilespmem:v35+s11+$0x0], $0xffff  }
0x215: {  	v39 =	vand.u32 $0x3F, v39;
	v41 =	vand.u32 $0x3F, v41;
	v18 =	vmin.f32 v18, v34;
	v34 =	vld.idx.msk [tilespmem:v36+s11+$0x0], $0xffff  }
0x216: {  	v36 =	vand.u32 $0x3F, v43;
	v43 =	vand.u32 $0x3F, v44;
	v18 =	vmin.f32 v18, v29;
	v29 =	vld.idx.msk [tilespmem:v37+s11+$0x0], $0xffff  }
0x217: {  	v37 =	vor.u32 v40, v17;
	v40 =	vor.u32 v41, v17;
	v18 =	vmin.f32 v18, v26  }
0x218: {  	v26 =	vor.u32 v39, v17;
	v36 =	vor.u32 v36, v17;
	v18 =	vmin.f32 v18, v21  }
0x219: {  	v21 =	vmin.f32 v23, v30;
	v23 =	vmin.f32 v24, v31;
	v24 =	vmin.f32 v25, v32  }
0x21a: {  	v21 =	vmin.f32 v21, v28;
	v23 =	vmin.f32 v23, v33;
	v24 =	vmin.f32 v24, v35  }
0x21b: {  	v21 =	vmin.f32 v21, v22;
	v22 =	vmin.f32 v23, v27;
	v25 =	vmin.f32 v24, v34  }
0x21c: {  	s23 =	sadd.s32 $0xFFFFFFF1, s22;
	v23 =	vmin.f32 v21, v19;
	v24 =	vmin.f32 v22, v29;
	v25 =	vmin.f32 v25, v20  }
0x21d: {  	v27 =	vor.u32 v43, v17;
	v19 =	vor.u32 s23, v11;
	v21 =	vand.u32 $0x3F, v42;
	v20 =	vld.idx.msk [tilespmem:v38+s11+$0x0], $0xffff  }
0x21e: {  	s23 =	sadd.s32 $0xFFFFFFF7, s22;
	v22 =	vbroadcast v19, $0x0;
	v28 =	vor.u32 v21, v17;
	v19 =	vand.u32 $0x3F, v45;
	v21 =	vld.idx.msk [tilespmem:v37+s11+$0x0], $0xffff  }
0x21f: {  	s21 =	sadd.s32 $0x4, s21;
	s24 =	sadd.s32 $0xFFFFFFF2, s22;
	v29 =	vadd.s32 s23, v2;
	v34 =	vor.u32 v19, v17;
	v19 =	vld.idx.msk [tilespmem:v40+s11+$0x0], $0xffff  }
0x220: {  	p0 =	slt.u32 s21, $0xC;
	s23 =	sadd.s32 $0xFFFFFFF3, s22;
	v29 =	vand.u32 $0x3F, v29;
	v35 =	vor.u32 v4, v22;
	v22 =	vadd.s32 s24, v2;
	v26 =	vld.idx.msk [tilespmem:v26+s11+$0x0], $0xffff  }
.Ltmp22:
0x221: {  	v31 =	vadd.s32 s23, v2;
	s23 =	sadd.s32 $0xFFFFFFF4, s22;
	v33 =	vor.u32 v29, v17;
	v30 =	vand.u32 $0x3F, v22;
	v22 =	vld.idx.msk [tilespmem:v36+s11+$0x0], $0xffff;
	(pc) =	sbr.rel @p0 .LBB2_28-.Ltmp22, $4  }
0x222: {  	v29 =	vand.u32 $0x3F, v31;
	v32 =	vadd.s32 s23, v2;
	s23 =	sadd.s32 $0xFFFFFFF8, s22;
	v30 =	vor.u32 v30, v17;
	v27 =	vld.idx.msk [tilespmem:v27+s11+$0x0], $0xffff  }
0x223: {  	v31 =	vor.u32 v29, v17;
	v32 =	vand.u32 $0x3F, v32;
	v36 =	vadd.s32 s23, v2;
	s23 =	sadd.s32 $0xFFFFFFFC, s22;
	v29 =	vld.idx.msk [tilespmem:v28+s11+$0x0], $0xffff  }
0x224: {  	v32 =	vor.u32 v32, v17;
	v36 =	vand.u32 $0x3F, v36;
	v37 =	vadd.s32 s23, v2;
	s23 =	sadd.s32 $0xFFFFFFFF, s22;
	v28 =	vld.idx.msk [tilespmem:v34+s11+$0x0], $0xffff  }
0x225: {  	s22 =	sadd.s32 $0x10, s22;
	v34 =	vld.idx.msk [tilespmem:v35+s11+$0x0], $0xffff;
	v35 =	vor.u32 v36, v17;
	v36 =	vand.u32 $0x3F, v37;
	v37 =	vadd.s32 s23, v2  }
0x226: {  	_ =	sdelay $0x3  }
0x227: {  	v36 =	vor.u32 v36, v17;
	v37 =	vand.u32 $0x3F, v37;
	v30 =	vld.idx.msk [tilespmem:v30+s11+$0x0], $0xffff  }
0x228: {  	v32 =	vld.idx.msk [tilespmem:v32+s11+$0x0], $0xffff;
	v17 =	vor.u32 v37, v17  }
0x229: {  	v33 =	vld.idx.msk [tilespmem:v33+s11+$0x0], $0xffff  }
0x22a: {  	v31 =	vld.idx.msk [tilespmem:v31+s11+$0x0], $0xffff  }
0x22b: {  	v35 =	vld.idx.msk [tilespmem:v35+s11+$0x0], $0xffff;
	s26 =	simm.s32 $0x2;
	v18 =	vmin.f32 v18, v34  }
0x22c: {  	v62 =	vadd.s32 s26, v2;
	v59 =	vld.idx.msk [tilespmem:v36+s11+$0x0], $0xffff;
	v18 =	vmin.f32 v18, v29  }
0x22d: {  	s22 =	simm.s32 $0xC;
	s23 =	simm.s32 $0xD;
	s31 =	simm.s32 $0x5;
	v29 =	vld.idx.msk [tilespmem:v17+s11+$0x0], $0xffff;
	v17 =	vmin.f32 v18, v26;
	v18 =	vmin.f32 v23, v30;
	v23 =	vmin.f32 v25, v32  }
0x22e: {  	v25 =	vadd.s32 s22, v2;
	v26 =	vadd.s32 s23, v2;
	v30 =	vadd.s32 s31, v2  }
0x22f: {  	s28 =	simm.s32 $0x8;
	v17 =	vmin.f32 v17, v21;
	v21 =	vmin.f32 v24, v31;
	v18 =	vmin.f32 v18, v28  }
0x230: {  	s29 =	simm.s32 $0x9;
	v23 =	vmin.f32 v23, v35;
	v24 =	vadd.s32 s28, v2;
	v21 =	vmin.f32 v21, v33  }
0x231: {  	s21 =	simm.s32 $0xF;
	v28 =	vadd.s32 s29, v2;
	v18 =	vmin.f32 v18, v22;
	v21 =	vmin.f32 v21, v27  }
0x232: {  	v18 =	vmin.f32 v18, v19;
	v22 =	vmin.f32 v23, v59;
	v23 =	vadd.s32 s21, v2  }
0x233: {  	v19 =	vmin.f32 v21, v29;
	v21 =	vor.u32 v5, v13;
	v23 =	vand.u32 $0x3F, v23  }
0x234: {  	s23 =	simm.s32 $0x0;
	s31 =	simm.s32 $0xE;
	v25 =	vand.u32 $0x3F, v25;
	v26 =	vand.u32 $0x3F, v26;
	v23 =	vor.u32 v23, v21  }
0x235: {  	v60 =	vor.u32 s23, v11;
	v41 =	vadd.s32 s31, v2;
	v25 =	vor.u32 v25, v21  }
0x236: {  	s30 =	simm.s32 $0xA;
	v24 =	vand.u32 $0x3F, v24;
	v28 =	vand.u32 $0x3F, v28;
	v26 =	vor.u32 v26, v21  }
0x237: {  	s24 =	simm.s32 $0x4;
	v32 =	vbroadcast v60, $0x0;
	v29 =	vadd.s32 s30, v2;
	v31 =	vor.u32 v24, v21  }
0x238: {  	s28 =	simm.s32 $0x3;
	v27 =	vadd.s32 s24, v2;
	v29 =	vand.u32 $0x3F, v29;
	v28 =	vor.u32 v28, v21  }
0x239: {  	v63 =	vadd.s32 s28, v2;
	v27 =	vand.u32 $0x3F, v27;
	v29 =	vor.u32 v29, v21;
	v24 =	vld.idx.msk [tilespmem:v23+s11+$0x0], $0xffff  }
0x23a: {  	s25 =	simm.s32 $0x1;
	s24 =	simm.s32 $0x6;
	v42 =	vor.u32 v6, v32;
	v27 =	vor.u32 v27, v21;
	v23 =	vand.u32 $0x3F, v30;
	v25 =	vld.idx.msk [tilespmem:v25+s11+$0x0], $0xffff  }
0x23b: {  	v30 =	vadd.s32 s24, v2;
	v38 =	vor.u32 v23, v21;
	v23 =	vld.idx.msk [tilespmem:v26+s11+$0x0], $0xffff;
	v26 =	vadd.s32 s25, v2  }
0x23c: {  	v20 =	vmin.f32 v22, v20;
	v61 =	vand.u32 $0x3F, v30;
	v30 =	vld.idx.msk [tilespmem:v31+s11+$0x0], $0xffff;
	v31 =	vand.u32 $0x3F, v26  }
0x23d: {  	s29 =	simm.s32 $0x7;
	v37 =	vor.u32 v61, v21;
	v26 =	vld.idx.msk [tilespmem:v28+s11+$0x0], $0xffff;
	v28 =	vand.u32 $0x3F, v62;
	v34 =	vor.u32 v31, v21  }
0x23e: {  	v31 =	vld.idx.msk [tilespmem:v29+s11+$0x0], $0xffff;
	v35 =	vor.u32 v28, v21;
	v28 =	vand.u32 $0x3F, v63;
	v29 =	vadd.s32 s29, v2  }
0x23f: {  	v22 =	vimm.f32 $+Inf;
	s30 =	simm.s32 $0xB;
	v33 =	vld.idx.msk [tilespmem:v27+s11+$0x0], $0xffff;
	v36 =	vor.u32 v28, v21;
	v27 =	vand.u32 $0x3F, v29  }
0x240: {  	v28 =	vadd.s32 s30, v2;
	v29 =	vimm.f32 $+Inf;
	v39 =	vor.u32 v27, v21;
	v32 =	vld.idx.msk [tilespmem:v38+s11+$0x0], $0xffff  }
0x241: {  	s22 =	simm.s32 $0x1F;
	s21 =	simm.s32 $0x0;
	v40 =	vand.u32 $0x3F, v28;
	v27 =	vimm.f32 $+Inf;
	v28 =	vimm.f32 $+Inf;
	v38 =	vld.idx.msk [tilespmem:v42+s11+$0x0], $0xffff  }
.LBB2_30:
0x242: {  	v42 =	vadd.s32 s22, v2;
	v37 =	vld.idx.msk [tilespmem:v37+s11+$0x0], $0xffff;
	v40 =	vor.u32 v40, v21;
	v41 =	vand.u32 $0x3F, v41  }
0x243: {  	s23 =	sadd.s32 $0xFFFFFFF9, s22;
	s24 =	sadd.s32 $0xFFFFFFFD, s22;
	s25 =	sadd.s32 $0xFFFFFFFE, s22;
	v42 =	vand.u32 $0x3F, v42;
	v34 =	vld.idx.msk [tilespmem:v34+s11+$0x0], $0xffff;
	v41 =	vor.u32 v41, v21  }
0x244: {  	s26 =	sadd.s32 $0xFFFFFFF5, s22;
	s28 =	sadd.s32 $0xFFFFFFFB, s22;
	v43 =	vadd.s32 s23, v2;
	s23 =	sadd.s32 $0xFFFFFFFA, s22;
	v44 =	vadd.s32 s24, v2;
	v45 =	vadd.s32 s25, v2;
	v35 =	vld.idx.msk [tilespmem:v35+s11+$0x0], $0xffff  }
0x245: {  	v46 =	vadd.s32 s26, v2;
	s24 =	sadd.s32 $0xFFFFFFF6, s22;
	v48 =	vadd.s32 s28, v2;
	v47 =	vadd.s32 s23, v2;
	v36 =	vld.idx.msk [tilespmem:v36+s11+$0x0], $0xffff  }
0x246: {  	v49 =	vadd.s32 s24, v2;
	v44 =	vand.u32 $0x3F, v44;
	v42 =	vor.u32 v42, v21;
	v39 =	vld.idx.msk [tilespmem:v39+s11+$0x0], $0xffff  }
0x247: {  	v43 =	vand.u32 $0x3F, v43;
	v45 =	vand.u32 $0x3F, v45;
	v22 =	vmin.f32 v22, v38;
	v38 =	vld.idx.msk [tilespmem:v40+s11+$0x0], $0xffff  }
0x248: {  	v40 =	vand.u32 $0x3F, v47;
	v47 =	vand.u32 $0x3F, v48;
	v22 =	vmin.f32 v22, v33;
	v33 =	vld.idx.msk [tilespmem:v41+s11+$0x0], $0xffff  }
0x249: {  	v41 =	vor.u32 v44, v21;
	v44 =	vor.u32 v45, v21;
	v22 =	vmin.f32 v22, v30  }
0x24a: {  	v30 =	vor.u32 v43, v21;
	v40 =	vor.u32 v40, v21;
	v22 =	vmin.f32 v22, v25  }
0x24b: {  	v25 =	vmin.f32 v27, v34;
	v27 =	vmin.f32 v28, v35;
	v28 =	vmin.f32 v29, v36  }
0x24c: {  	v25 =	vmin.f32 v25, v32;
	v27 =	vmin.f32 v27, v37;
	v28 =	vmin.f32 v28, v39  }
0x24d: {  	v25 =	vmin.f32 v25, v26;
	v26 =	vmin.f32 v27, v31;
	v29 =	vmin.f32 v28, v38  }
0x24e: {  	s23 =	sadd.s32 $0xFFFFFFF1, s22;
	v27 =	vmin.f32 v25, v23;
	v28 =	vmin.f32 v26, v33;
	v29 =	vmin.f32 v29, v24  }
0x24f: {  	v31 =	vor.u32 v47, v21;
	v23 =	vor.u32 s23, v11;
	v25 =	vand.u32 $0x3F, v46;
	v24 =	vld.idx.msk [tilespmem:v42+s11+$0x0], $0xffff  }
0x250: {  	s23 =	sadd.s32 $0xFFFFFFF7, s22;
	v26 =	vbroadcast v23, $0x0;
	v32 =	vor.u32 v25, v21;
	v23 =	vand.u32 $0x3F, v49;
	v25 =	vld.idx.msk [tilespmem:v41+s11+$0x0], $0xffff  }
0x251: {  	s21 =	sadd.s32 $0x4, s21;
	s24 =	sadd.s32 $0xFFFFFFF2, s22;
	v33 =	vadd.s32 s23, v2;
	v38 =	vor.u32 v23, v21;
	v23 =	vld.idx.msk [tilespmem:v44+s11+$0x0], $0xffff  }
0x252: {  	p0 =	slt.u32 s21, $0xC;
	s23 =	sadd.s32 $0xFFFFFFF3, s22;
	v33 =	vand.u32 $0x3F, v33;
	v39 =	vor.u32 v6, v26;
	v26 =	vadd.s32 s24, v2;
	v30 =	vld.idx.msk [tilespmem:v30+s11+$0x0], $0xffff  }
.Ltmp23:
0x253: {  	v35 =	vadd.s32 s23, v2;
	s23 =	sadd.s32 $0xFFFFFFF4, s22;
	v37 =	vor.u32 v33, v21;
	v34 =	vand.u32 $0x3F, v26;
	v26 =	vld.idx.msk [tilespmem:v40+s11+$0x0], $0xffff;
	(pc) =	sbr.rel @p0 .LBB2_30-.Ltmp23, $4  }
0x254: {  	v33 =	vand.u32 $0x3F, v35;
	v36 =	vadd.s32 s23, v2;
	s23 =	sadd.s32 $0xFFFFFFF8, s22;
	v34 =	vor.u32 v34, v21;
	v31 =	vld.idx.msk [tilespmem:v31+s11+$0x0], $0xffff  }
0x255: {  	v35 =	vor.u32 v33, v21;
	v36 =	vand.u32 $0x3F, v36;
	v40 =	vadd.s32 s23, v2;
	s23 =	sadd.s32 $0xFFFFFFFC, s22;
	v33 =	vld.idx.msk [tilespmem:v32+s11+$0x0], $0xffff  }
0x256: {  	v36 =	vor.u32 v36, v21;
	v40 =	vand.u32 $0x3F, v40;
	v41 =	vadd.s32 s23, v2;
	s23 =	sadd.s32 $0xFFFFFFFF, s22;
	v32 =	vld.idx.msk [tilespmem:v38+s11+$0x0], $0xffff  }
0x257: {  	s22 =	sadd.s32 $0x10, s22;
	v38 =	vld.idx.msk [tilespmem:v39+s11+$0x0], $0xffff;
	v39 =	vor.u32 v40, v21;
	v40 =	vand.u32 $0x3F, v41;
	v41 =	vadd.s32 s23, v2  }
0x258: {  	_ =	sdelay $0x2  }
0x259: {  	v41 =	vand.u32 $0x3F, v41  }
0x25a: {  	v40 =	vor.u32 v40, v21;
	v34 =	vld.idx.msk [tilespmem:v34+s11+$0x0], $0xffff;
	v21 =	vor.u32 v41, v21  }
0x25b: {  	v36 =	vld.idx.msk [tilespmem:v36+s11+$0x0], $0xffff  }
0x25c: {  	v35 =	vld.idx.msk [tilespmem:v35+s11+$0x0], $0xffff;
	s30 =	simm.s32 $0xA  }
0x25d: {  	v39 =	vld.idx.msk [tilespmem:v39+s11+$0x0], $0xffff;
	v13 =	vor.u32 v7, v13;
	s31 =	simm.s32 $0x5;
	s26 =	simm.s32 $0x2;
	v54 =	vadd.s32 s30, v2;
	v22 =	vmin.f32 v22, v38  }
0x25e: {  	v37 =	vld.idx.msk [tilespmem:v37+s11+$0x0], $0xffff;
	v55 =	vadd.s32 s31, v2;
	v61 =	vadd.s32 s26, v2;
	s31 =	simm.s32 $0xE;
	v22 =	vmin.f32 v22, v33  }
0x25f: {  	s23 =	simm.s32 $0xD;
	s24 =	simm.s32 $0x4;
	v44 =	vadd.s32 s31, v2;
	v53 =	vld.idx.msk [tilespmem:v21+s11+$0x0], $0xffff;
	v21 =	vmin.f32 v22, v30;
	v22 =	vmin.f32 v27, v34  }
0x260: {  	v27 =	vmin.f32 v29, v36;
	v29 =	vadd.s32 s23, v2;
	v30 =	vadd.s32 s24, v2  }
0x261: {  	s22 =	simm.s32 $0xC;
	v21 =	vmin.f32 v21, v25;
	v25 =	vmin.f32 v28, v35;
	v22 =	vmin.f32 v22, v32  }
0x262: {  	v52 =	vld.idx.msk [tilespmem:v40+s11+$0x0], $0xffff;
	s24 =	simm.s32 $0x6;
	v27 =	vmin.f32 v27, v39;
	v28 =	vadd.s32 s22, v2;
	v29 =	vand.u32 $0x3F, v29  }
0x263: {  	v32 =	vand.u32 $0x3F, v54;
	v30 =	vand.u32 $0x3F, v30;
	v59 =	vadd.s32 s24, v2  }
0x264: {  	v25 =	vmin.f32 v25, v37;
	v22 =	vmin.f32 v22, v26;
	v28 =	vand.u32 $0x3F, v28  }
0x265: {  	s29 =	simm.s32 $0x9;
	v29 =	vor.u32 v29, v13;
	v32 =	vor.u32 v32, v13;
	v30 =	vor.u32 v30, v13  }
0x266: {  	v33 =	vand.u32 $0x3F, v59;
	v25 =	vmin.f32 v25, v31;
	v31 =	vadd.s32 s29, v2  }
0x267: {  	s28 =	simm.s32 $0x8;
	v28 =	vor.u32 v28, v13;
	v40 =	vor.u32 v33, v13;
	v26 =	vmin.f32 v27, v52  }
0x268: {  	s21 =	simm.s32 $0xF;
	v27 =	vadd.s32 s28, v2;
	v31 =	vand.u32 $0x3F, v31;
	v24 =	vmin.f32 v26, v24  }
0x269: {  	s23 =	simm.s32 $0x0;
	v26 =	vadd.s32 s21, v2;
	v27 =	vand.u32 $0x3F, v27;
	v31 =	vor.u32 v31, v13  }
0x26a: {  	v26 =	vand.u32 $0x3F, v26;
	v56 =	vor.u32 v27, v13;
	v27 =	vor.u32 s23, v11;
	v33 =	vld.idx.msk [tilespmem:v32+s11+$0x0], $0xffff  }
0x26b: {  	s29 =	simm.s32 $0x7;
	v26 =	vor.u32 v26, v13;
	v57 =	vbroadcast v27, $0x0;
	v27 =	vand.u32 $0x3F, v55;
	v36 =	vld.idx.msk [tilespmem:v30+s11+$0x0], $0xffff  }
0x26c: {  	s25 =	simm.s32 $0x1;
	v22 =	vmin.f32 v22, v23;
	v63 =	vadd.s32 s29, v2;
	v28 =	vld.idx.msk [tilespmem:v28+s11+$0x0], $0xffff;
	v58 =	vor.u32 v27, v13  }
0x26d: {  	s28 =	simm.s32 $0x3;
	v23 =	vmin.f32 v25, v53;
	v27 =	vld.idx.msk [tilespmem:v29+s11+$0x0], $0xffff;
	v29 =	vadd.s32 s25, v2;
	v45 =	vor.u32 v8, v57  }
0x26e: {  	v25 =	vimm.f32 $+Inf;
	v62 =	vadd.s32 s28, v2;
	v60 =	vand.u32 $0x3F, v29;
	v29 =	vld.idx.msk [tilespmem:v31+s11+$0x0], $0xffff  }
0x26f: {  	v30 =	vand.u32 $0x3F, v63;
	v37 =	vor.u32 v60, v13;
	v31 =	vand.u32 $0x3F, v61;
	v34 =	vld.idx.msk [tilespmem:v56+s11+$0x0], $0xffff  }
0x270: {  	s30 =	simm.s32 $0xB;
	v32 =	vimm.f32 $+Inf;
	v38 =	vor.u32 v31, v13;
	v31 =	vand.u32 $0x3F, v62;
	v26 =	vld.idx.msk [tilespmem:v26+s11+$0x0], $0xffff  }
0x271: {  	v42 =	vor.u32 v30, v13;
	v39 =	vor.u32 v31, v13;
	v31 =	vadd.s32 s30, v2;
	v35 =	vld.idx.msk [tilespmem:v58+s11+$0x0], $0xffff  }
0x272: {  	s22 =	simm.s32 $0x1F;
	s21 =	simm.s32 $0x0;
	v30 =	vimm.f32 $+Inf;
	v43 =	vand.u32 $0x3F, v31;
	v31 =	vimm.f32 $+Inf;
	v41 =	vld.idx.msk [tilespmem:v45+s11+$0x0], $0xffff  }
.LBB2_32:
0x273: {  	v45 =	vadd.s32 s22, v2;
	v40 =	vld.idx.msk [tilespmem:v40+s11+$0x0], $0xffff;
	v43 =	vor.u32 v43, v13;
	v44 =	vand.u32 $0x3F, v44  }
0x274: {  	s23 =	sadd.s32 $0xFFFFFFF9, s22;
	s24 =	sadd.s32 $0xFFFFFFFD, s22;
	s25 =	sadd.s32 $0xFFFFFFFE, s22;
	v45 =	vand.u32 $0x3F, v45;
	v37 =	vld.idx.msk [tilespmem:v37+s11+$0x0], $0xffff;
	v44 =	vor.u32 v44, v13  }
0x275: {  	s26 =	sadd.s32 $0xFFFFFFF5, s22;
	s28 =	sadd.s32 $0xFFFFFFFB, s22;
	v46 =	vadd.s32 s23, v2;
	s23 =	sadd.s32 $0xFFFFFFFA, s22;
	v47 =	vadd.s32 s24, v2;
	v48 =	vadd.s32 s25, v2;
	v38 =	vld.idx.msk [tilespmem:v38+s11+$0x0], $0xffff  }
0x276: {  	v49 =	vadd.s32 s26, v2;
	s24 =	sadd.s32 $0xFFFFFFF6, s22;
	v51 =	vadd.s32 s28, v2;
	v50 =	vadd.s32 s23, v2;
	v39 =	vld.idx.msk [tilespmem:v39+s11+$0x0], $0xffff  }
0x277: {  	v52 =	vadd.s32 s24, v2;
	v47 =	vand.u32 $0x3F, v47;
	v45 =	vor.u32 v45, v13;
	v42 =	vld.idx.msk [tilespmem:v42+s11+$0x0], $0xffff  }
0x278: {  	v46 =	vand.u32 $0x3F, v46;
	v48 =	vand.u32 $0x3F, v48;
	v25 =	vmin.f32 v25, v41;
	v41 =	vld.idx.msk [tilespmem:v43+s11+$0x0], $0xffff  }
0x279: {  	v43 =	vand.u32 $0x3F, v50;
	v50 =	vand.u32 $0x3F, v51;
	v25 =	vmin.f32 v25, v36;
	v36 =	vld.idx.msk [tilespmem:v44+s11+$0x0], $0xffff  }
0x27a: {  	v44 =	vor.u32 v47, v13;
	v47 =	vor.u32 v48, v13;
	v25 =	vmin.f32 v25, v34  }
0x27b: {  	v34 =	vor.u32 v46, v13;
	v43 =	vor.u32 v43, v13;
	v25 =	vmin.f32 v25, v28  }
0x27c: {  	v28 =	vmin.f32 v30, v37;
	v30 =	vmin.f32 v31, v38;
	v31 =	vmin.f32 v32, v39  }
0x27d: {  	v28 =	vmin.f32 v28, v35;
	v30 =	vmin.f32 v30, v40;
	v31 =	vmin.f32 v31, v42  }
0x27e: {  	v28 =	vmin.f32 v28, v29;
	v29 =	vmin.f32 v30, v33;
	v32 =	vmin.f32 v31, v41  }
0x27f: {  	s23 =	sadd.s32 $0xFFFFFFF1, s22;
	v30 =	vmin.f32 v28, v27;
	v31 =	vmin.f32 v29, v36;
	v32 =	vmin.f32 v32, v26  }
0x280: {  	v33 =	vor.u32 v50, v13;
	v27 =	vor.u32 s23, v11;
	v28 =	vand.u32 $0x3F, v49;
	v26 =	vld.idx.msk [tilespmem:v45+s11+$0x0], $0xffff  }
0x281: {  	s23 =	sadd.s32 $0xFFFFFFF7, s22;
	v29 =	vbroadcast v27, $0x0;
	v35 =	vor.u32 v28, v13;
	v27 =	vand.u32 $0x3F, v52;
	v28 =	vld.idx.msk [tilespmem:v44+s11+$0x0], $0xffff  }
0x282: {  	s21 =	sadd.s32 $0x4, s21;
	s24 =	sadd.s32 $0xFFFFFFF2, s22;
	v36 =	vadd.s32 s23, v2;
	v41 =	vor.u32 v27, v13;
	v27 =	vld.idx.msk [tilespmem:v47+s11+$0x0], $0xffff  }
0x283: {  	p0 =	slt.u32 s21, $0xC;
	s23 =	sadd.s32 $0xFFFFFFF3, s22;
	v36 =	vand.u32 $0x3F, v36;
	v42 =	vor.u32 v8, v29;
	v29 =	vadd.s32 s24, v2;
	v34 =	vld.idx.msk [tilespmem:v34+s11+$0x0], $0xffff  }
.Ltmp24:
0x284: {  	v38 =	vadd.s32 s23, v2;
	s23 =	sadd.s32 $0xFFFFFFF4, s22;
	v40 =	vor.u32 v36, v13;
	v37 =	vand.u32 $0x3F, v29;
	v29 =	vld.idx.msk [tilespmem:v43+s11+$0x0], $0xffff;
	(pc) =	sbr.rel @p0 .LBB2_32-.Ltmp24, $4  }
0x285: {  	v36 =	vand.u32 $0x3F, v38;
	v39 =	vadd.s32 s23, v2;
	s23 =	sadd.s32 $0xFFFFFFF8, s22;
	v37 =	vor.u32 v37, v13;
	v33 =	vld.idx.msk [tilespmem:v33+s11+$0x0], $0xffff  }
0x286: {  	v38 =	vor.u32 v36, v13;
	v39 =	vand.u32 $0x3F, v39;
	v43 =	vadd.s32 s23, v2;
	s23 =	sadd.s32 $0xFFFFFFFC, s22;
	v36 =	vld.idx.msk [tilespmem:v35+s11+$0x0], $0xffff  }
0x287: {  	v39 =	vor.u32 v39, v13;
	v43 =	vand.u32 $0x3F, v43;
	v44 =	vadd.s32 s23, v2;
	s23 =	sadd.s32 $0xFFFFFFFF, s22;
	v35 =	vld.idx.msk [tilespmem:v41+s11+$0x0], $0xffff  }
0x288: {  	s22 =	sadd.s32 $0x10, s22;
	v41 =	vld.idx.msk [tilespmem:v42+s11+$0x0], $0xffff;
	v42 =	vor.u32 v43, v13;
	v43 =	vand.u32 $0x3F, v44;
	v44 =	vadd.s32 s23, v2  }
0x289: {  	_ =	sdelay $0x3  }
0x28a: {  	v11 =	vld.idx.msk [tilespmem:v40+s11+$0x0], $0xffff;
	v45 =	vor.u32 v43, v13;
	v46 =	vand.u32 $0x3F, v44  }
0x28b: {  	v37 =	vld.idx.msk [tilespmem:v37+s11+$0x0], $0xffff;
	v47 =	vor.u32 v46, v13  }
0x28c: {  	v38 =	vld.idx.msk [tilespmem:v38+s11+$0x0], $0xffff  }
0x28d: {  	v39 =	vld.idx.msk [tilespmem:v39+s11+$0x0], $0xffff  }
0x28e: {  	v42 =	vld.idx.msk [tilespmem:v42+s11+$0x0], $0xffff;
	v12 =	vmin.f32 v12, v14  }
0x28f: {  	v53 =	vmin.f32 v15, v16;
	v55 =	vmin.f32 v17, v18;
	v56 =	vmin.f32 v19, v20;
	v40 =	vld.idx.msk [tilespmem:v45+s11+$0x0], $0xffff  }
0x290: {  	v57 =	vmin.f32 v21, v22;
	v58 =	vmin.f32 v23, v24;
	v25 =	vmin.f32 v25, v41;
	v13 =	vld.idx.msk [tilespmem:v47+s11+$0x0], $0xffff  }
0x291: {  	v25 =	vmin.f32 v25, v36;
	v48 =	vmin.f32 v30, v37;
	v49 =	vmin.f32 v31, v38  }
0x292: {  	v50 =	vmin.f32 v32, v39;
	v25 =	vmin.f32 v25, v34;
	v11 =	vmin.f32 v49, v11  }
0x293: {  	v51 =	vmin.f32 v50, v42;
	v25 =	vmin.f32 v25, v28;
	v28 =	vmin.f32 v48, v35  }
0x294: {  	v11 =	vmin.f32 v11, v33;
	v28 =	vmin.f32 v28, v29;
	v52 =	vmin.f32 v51, v40  }
0x295: {  	v27 =	vmin.f32 v28, v27;
	v11 =	vmin.f32 v11, v13;
	v54 =	vmin.f32 v52, v26  }
0x296: {  	v12 =	vmin.f32 v12, v53;
	v59 =	vmin.f32 v25, v27;
	v11 =	vmin.f32 v11, v54  }
0x297: {  	v14 =	vmin.f32 v57, v58;
	v13 =	vmin.f32 v55, v56;
	v15 =	vmin.f32 v59, v11  }
0x298: {  	v11 =	vmin.f32 v12, v13;
	v16 =	vmin.f32 v14, v15  }
0x299: {  	v11 =	vmin.f32 v11, v16  }
0x29a: {  	(xrf1) =	vsort.ascd.msk.f32 $0xffff, v11, v2;
	_ =	sdelay $0xd  }
0x29b: {  	v11, _, _ =	vpop (xrf1)  }
0x29c: {  	v11 =	vnsel vm0, $0xFF800000, v11  }
0x29d: {  	(xrf0) =	vmax.scan.msk.f32 $0xffff, v11;
	_ =	sdelay $0x5  }
0x29e: {  	v11, _, _ =	vpop (xrf0)  }
0x29f: {  	v11 =	vbroadcast v11, $0xF;
	_ =	sdelay $0x1  }
0x2a0: {  	vm1 =	vle.f32 v12, v11  }
0x2a1: {  	v60 =	vmpcnt.ones.xlane vm1;
	vm1 =	vle.f32 v13, v11  }
0x2a2: {  	v61 =	vmpcnt.ones.xlane vm1;
	vm1 =	vle.f32 v14, v11  }
0x2a3: {  	(v2sf) =	vpush v60, $0x0;
	v62 =	vmpcnt.ones.xlane vm1  }
0x2a4: {  	vm1 =	vle.f32 v15, v11;
	(v2sf) =	vpush v61, $0x0  }
0x2a5: {  	v63 =	vmpcnt.ones.xlane vm1;
	(v2sf) =	vpush v62, $0x0;
	_ =	sdelay $0x1  }
0x2a6: {  	(v2sf) =	vpush v63, $0x0;
	_ =	sdelay $0xa  }
0x2a7: {  	s22 =	spop (v2sf)  }
0x2a8: {  	s21 =	spop (v2sf)  }
0x2a9: {  	p0 =	slt.s32 s22, $0x1;
	s23 =	spop (v2sf)  }
0x2aa: {  	s25 =	simm.s32 @!p0 $0x12100;
	p1 =	slt.s32 s21, $0x1;
	vm1 =	vle.f32 @!p0 v12, v11;
	v12 =	vlaneseq.u32 @!p0;
	s26 =	sadd.s32 s22, s21  }
0x2ab: {  	v16 =	vlaneseq.u32 @!p1;
	s24 =	spop (v2sf);
	[tilespmem:s25+$0x0] =	vst.msk @!p0 vm1, v12;
	s25 =	sadd.s32 s26, s23  }
0x2ac: {  	vm1 =	vle.f32 @!p1 v13, v11;
	v12 =	vor.u32 @!p1 $0x10, v16;
	s28 =	sadd.s32 s25, s24  }
0x2ad: {  	[tilespmem:s22+$0x12100] =	vst.msk @!p1 vm1, v12;
	p1 =	slt.s32 s28, $0x1  }
.Ltmp25:
0x2ae: {  	p2 =	slt.s32 s23, $0x1;
	(pc) =	sbr.rel @p1 .LBB2_34-.Ltmp25, $4  }
0x2af: {  	v13 =	vlaneseq.u32 @!p2;
	p0 =	slt.s32 s24, $0x1  }
0x2b0: {  	vm1 =	vle.f32 @!p2 v14, v11;
	v12 =	vor.u32 @!p2 $0x20, v13;
	v13 =	vlaneseq.u32 @!p0  }
0x2b1: {  	[tilespmem:s26+$0x12100] =	vst.msk @!p2 vm1, v12;
	vm1 =	vle.f32 @!p0 v15, v11;
	v12 =	vor.u32 @!p0 $0x30, v13  }
0x2b2: {  	[tilespmem:s25+$0x12100] =	vst.msk @!p0 vm1, v12  }
0x2b3: {  	s25 =	simm.s32 $0x0  }
0x2b4: {  	v12 =	vmov s25;
	_ =	sdelay $0x4  }
0x2b5: {  	v12 =	vld.idx.msk [tilespmem:v12+s12+$0x0], $0xffff;
	_ =	sdelay $0x4  }
0x2b6: {  	(v2sf) =	vpush v12, $0x0;
	_ =	sdelay $0xc  }
0x2b7: {  	s26 =	sshll.u32 s20, $0x7  }
0x2b8: {  	v12 =	vmov s26  }
0x2b9: {  	s31 =	spop (v2sf)  }
0x2ba: {  	s28 =	sshll.u32 s31, $0x6;
	s26 =	sshll.u32 s31, $0x9  }
0x2bb: {  	s29 =	sand.u32 $0x40, s28;
	s26 =	sand.u32 $0xFFFFFC00, s26  }
0x2bc: {  	s26 =	sor.u32 s29, s26  }
0x2bd: {  	v15 =	vld.idx.msk [tilespmem:v12+s26+$0x8000 ss:$0x1], $0xffff;
	_ =	sdelay $0x4  }
0x2be: {  	vm4 =	vle.f32 v15, v11  }
0x2bf: {  	v14 =	vmpcnt.ones.xlane vm4;
	_ =	sdelay $0x1  }
0x2c0: {  	(v2sf) =	vpush v14, $0x0;
	_ =	sdelay $0x4  }
0x2c1: {  	v16 =	vld.idx.msk [tilespmem:v12+s26+$0x8010 ss:$0x1], $0xffff  }
0x2c2: {  	v13 =	vld.idx.msk [tilespmem:v12+s26+$0x8020 ss:$0x1], $0xffff  }
0x2c3: {  	v14 =	vld.idx.msk [tilespmem:v12+s26+$0x8030 ss:$0x1], $0xffff;
	_ =	sdelay $0x2  }
0x2c4: {  	vm3 =	vle.f32 v16, v11  }
0x2c5: {  	vm1 =	vle.f32 v13, v11;
	v17 =	vmpcnt.ones.xlane vm3  }
0x2c6: {  	v18 =	vmpcnt.ones.xlane vm1;
	vm2 =	vle.f32 v14, v11  }
0x2c7: {  	[tilespmem:s25+$0x10000] =	vst.msk vm4, v15;
	(v2sf) =	vpush v17, $0x0;
	v15 =	vmpcnt.ones.xlane vm2  }
0x2c8: {  	(v2sf) =	vpush v18, $0x0  }
0x2c9: {  	s29 =	spop (v2sf);
	(v2sf) =	vpush v15, $0x0;
	_ =	sdelay $0x5  }
0x2ca: {  	s22 =	sadd.s32 s23, s22  }
0x2cb: {  	s22 =	sadd.s32 s24, s22  }
0x2cc: {  	s21 =	sadd.s32 s21, s22  }
0x2cd: {  	p0 =	sne.s32 s21, $0x1  }
.Ltmp26:
0x2ce: {  	_ = 	snop;
	(pc) =	sbr.rel @!p0 .LBB2_37-.Ltmp26, $4  }
0x2cf: {  	_ = 	snop  }
0x2d0: {  	s22 =	simm.s32 $0x1;
	s23 =	sor.u32 $0x30, s28;
	v17 =	vor.u32 s28, v2  }
0x2d1: {  	s30 =	sor.u32 $0x10, s28;
	[tilespmem:s25+$0x11080] =	vst.msk vm4, v17;
	s24 =	sadd.s32 $0x0, s29;
	s31 =	spop (v2sf)  }
0x2d2: {  	s25 =	sor.u32 $0x20, s28;
	v15 =	vor.u32 s30, v2;
	[tilespmem:s24+$0x10000] =	vst.msk vm3, v16;
	s26 =	sadd.s32 s31, s24;
	s28 =	spop (v2sf)  }
.LBB2_36:
0x2d3: {  	v16 =	vmov s22;
	s22 =	sadd.s32 $0x1, s22;
	[tilespmem:s24+$0x11080] =	vst.msk vm3, v15;
	s28 =	sadd.s32 s28, s26;
	s24 =	spop (v2sf)  }
0x2d4: {  	p0 =	sne.s32 s21, s22;
	[tilespmem:s26+$0x10000] =	vst.msk vm1, v13;
	v13 =	vor.u32 s25, v2;
	s24 =	sadd.s32 s24, s28  }
0x2d5: {  	[tilespmem:s26+$0x11080] =	vst.msk vm1, v13  }
0x2d6: {  	v13 =	vor.u32 s23, v2;
	[tilespmem:s28+$0x10000] =	vst.msk vm2, v14  }
0x2d7: {  	[tilespmem:s28+$0x11080] =	vst.msk vm2, v13  }
0x2d8: {  	v13 =	vld.idx.msk [tilespmem:v16+s12+$0x0], $0xffff;
	_ =	sdelay $0x5  }
0x2d9: {  	(v2sf) =	vpush v13, $0x0;
	_ =	sdelay $0xe  }
0x2da: {  	s23 =	spop (v2sf)  }
0x2db: {  	s25 =	sshll.u32 s23, $0x6;
	s23 =	sshll.u32 s23, $0x9  }
0x2dc: {  	s26 =	sand.u32 $0x40, s25;
	s28 =	sand.u32 $0xFFFFFC00, s23;
	v15 =	vor.u32 s25, v2;
	s23 =	sor.u32 $0x30, s25  }
0x2dd: {  	s26 =	sor.u32 s26, s28;
	s28 =	sor.u32 $0x10, s25;
	s25 =	sor.u32 $0x20, s25  }
0x2de: {  	v16 =	vld.idx.msk [tilespmem:v12+s26+$0x8000 ss:$0x1], $0xffff  }
0x2df: {  	v17 =	vld.idx.msk [tilespmem:v12+s26+$0x8010 ss:$0x1], $0xffff  }
0x2e0: {  	v13 =	vld.idx.msk [tilespmem:v12+s26+$0x8020 ss:$0x1], $0xffff  }
0x2e1: {  	v14 =	vld.idx.msk [tilespmem:v12+s26+$0x8030 ss:$0x1], $0xffff;
	_ =	sdelay $0x2  }
0x2e2: {  	vm2 =	vle.f32 v16, v11  }
0x2e3: {  	vm3 =	vle.f32 v17, v11;
	v18 =	vmpcnt.ones.xlane vm2;
	[tilespmem:s24+$0x10000] =	vst.msk vm2, v16  }
0x2e4: {  	vm1 =	vle.f32 v13, v11;
	v16 =	vmpcnt.ones.xlane vm3;
	[tilespmem:s24+$0x11080] =	vst.msk vm2, v15  }
0x2e5: {  	vm2 =	vle.f32 v14, v11;
	v15 =	vmpcnt.ones.xlane vm1;
	(v2sf) =	vpush v18, $0x0  }
0x2e6: {  	v18 =	vmpcnt.ones.xlane vm2;
	(v2sf) =	vpush v16, $0x0  }
0x2e7: {  	(v2sf) =	vpush v15, $0x0  }
0x2e8: {  	(v2sf) =	vpush v18, $0x0;
	_ =	sdelay $0x9  }
.Ltmp27:
0x2e9: {  	(pc) =	sbr.rel @p0 .LBB2_36-.Ltmp27, $4  }
0x2ea: {  	_ = 	snop  }
0x2eb: {  	s26 =	spop (v2sf)  }
0x2ec: {  	s24 =	sadd.s32 s24, s26;
	s26 =	spop (v2sf)  }
0x2ed: {  	v15 =	vor.u32 s28, v2;
	[tilespmem:s24+$0x10000] =	vst.msk vm3, v17;
	s26 =	sadd.s32 s26, s24;
	s28 =	spop (v2sf)  }
.LBB2_37:
.Ltmp28:
0x2ee: {  	[tilespmem:s24+$0x11080] =	vst.msk vm3, v15;
	(pc) =	sbr.rel .LBB2_38-.Ltmp28, $4  }
0x2ef: {  	v11 =	vor.u32 s25, v2;
	[tilespmem:s26+$0x10000] =	vst.msk vm1, v13  }
0x2f0: {  	s22 =	sadd.s32 s28, s26;
	[tilespmem:s26+$0x11080] =	vst.msk vm1, v11  }
0x2f1: {  	s21 =	spop (v2sf);
	v11 =	vor.u32 s23, v2;
	[tilespmem:s22+$0x10000] =	vst.msk vm2, v14  }
0x2f2: {  	s21 =	sadd.s32 s21, s22;
	[tilespmem:s22+$0x11080] =	vst.msk vm2, v11  }
.LBB2_34:
0x2f3: {  	s21 =	simm.s32 $0x0  }
.LBB2_38:
0x2f4: {  	[tilespmem:s21+$0x10000] =	vst v9  }
0x2f5: {  	v11 =	vld [tilespmem:$0x10000]  }
0x2f6: {  	v12 =	vld [tilespmem:$0x11080];
	_ =	sdelay $0x4  }
0x2f7: {  	(xrf1) =	vsort.ascd.msk.f32 $0xffff, v11, v12;
	_ =	sdelay $0x1  }
0x2f8: {  	s30 =	sadd.s32 $0xF, s21  }
0x2f9: {  	s22 =	sand.u32 $0xF, s30  }
0x2fa: {  	s31 =	sshra.s32 s30, $0x1F;
	p1 =	slt.s32 s30, $0x1;
	p0 =	sne.s32 s22, $0x0  }
0x2fb: {  	s22 =	sshrl.u32 s31, $0x1C;
	p0 =	por !p1, !p0  }
0x2fc: {  	s21 =	sadd.s32 s22, s30;
	s22 =	simm.s32 $0x1;
	p0 =	por !p0, !p0  }
0x2fd: {  	s21 =	sshra.s32 s21, $0x4;
	s22 =	simm.s32 @!p0 $0x0  }
0x2fe: {  	s22 =	ssub.s32 s21, s22  }
0x2ff: {  	p1 =	slt.s32 s22, $0x2  }
.Ltmp29:
0x300: {  	_ = 	snop;
	(pc) =	sbr.rel @p1 .LBB2_44-.Ltmp29, $2  }
0x301: {  	_ =	sdelay $0x2  }
0x302: {  	v12, v11, _ =	vpop (xrf1)  }
0x303: {  	s22 =	simm.s32 $0xFFFFFFFF  }
0x304: {  	s22 =	simm.s32 @!p0 $0x0  }
0x305: {  	s21 =	sadd.s32 s22, s21  }
0x306: {  	s21 =	sadd.s32 $0xFFFFFFFF, s21  }
0x307: {  	p1 =	sne.s32 s21, $0x1  }
.Ltmp30:
0x308: {  	_ = 	snop;
	(pc) =	sbr.rel @!p1 .LBB2_40-.Ltmp30, $4  }
0x309: {  	_ = 	snop  }
0x30a: {  	s31 =	simm.s32 $0x10010  }
0x30b: {  	s23 =	simm.s32 $0x11090;
	v13 =	vld [tilespmem:s31+$0x0]  }
0x30c: {  	v14 =	vld [tilespmem:s23+$0x0];
	p0 =	por $0x0, $0x0;
	s23 =	sadd.s32 $0xFFFFFFFF, s21  }
0x30d: {  	_ =	sdelay $0x3  }
0x30e: {  	(xrf1) =	vsort.ascd.msk.f32 $0xffff, v13, v14;
	_ =	sdelay $0x8  }
0x30f: {  	p1 =	sne.s32 s23, $0x1  }
.Ltmp31:
0x310: {  	_ = 	snop;
	(pc) =	sbr.rel @!p1 .LBB2_43-.Ltmp31, $4  }
0x311: {  	_ = 	snop  }
0x312: {  	s21 =	simm.s32 $0x10020  }
0x313: {  	s22 =	simm.s32 $0x110A0;
	v15 =	vperm.xlane v12, v10;
	v13 =	vld [tilespmem:s21+$0x0]  }
0x314: {  	s23 =	sadd.s32 $0xFFFFFFFF, s23;
	v16 =	vperm.xlane v11, v10;
	p0 =	por $0x1, $0x1;
	v14 =	vld [tilespmem:s22+$0x0];
	v17, v18, _ =	vpop (xrf1)  }
.LBB2_42:
0x315: {  	p1 =	sne.s32 s23, $0x1;
	vm1 =	vlt.f32 v17, v15  }
0x316: {  	v15 =	vsel vm1, v17, v15;
	v16 =	vsel vm1, v18, v16  }
0x317: {  	(xrf1) =	vsort.ascd.msk.f32 $0xffff, v15, v16;
	_ =	sdelay $0x1  }
0x318: {  	(xrf1) =	vsort.ascd.msk.f32 $0xffff, v13, v14;
	_ =	sdelay $0x9  }
.Ltmp32:
0x319: {  	(pc) =	sbr.rel @p1 .LBB2_42-.Ltmp32, $4  }
0x31a: {  	_ = 	snop  }
0x31b: {  	s21 =	sadd.s32 $0x10, s21;
	v14, v16, _ =	vpop (xrf1)  }
0x31c: {  	s22 =	sadd.s32 $0x10, s22;
	v13 =	vld [tilespmem:s21+$0x0];
	v15 =	vperm.xlane v14, v10  }
0x31d: {  	s23 =	sadd.s32 $0xFFFFFFFF, s23;
	v16 =	vperm.xlane v16, v10;
	v14 =	vld [tilespmem:s22+$0x0];
	v17, v18, _ =	vpop (xrf1)  }
.Ltmp33:
0x31e: {  	_ = 	snop;
	(pc) =	sbr.rel .LBB2_43-.Ltmp33, $1  }
0x31f: {  	_ =	sdelay $0x3  }
.LBB2_46:
0x320: {  	_ =	sfence.sel $0x180000  }
0x321: {  	[bflag:$0x0] =	sbarrier.arrive $0xFFFF  }
0x322: {  	p0 =	sne.s32 s1, $0x0;
	_ =	strace $0x90000047  }
0x323: {  	s0 =	sadd.s32 @!p0 $0x100000, s0;
	[bflag:$0x2] =	sbarrier.arrive $0xFFFF  }
0x324: {  	[sflag:s0] =	ssyncadd.tile.s32 @!p0 $0x1;
	_ =	shalt  }
.Lfunc_end2:
_tile_overlayer_lowered:
.L_overlay_start_2:
0x325: {  	(tag) =	ssettag $0x2  }
0x326: {  	s0 =	rddreg [dreg:$0x0];
	s2 =	stileid.u32  }
0x327: {  	s1 =	rddreg [dreg:$0x1];
	p0 =	sne.s32 s2, $0x0  }
0x328: {  	s3 =	rddreg [dreg:$0x2];
	[bflag:$0x3] =	sbarrier.arrive $0xFFFF;
	s2 =	simm.s32 @!p0 $0x1C03  }
0x329: {  	[timem:s3], [sflag:s2] =	dma.local @!p0 [hbm:s0], s1  }
0x32a: {  	s0 =	simm.s32 @!p0 $0x3  }
0x32b: {  	_ =	swait.ge @!p0 [sflag:s0], s1  }
0x32c: {  	s1 =	ssub.s32 @!p0 $0x0, s1;
	[sflag:s0] =	ssyncset.done @!p0 $0x0  }
0x32d: {  	[sflag:s0] =	ssyncadd.s32 @!p0 s1  }
0x32e: {  	[bflag:$0x3] =	sbarrier.arrive $0xFFFF  }
0x32f: {  	_ =	shalt  }

</sc_bundles>
